<compile_context>
chip_gen: v7x
topology: tpu7x:2x2x1
jax: 0.10.2.dev20260603
libtpu: 0.0.44.dev20260713+nightly
codegen_flags: <defaults>
</compile_context>

<pallas_src>
import functools

import jax
import jax.numpy as jnp
from jax import lax
from jax.experimental import pallas as pl
from jax.experimental.pallas import tpu as pltpu
from jax.experimental.pallas import tpu_sc as plsc

_info = plsc.get_sparse_core_info()
_NC, _NS, _L = _info.num_cores, _info.num_subcores, _info.num_lanes
_NW = _NC * _NS

_TEX_H = 72
_TEX_W = 128
_LANE = 128
_SUB = 8
_SS = 4


def _make_sc_kernel(batch, h, w):
    n_points = batch * h * w
    slabs = _NW // batch
    rows = h // slabs
    cblk = w // _LANE
    grp = _LANE // _L
    chunk = rows * w
    mesh = plsc.VectorSubcoreMesh(core_axis_name="c", subcore_axis_name="s")

    @functools.partial(
        pl.kernel,
        mesh=mesh,
        out_type=jax.ShapeDtypeStruct((n_points,), jnp.float32),
        scratch_types=[
            pltpu.VMEM((2 * chunk // _SS,), jnp.float32),
            pltpu.VMEM((2 * chunk // _SS,), jnp.float32),
            pltpu.VMEM((_TEX_H * _TEX_W,), jnp.float32),
            pltpu.VMEM((chunk,), jnp.float32),
            pltpu.SemaphoreType.DMA,
            pltpu.SemaphoreType.DMA,
            pltpu.SemaphoreType.DMA,
        ],
        compiler_params=pltpu.CompilerParams(needs_layout_passes=False),
    )
    def sc_kernel(x_hbm, tex_hbm, out_hbm, xb0, xb1, texv, outv, se0, se1, seo):
        wid = lax.axis_index("s") * _NC + lax.axis_index("c")
        base = wid * chunk
        sgrp = rows * cblk * grp // _SS
        sx = 2 * chunk // _SS
        sow = chunk // _SS
        srows = rows // _SS
        xbufs, xsems = (xb0, xb1), (se0, se1)
        in_h = [
            pltpu.async_copy(x_hbm.at[pl.ds(2 * base, sx)], xb0, se0),
            pltpu.async_copy(x_hbm.at[pl.ds(2 * base + sx, sx)], xb1, se1),
        ]
        pltpu.sync_copy(tex_hbm, texv)

        out_h = []
        for s in range(_SS):
            xv = xbufs[s % 2]
            in_h[s % 2].wait()

            @plsc.parallel_loop(0, sgrp, unroll=8)
            def grp_body(g, s=s, xv=xv):
                rl = g >> 5
                r = s * srows + rl
                cb = (g >> 3) & (cblk - 1)
                k = g & (grp - 1)
                xb = rl * (2 * w) + cb * (2 * _LANE) + k * _L
                ob = (
                    (r >> 3) * (cblk * _SUB * _LANE)
                    + cb * (_SUB * _LANE)
                    + (r & 7) * _LANE
                    + k * _L
                )
                gx = xv[pl.ds(xb, _L)]
                gy = xv[pl.ds(xb + _LANE, _L)]
                ux = gx * 64.0 + 63.5
                uy = gy * 64.0 + 63.5
                jx = ux.astype(jnp.int32)
                jy = uy.astype(jnp.int32)
                fx = ux - jx.astype(jnp.float32)
                fy = uy - jy.astype(jnp.float32)
                f00 = (jy << 7) + jx - (63 * _TEX_W + 63)
                f10 = f00 + _TEX_W
                v00 = plsc.load_gather(texv, [f00])
                v01 = plsc.load_gather(texv, [f00 + 1])
                v10 = plsc.load_gather(texv, [f10])
                v11 = plsc.load_gather(texv, [f10 + 1])
                t0 = v00 + fx * (v01 - v00)
                t1 = v10 + fx * (v11 - v10)
                outv[pl.ds(ob, _L)] = t0 + fy * (t1 - t0)

            if s + 2 < _SS:
                in_h[s % 2] = pltpu.async_copy(
                    x_hbm.at[pl.ds(2 * base + (s + 2) * sx, sx)],
                    xbufs[s % 2],
                    xsems[s % 2],
                )
            out_h.append(
                pltpu.async_copy(
                    outv.at[pl.ds(s * sow, sow)],
                    out_hbm.at[pl.ds(base + s * sow, sow)],
                    seo,
                )
            )
        for hnd in out_h:
            hnd.wait()

    return sc_kernel


def kernel(x, layer1):
    batch, h, w, _ = x.shape
    xflat = (
        x.reshape(batch, h, w // _LANE, _LANE, 2)
        .transpose(0, 1, 2, 4, 3)
        .reshape(-1)
    )
    texp = jnp.pad(layer1[0, 0], ((1, _TEX_H - 65), (1, _TEX_W - 65)))
    out = _make_sc_kernel(batch, h, w)(xflat, texp.reshape(-1))
    return (
        out.reshape(batch, h // _SUB, w // _LANE, _SUB, _LANE)
        .transpose(0, 1, 3, 2, 4)
        .reshape(batch, 1, h, w)
    )

# --- scband reference (transcript-rebuilt; emitter-appended) ---
"""Pipeline reference for scband-single-layer-texture-25434796327115 (READ-ONLY COPY).

The authoritative reference and input builder live on the scoring server;
editing this copy changes nothing except your own understanding.
"""

import jax, jax.numpy as jnp
import numpy as np


def setup_inputs(seed: int = 0):
    key = jax.random.key(seed)
    k1, k2 = jax.random.split(key)
    x = jax.random.uniform(k1, (4, 512, 512, 2), dtype=jnp.float32)
    # torch init is zeros; use randn so the reference output/gradients are nontrivial
    layer1 = jax.random.normal(k2, (1, 1, 64, 64), dtype=jnp.float32)
    return {"x": x, "layer1": layer1}


def _grid_sample_bilinear_zeros(inp, grid):
    # Faithful to torch.nn.functional.grid_sample defaults:
    # mode='bilinear', padding_mode='zeros', align_corners=False
    N, C, H, W = inp.shape
    gx = grid[..., 0]
    gy = grid[..., 1]
    ix = ((gx + 1.0) * W - 1.0) / 2.0
    iy = ((gy + 1.0) * H - 1.0) / 2.0
    ix0 = jnp.floor(ix)
    iy0 = jnp.floor(iy)
    ix1 = ix0 + 1.0
    iy1 = iy0 + 1.0
    wx1 = ix - ix0
    wx0 = 1.0 - wx1
    wy1 = iy - iy0
    wy0 = 1.0 - wy1

    inp_flat = inp.reshape(N, C, H * W)

    def gather(ixx, iyy):
        valid = (ixx >= 0.0) & (ixx <= W - 1.0) & (iyy >= 0.0) & (iyy <= H - 1.0)
        ixc = jnp.clip(ixx, 0.0, W - 1.0).astype(jnp.int32)
        iyc = jnp.clip(iyy, 0.0, H - 1.0).astype(jnp.int32)
        flat = iyc * W + ixc  # [N, Ho, Wo]
        Ho, Wo = flat.shape[1], flat.shape[2]
        idx = jnp.broadcast_to(flat.reshape(N, 1, Ho * Wo), (N, C, Ho * Wo))
        vals = jnp.take_along_axis(inp_flat, idx, axis=2).reshape(N, C, Ho, Wo)
        return vals * valid[:, None, :, :].astype(inp.dtype)

    v00 = gather(ix0, iy0)
    v01 = gather(ix1, iy0)
    v10 = gather(ix0, iy1)
    v11 = gather(ix1, iy1)
    out = (v00 * (wx0 * wy0)[:, None, :, :]
           + v01 * (wx1 * wy0)[:, None, :, :]
           + v10 * (wx0 * wy1)[:, None, :, :]
           + v11 * (wx1 * wy1)[:, None, :, :])
    return out


def reference(x, layer1):
    batch = x.shape[0]
    grid = x * 2.0 - 1.0
    tex = jnp.broadcast_to(layer1, (batch,) + layer1.shape[1:])
    return _grid_sample_bilinear_zeros(tex, grid)

if __name__ == "__main__":
    import jax
    _d = setup_inputs()
    print(jax.jit(kernel)(*tuple(_d.values())))

</pallas_src>

<mosaic_0001>
#map = affine_map<(d0, d1) -> (0)>
module attributes {stable_mosaic.version = 14 : i64} {
  func.func @sc_kernel(%arg0: i32, %arg1: i32, %arg2: memref<2097152xf32, #tpu.memory_space<hbm>>, %arg3: memref<9216xf32, #tpu.memory_space<hbm>>, %arg4: memref<1048576xf32, #tpu.memory_space<hbm>>, %arg5: memref<16384xf32, #tpu.memory_space<vmem>>, %arg6: memref<16384xf32, #tpu.memory_space<vmem>>, %arg7: memref<9216xf32, #tpu.memory_space<vmem>>, %arg8: memref<32768xf32, #tpu.memory_space<vmem>>, %arg9: memref<!tpu.dma_semaphore, #tpu.memory_space<semaphore_mem>>, %arg10: memref<!tpu.dma_semaphore, #tpu.memory_space<semaphore_mem>>, %arg11: memref<!tpu.dma_semaphore, #tpu.memory_space<semaphore_mem>>) attributes {dimension_semantics = [#tpu.dimension_semantics<core_parallel>, #tpu.dimension_semantics<subcore_parallel>], iteration_bounds = array<i64: 2, 16>, scalar_prefetch = 0 : i64, scratch_operands = 7 : i64, tpu.core_type = #tpu.core_type<sc_vector_subcore>, window_params = [{transform_indices = #map}, {transform_indices = #map}, {transform_indices = #map}]} {
    %mul3A = arith.constant 2 : i32
    %mul3A_0 = arith.muli %arg1, %mul3A : i32
    %add3A = arith.addi %mul3A_0, %arg0 : i32
    %mul3A_1 = arith.constant 32768 : i32
    %mul3A_2 = arith.muli %add3A, %mul3A_1 : i32
    %mul3A_3 = arith.constant 2 : i32
    %mul3A_4 = arith.muli %mul3A_3, %mul3A_2 : i32
    %dma_start3A = tpu.memref_slice %arg2[%mul3A_4] : memref<2097152xf32, #tpu.memory_space<hbm>> -> memref<16384xf32, #tpu.memory_space<hbm>>
    %dma_start3A_5 = tpu.memref_slice %arg2[%mul3A_4] : memref<2097152xf32, #tpu.memory_space<hbm>> -> memref<16384xf32, #tpu.memory_space<hbm>>
    tpu.enqueue_dma source(%dma_start3A_5 : memref<16384xf32, #tpu.memory_space<hbm>>) target(%arg5 : memref<16384xf32, #tpu.memory_space<vmem>>) target_semaphore(%arg9 : memref<!tpu.dma_semaphore, #tpu.memory_space<semaphore_mem>>)
    %mul3A_6 = arith.constant 2 : i32
    %mul3A_7 = arith.muli %mul3A_6, %mul3A_2 : i32
    %add3A_8 = arith.constant 16384 : i32
    %add3A_9 = arith.addi %mul3A_7, %add3A_8 : i32
    %dma_start3A_10 = tpu.memref_slice %arg2[%add3A_9] : memref<2097152xf32, #tpu.memory_space<hbm>> -> memref<16384xf32, #tpu.memory_space<hbm>>
    %dma_start3A_11 = tpu.memref_slice %arg2[%add3A_9] : memref<2097152xf32, #tpu.memory_space<hbm>> -> memref<16384xf32, #tpu.memory_space<hbm>>
    tpu.enqueue_dma source(%dma_start3A_11 : memref<16384xf32, #tpu.memory_space<hbm>>) target(%arg6 : memref<16384xf32, #tpu.memory_space<vmem>>) target_semaphore(%arg10 : memref<!tpu.dma_semaphore, #tpu.memory_space<semaphore_mem>>)
    "tpu.region"() ({
      %run_scoped3A = tpu.sem_alloc : memref<!tpu.dma_semaphore, #tpu.memory_space<semaphore_mem>>
      tpu.enqueue_dma source(%arg3 : memref<9216xf32, #tpu.memory_space<hbm>>) target(%arg7 : memref<9216xf32, #tpu.memory_space<vmem>>) target_semaphore(%run_scoped3A : memref<!tpu.dma_semaphore, #tpu.memory_space<semaphore_mem>>)
      tpu.wait_dma2 semaphore(%run_scoped3A : memref<!tpu.dma_semaphore, #tpu.memory_space<semaphore_mem>>) src(%arg3 : memref<9216xf32, #tpu.memory_space<hbm>>) dst(%arg7 : memref<9216xf32, #tpu.memory_space<vmem>>)
      tpu.yield
    }) : () -> ()
    %dma_wait3A = tpu.memref_slice %arg2[%mul3A_4] : memref<2097152xf32, #tpu.memory_space<hbm>> -> memref<16384xf32, #tpu.memory_space<hbm>>
    %dma_wait3A_12 = tpu.memref_slice %arg2[%mul3A_4] : memref<2097152xf32, #tpu.memory_space<hbm>> -> memref<16384xf32, #tpu.memory_space<hbm>>
    tpu.wait_dma2 semaphore(%arg9 : memref<!tpu.dma_semaphore, #tpu.memory_space<semaphore_mem>>) src(%dma_wait3A_12 : memref<16384xf32, #tpu.memory_space<hbm>>) dst(%arg5 : memref<16384xf32, #tpu.memory_space<vmem>>)
    %parallel_loop3A = arith.constant 0 : i32
    %parallel_loop3A_13 = arith.constant 512 : i32
    %parallel_loop3A_14 = arith.constant 1 : i32
    scf.for %parallel_loop3A_98 = %parallel_loop3A to %parallel_loop3A_13 step %parallel_loop3A_14  : i32 {
      %parallel_loop3A_99 = arith.constant 5 : i32
      %parallel_loop3A_100 = arith.shrsi %parallel_loop3A_98, %parallel_loop3A_99 : i32
      %parallel_loop3A_101 = arith.constant 0 : i32
      %parallel_loop3A_102 = arith.addi %parallel_loop3A_101, %parallel_loop3A_100 : i32
      %parallel_loop3A_103 = arith.constant 3 : i32
      %parallel_loop3A_104 = arith.shrsi %parallel_loop3A_98, %parallel_loop3A_103 : i32
      %parallel_loop3A_105 = arith.constant 3 : i32
      %parallel_loop3A_106 = arith.andi %parallel_loop3A_104, %parallel_loop3A_105 : i32
      %parallel_loop3A_107 = arith.constant 7 : i32
      %parallel_loop3A_108 = arith.andi %parallel_loop3A_98, %parallel_loop3A_107 : i32
      %parallel_loop3A_109 = arith.constant 1024 : i32
      %parallel_loop3A_110 = arith.muli %parallel_loop3A_100, %parallel_loop3A_109 : i32
      %parallel_loop3A_111 = arith.constant 256 : i32
      %parallel_loop3A_112 = arith.muli %parallel_loop3A_106, %parallel_loop3A_111 : i32
      %parallel_loop3A_113 = arith.addi %parallel_loop3A_110, %parallel_loop3A_112 : i32
      %parallel_loop3A_114 = arith.constant 16 : i32
      %parallel_loop3A_115 = arith.muli %parallel_loop3A_108, %parallel_loop3A_114 : i32
      %parallel_loop3A_116 = arith.addi %parallel_loop3A_113, %parallel_loop3A_115 : i32
      %parallel_loop3A_117 = arith.constant 3 : i32
      %parallel_loop3A_118 = arith.shrsi %parallel_loop3A_102, %parallel_loop3A_117 : i32
      %parallel_loop3A_119 = arith.constant 4096 : i32
      %parallel_loop3A_120 = arith.muli %parallel_loop3A_118, %parallel_loop3A_119 : i32
      %parallel_loop3A_121 = arith.constant 1024 : i32
      %parallel_loop3A_122 = arith.muli %parallel_loop3A_106, %parallel_loop3A_121 : i32
      %parallel_loop3A_123 = arith.addi %parallel_loop3A_120, %parallel_loop3A_122 : i32
      %parallel_loop3A_124 = arith.constant 7 : i32
      %parallel_loop3A_125 = arith.andi %parallel_loop3A_102, %parallel_loop3A_124 : i32
      %parallel_loop3A_126 = arith.constant 128 : i32
      %parallel_loop3A_127 = arith.muli %parallel_loop3A_125, %parallel_loop3A_126 : i32
      %parallel_loop3A_128 = arith.addi %parallel_loop3A_123, %parallel_loop3A_127 : i32
      %parallel_loop3A_129 = arith.constant 16 : i32
      %parallel_loop3A_130 = arith.muli %parallel_loop3A_108, %parallel_loop3A_129 : i32
      %parallel_loop3A_131 = arith.addi %parallel_loop3A_128, %parallel_loop3A_130 : i32
      %parallel_loop3A_132 = arith.index_cast %parallel_loop3A_116 : i32 to index
      %parallel_loop3A_133 = tpu.vector_load %arg5[%parallel_loop3A_132] {strides = array<i32>} : memref<16384xf32, #tpu.memory_space<vmem>>, vector<16xf32>,
      %parallel_loop3A_134 = arith.constant 128 : i32
      %parallel_loop3A_135 = arith.addi %parallel_loop3A_116, %parallel_loop3A_134 : i32
      %parallel_loop3A_136 = arith.index_cast %parallel_loop3A_135 : i32 to index
      %parallel_loop3A_137 = tpu.vector_load %arg5[%parallel_loop3A_136] {strides = array<i32>} : memref<16384xf32, #tpu.memory_space<vmem>>, vector<16xf32>,
      %parallel_loop3A_138 = arith.constant 6.400000e+01 : f32
      %parallel_loop3A_139 = vector.broadcast %parallel_loop3A_138 : f32 to vector<16xf32>
      %parallel_loop3A_140 = arith.mulf %parallel_loop3A_133, %parallel_loop3A_139 : vector<16xf32>
      %parallel_loop3A_141 = arith.constant 6.350000e+01 : f32
      %parallel_loop3A_142 = vector.broadcast %parallel_loop3A_141 : f32 to vector<16xf32>
      %parallel_loop3A_143 = arith.addf %parallel_loop3A_140, %parallel_loop3A_142 : vector<16xf32>
      %parallel_loop3A_144 = arith.constant 6.400000e+01 : f32
      %parallel_loop3A_145 = vector.broadcast %parallel_loop3A_144 : f32 to vector<16xf32>
      %parallel_loop3A_146 = arith.mulf %parallel_loop3A_137, %parallel_loop3A_145 : vector<16xf32>
      %parallel_loop3A_147 = arith.constant 6.350000e+01 : f32
      %parallel_loop3A_148 = vector.broadcast %parallel_loop3A_147 : f32 to vector<16xf32>
      %parallel_loop3A_149 = arith.addf %parallel_loop3A_146, %parallel_loop3A_148 : vector<16xf32>
      %parallel_loop3A_150 = arith.fptosi %parallel_loop3A_143 : vector<16xf32> to vector<16xi32>
      %parallel_loop3A_151 = arith.fptosi %parallel_loop3A_149 : vector<16xf32> to vector<16xi32>
      %parallel_loop3A_152 = arith.sitofp %parallel_loop3A_150 : vector<16xi32> to vector<16xf32>
      %parallel_loop3A_153 = arith.subf %parallel_loop3A_143, %parallel_loop3A_152 : vector<16xf32>
      %parallel_loop3A_154 = arith.sitofp %parallel_loop3A_151 : vector<16xi32> to vector<16xf32>
      %parallel_loop3A_155 = arith.subf %parallel_loop3A_149, %parallel_loop3A_154 : vector<16xf32>
      %parallel_loop3A_156 = arith.constant 7 : i32
      %parallel_loop3A_157 = vector.broadcast %parallel_loop3A_156 : i32 to vector<16xi32>
      %parallel_loop3A_158 = arith.shli %parallel_loop3A_151, %parallel_loop3A_157 : vector<16xi32>
      %parallel_loop3A_159 = arith.addi %parallel_loop3A_158, %parallel_loop3A_150 : vector<16xi32>
      %parallel_loop3A_160 = arith.constant 8127 : i32
      %parallel_loop3A_161 = vector.broadcast %parallel_loop3A_160 : i32 to vector<16xi32>
      %parallel_loop3A_162 = arith.subi %parallel_loop3A_159, %parallel_loop3A_161 : vector<16xi32>
      %parallel_loop3A_163 = arith.constant 128 : i32
      %parallel_loop3A_164 = vector.broadcast %parallel_loop3A_163 : i32 to vector<16xi32>
      %parallel_loop3A_165 = arith.addi %parallel_loop3A_162, %parallel_loop3A_164 : vector<16xi32>
      %parallel_loop3A_166 = tpu.vector_load_idx %arg7[%parallel_loop3A_162] : memref<9216xf32, #tpu.memory_space<vmem>>[vector<16xi32>], vector<16xf32>,
      %parallel_loop3A_167 = arith.constant 1 : i32
      %parallel_loop3A_168 = vector.broadcast %parallel_loop3A_167 : i32 to vector<16xi32>
      %parallel_loop3A_169 = arith.addi %parallel_loop3A_162, %parallel_loop3A_168 : vector<16xi32>
      %parallel_loop3A_170 = tpu.vector_load_idx %arg7[%parallel_loop3A_169] : memref<9216xf32, #tpu.memory_space<vmem>>[vector<16xi32>], vector<16xf32>,
      %parallel_loop3A_171 = tpu.vector_load_idx %arg7[%parallel_loop3A_165] : memref<9216xf32, #tpu.memory_space<vmem>>[vector<16xi32>], vector<16xf32>,
      %parallel_loop3A_172 = arith.constant 1 : i32
      %parallel_loop3A_173 = vector.broadcast %parallel_loop3A_172 : i32 to vector<16xi32>
      %parallel_loop3A_174 = arith.addi %parallel_loop3A_165, %parallel_loop3A_173 : vector<16xi32>
      %parallel_loop3A_175 = tpu.vector_load_idx %arg7[%parallel_loop3A_174] : memref<9216xf32, #tpu.memory_space<vmem>>[vector<16xi32>], vector<16xf32>,
      %parallel_loop3A_176 = arith.subf %parallel_loop3A_170, %parallel_loop3A_166 : vector<16xf32>
      %parallel_loop3A_177 = arith.mulf %parallel_loop3A_153, %parallel_loop3A_176 : vector<16xf32>
      %parallel_loop3A_178 = arith.addf %parallel_loop3A_166, %parallel_loop3A_177 : vector<16xf32>
      %parallel_loop3A_179 = arith.subf %parallel_loop3A_175, %parallel_loop3A_171 : vector<16xf32>
      %parallel_loop3A_180 = arith.mulf %parallel_loop3A_153, %parallel_loop3A_179 : vector<16xf32>
      %parallel_loop3A_181 = arith.addf %parallel_loop3A_171, %parallel_loop3A_180 : vector<16xf32>
      %parallel_loop3A_182 = arith.subf %parallel_loop3A_181, %parallel_loop3A_178 : vector<16xf32>
      %parallel_loop3A_183 = arith.mulf %parallel_loop3A_155, %parallel_loop3A_182 : vector<16xf32>
      %parallel_loop3A_184 = arith.addf %parallel_loop3A_178, %parallel_loop3A_183 : vector<16xf32>
      %parallel_loop3A_185 = arith.index_cast %parallel_loop3A_131 : i32 to index
      %parallel_loop3A_186 = tpu.vector_load %arg8[%parallel_loop3A_185] {strides = array<i32>} : memref<32768xf32, #tpu.memory_space<vmem>>, vector<16xf32>,
      tpu.vector_store %arg8[%parallel_loop3A_185], %parallel_loop3A_184 {strides = array<i32>} : memref<32768xf32, #tpu.memory_space<vmem>>, vector<16xf32>,
    } {sc.loop_unroll_factor = 8 : i64, sc.parallel_access}
    %mul3A_15 = arith.constant 2 : i32
    %mul3A_16 = arith.muli %mul3A_15, %mul3A_2 : i32
    %add3A_17 = arith.constant 32768 : i32
    %add3A_18 = arith.addi %mul3A_16, %add3A_17 : i32
    %dma_start3A_19 = tpu.memref_slice %arg2[%add3A_18] : memref<2097152xf32, #tpu.memory_space<hbm>> -> memref<16384xf32, #tpu.memory_space<hbm>>
    %dma_start3A_20 = tpu.memref_slice %arg2[%add3A_18] : memref<2097152xf32, #tpu.memory_space<hbm>> -> memref<16384xf32, #tpu.memory_space<hbm>>
    tpu.enqueue_dma source(%dma_start3A_20 : memref<16384xf32, #tpu.memory_space<hbm>>) target(%arg5 : memref<16384xf32, #tpu.memory_space<vmem>>) target_semaphore(%arg9 : memref<!tpu.dma_semaphore, #tpu.memory_space<semaphore_mem>>)
    %add3A_21 = arith.constant 0 : i32
    %add3A_22 = arith.addi %mul3A_2, %add3A_21 : i32
    %dma_start3A_23 = arith.constant 0 : i32
    %dma_start3A_24 = tpu.memref_slice %arg8[%dma_start3A_23] : memref<32768xf32, #tpu.memory_space<vmem>> -> memref<8192xf32, #tpu.memory_space<vmem>>
    %dma_start3A_25 = tpu.memref_slice %arg4[%add3A_22] : memref<1048576xf32, #tpu.memory_space<hbm>> -> memref<8192xf32, #tpu.memory_space<hbm>>
    %dma_start3A_26 = tpu.memref_slice %arg4[%add3A_22] : memref<1048576xf32, #tpu.memory_space<hbm>> -> memref<8192xf32, #tpu.memory_space<hbm>>
    %dma_start3A_27 = arith.constant 0 : i32
    %dma_start3A_28 = tpu.memref_slice %arg8[%dma_start3A_27] : memref<32768xf32, #tpu.memory_space<vmem>> -> memref<8192xf32, #tpu.memory_space<vmem>>
    tpu.enqueue_dma source(%dma_start3A_28 : memref<8192xf32, #tpu.memory_space<vmem>>) target(%dma_start3A_26 : memref<8192xf32, #tpu.memory_space<hbm>>) target_semaphore(%arg11 : memref<!tpu.dma_semaphore, #tpu.memory_space<semaphore_mem>>)
    %dma_wait3A_29 = tpu.memref_slice %arg2[%add3A_9] : memref<2097152xf32, #tpu.memory_space<hbm>> -> memref<16384xf32, #tpu.memory_space<hbm>>
    %dma_wait3A_30 = tpu.memref_slice %arg2[%add3A_9] : memref<2097152xf32, #tpu.memory_space<hbm>> -> memref<16384xf32, #tpu.memory_space<hbm>>
    tpu.wait_dma2 semaphore(%arg10 : memref<!tpu.dma_semaphore, #tpu.memory_space<semaphore_mem>>) src(%dma_wait3A_30 : memref<16384xf32, #tpu.memory_space<hbm>>) dst(%arg6 : memref<16384xf32, #tpu.memory_space<vmem>>)
    %parallel_loop3A_31 = arith.constant 0 : i32
    %parallel_loop3A_32 = arith.constant 512 : i32
    %parallel_loop3A_33 = arith.constant 1 : i32
    scf.for %parallel_loop3A_98 = %parallel_loop3A_31 to %parallel_loop3A_32 step %parallel_loop3A_33  : i32 {
      %parallel_loop3A_99 = arith.constant 5 : i32
      %parallel_loop3A_100 = arith.shrsi %parallel_loop3A_98, %parallel_loop3A_99 : i32
      %parallel_loop3A_101 = arith.constant 16 : i32
      %parallel_loop3A_102 = arith.addi %parallel_loop3A_101, %parallel_loop3A_100 : i32
      %parallel_loop3A_103 = arith.constant 3 : i32
      %parallel_loop3A_104 = arith.shrsi %parallel_loop3A_98, %parallel_loop3A_103 : i32
      %parallel_loop3A_105 = arith.constant 3 : i32
      %parallel_loop3A_106 = arith.andi %parallel_loop3A_104, %parallel_loop3A_105 : i32
      %parallel_loop3A_107 = arith.constant 7 : i32
      %parallel_loop3A_108 = arith.andi %parallel_loop3A_98, %parallel_loop3A_107 : i32
      %parallel_loop3A_109 = arith.constant 1024 : i32
      %parallel_loop3A_110 = arith.muli %parallel_loop3A_100, %parallel_loop3A_109 : i32
      %parallel_loop3A_111 = arith.constant 256 : i32
      %parallel_loop3A_112 = arith.muli %parallel_loop3A_106, %parallel_loop3A_111 : i32
      %parallel_loop3A_113 = arith.addi %parallel_loop3A_110, %parallel_loop3A_112 : i32
      %parallel_loop3A_114 = arith.constant 16 : i32
      %parallel_loop3A_115 = arith.muli %parallel_loop3A_108, %parallel_loop3A_114 : i32
      %parallel_loop3A_116 = arith.addi %parallel_loop3A_113, %parallel_loop3A_115 : i32
      %parallel_loop3A_117 = arith.constant 3 : i32
      %parallel_loop3A_118 = arith.shrsi %parallel_loop3A_102, %parallel_loop3A_117 : i32
      %parallel_loop3A_119 = arith.constant 4096 : i32
      %parallel_loop3A_120 = arith.muli %parallel_loop3A_118, %parallel_loop3A_119 : i32
      %parallel_loop3A_121 = arith.constant 1024 : i32
      %parallel_loop3A_122 = arith.muli %parallel_loop3A_106, %parallel_loop3A_121 : i32
      %parallel_loop3A_123 = arith.addi %parallel_loop3A_120, %parallel_loop3A_122 : i32
      %parallel_loop3A_124 = arith.constant 7 : i32
      %parallel_loop3A_125 = arith.andi %parallel_loop3A_102, %parallel_loop3A_124 : i32
      %parallel_loop3A_126 = arith.constant 128 : i32
      %parallel_loop3A_127 = arith.muli %parallel_loop3A_125, %parallel_loop3A_126 : i32
      %parallel_loop3A_128 = arith.addi %parallel_loop3A_123, %parallel_loop3A_127 : i32
      %parallel_loop3A_129 = arith.constant 16 : i32
      %parallel_loop3A_130 = arith.muli %parallel_loop3A_108, %parallel_loop3A_129 : i32
      %parallel_loop3A_131 = arith.addi %parallel_loop3A_128, %parallel_loop3A_130 : i32
      %parallel_loop3A_132 = arith.index_cast %parallel_loop3A_116 : i32 to index
      %parallel_loop3A_133 = tpu.vector_load %arg6[%parallel_loop3A_132] {strides = array<i32>} : memref<16384xf32, #tpu.memory_space<vmem>>, vector<16xf32>,
      %parallel_loop3A_134 = arith.constant 128 : i32
      %parallel_loop3A_135 = arith.addi %parallel_loop3A_116, %parallel_loop3A_134 : i32
      %parallel_loop3A_136 = arith.index_cast %parallel_loop3A_135 : i32 to index
      %parallel_loop3A_137 = tpu.vector_load %arg6[%parallel_loop3A_136] {strides = array<i32>} : memref<16384xf32, #tpu.memory_space<vmem>>, vector<16xf32>,
      %parallel_loop3A_138 = arith.constant 6.400000e+01 : f32
      %parallel_loop3A_139 = vector.broadcast %parallel_loop3A_138 : f32 to vector<16xf32>
      %parallel_loop3A_140 = arith.mulf %parallel_loop3A_133, %parallel_loop3A_139 : vector<16xf32>
      %parallel_loop3A_141 = arith.constant 6.350000e+01 : f32
      %parallel_loop3A_142 = vector.broadcast %parallel_loop3A_141 : f32 to vector<16xf32>
      %parallel_loop3A_143 = arith.addf %parallel_loop3A_140, %parallel_loop3A_142 : vector<16xf32>
      %parallel_loop3A_144 = arith.constant 6.400000e+01 : f32
      %parallel_loop3A_145 = vector.broadcast %parallel_loop3A_144 : f32 to vector<16xf32>
      %parallel_loop3A_146 = arith.mulf %parallel_loop3A_137, %parallel_loop3A_145 : vector<16xf32>
      %parallel_loop3A_147 = arith.constant 6.350000e+01 : f32
      %parallel_loop3A_148 = vector.broadcast %parallel_loop3A_147 : f32 to vector<16xf32>
      %parallel_loop3A_149 = arith.addf %parallel_loop3A_146, %parallel_loop3A_148 : vector<16xf32>
      %parallel_loop3A_150 = arith.fptosi %parallel_loop3A_143 : vector<16xf32> to vector<16xi32>
      %parallel_loop3A_151 = arith.fptosi %parallel_loop3A_149 : vector<16xf32> to vector<16xi32>
      %parallel_loop3A_152 = arith.sitofp %parallel_loop3A_150 : vector<16xi32> to vector<16xf32>
      %parallel_loop3A_153 = arith.subf %parallel_loop3A_143, %parallel_loop3A_152 : vector<16xf32>
      %parallel_loop3A_154 = arith.sitofp %parallel_loop3A_151 : vector<16xi32> to vector<16xf32>
      %parallel_loop3A_155 = arith.subf %parallel_loop3A_149, %parallel_loop3A_154 : vector<16xf32>
      %parallel_loop3A_156 = arith.constant 7 : i32
      %parallel_loop3A_157 = vector.broadcast %parallel_loop3A_156 : i32 to vector<16xi32>
      %parallel_loop3A_158 = arith.shli %parallel_loop3A_151, %parallel_loop3A_157 : vector<16xi32>
      %parallel_loop3A_159 = arith.addi %parallel_loop3A_158, %parallel_loop3A_150 : vector<16xi32>
      %parallel_loop3A_160 = arith.constant 8127 : i32
      %parallel_loop3A_161 = vector.broadcast %parallel_loop3A_160 : i32 to vector<16xi32>
      %parallel_loop3A_162 = arith.subi %parallel_loop3A_159, %parallel_loop3A_161 : vector<16xi32>
      %parallel_loop3A_163 = arith.constant 128 : i32
      %parallel_loop3A_164 = vector.broadcast %parallel_loop3A_163 : i32 to vector<16xi32>
      %parallel_loop3A_165 = arith.addi %parallel_loop3A_162, %parallel_loop3A_164 : vector<16xi32>
      %parallel_loop3A_166 = tpu.vector_load_idx %arg7[%parallel_loop3A_162] : memref<9216xf32, #tpu.memory_space<vmem>>[vector<16xi32>], vector<16xf32>,
      %parallel_loop3A_167 = arith.constant 1 : i32
      %parallel_loop3A_168 = vector.broadcast %parallel_loop3A_167 : i32 to vector<16xi32>
      %parallel_loop3A_169 = arith.addi %parallel_loop3A_162, %parallel_loop3A_168 : vector<16xi32>
      %parallel_loop3A_170 = tpu.vector_load_idx %arg7[%parallel_loop3A_169] : memref<9216xf32, #tpu.memory_space<vmem>>[vector<16xi32>], vector<16xf32>,
      %parallel_loop3A_171 = tpu.vector_load_idx %arg7[%parallel_loop3A_165] : memref<9216xf32, #tpu.memory_space<vmem>>[vector<16xi32>], vector<16xf32>,
      %parallel_loop3A_172 = arith.constant 1 : i32
      %parallel_loop3A_173 = vector.broadcast %parallel_loop3A_172 : i32 to vector<16xi32>
      %parallel_loop3A_174 = arith.addi %parallel_loop3A_165, %parallel_loop3A_173 : vector<16xi32>
      %parallel_loop3A_175 = tpu.vector_load_idx %arg7[%parallel_loop3A_174] : memref<9216xf32, #tpu.memory_space<vmem>>[vector<16xi32>], vector<16xf32>,
      %parallel_loop3A_176 = arith.subf %parallel_loop3A_170, %parallel_loop3A_166 : vector<16xf32>
      %parallel_loop3A_177 = arith.mulf %parallel_loop3A_153, %parallel_loop3A_176 : vector<16xf32>
      %parallel_loop3A_178 = arith.addf %parallel_loop3A_166, %parallel_loop3A_177 : vector<16xf32>
      %parallel_loop3A_179 = arith.subf %parallel_loop3A_175, %parallel_loop3A_171 : vector<16xf32>
      %parallel_loop3A_180 = arith.mulf %parallel_loop3A_153, %parallel_loop3A_179 : vector<16xf32>
      %parallel_loop3A_181 = arith.addf %parallel_loop3A_171, %parallel_loop3A_180 : vector<16xf32>
      %parallel_loop3A_182 = arith.subf %parallel_loop3A_181, %parallel_loop3A_178 : vector<16xf32>
      %parallel_loop3A_183 = arith.mulf %parallel_loop3A_155, %parallel_loop3A_182 : vector<16xf32>
      %parallel_loop3A_184 = arith.addf %parallel_loop3A_178, %parallel_loop3A_183 : vector<16xf32>
      %parallel_loop3A_185 = arith.index_cast %parallel_loop3A_131 : i32 to index
      %parallel_loop3A_186 = tpu.vector_load %arg8[%parallel_loop3A_185] {strides = array<i32>} : memref<32768xf32, #tpu.memory_space<vmem>>, vector<16xf32>,
      tpu.vector_store %arg8[%parallel_loop3A_185], %parallel_loop3A_184 {strides = array<i32>} : memref<32768xf32, #tpu.memory_space<vmem>>, vector<16xf32>,
    } {sc.loop_unroll_factor = 8 : i64, sc.parallel_access}
    %mul3A_34 = arith.constant 2 : i32
    %mul3A_35 = arith.muli %mul3A_34, %mul3A_2 : i32
    %add3A_36 = arith.constant 49152 : i32
    %add3A_37 = arith.addi %mul3A_35, %add3A_36 : i32
    %dma_start3A_38 = tpu.memref_slice %arg2[%add3A_37] : memref<2097152xf32, #tpu.memory_space<hbm>> -> memref<16384xf32, #tpu.memory_space<hbm>>
    %dma_start3A_39 = tpu.memref_slice %arg2[%add3A_37] : memref<2097152xf32, #tpu.memory_space<hbm>> -> memref<16384xf32, #tpu.memory_space<hbm>>
    tpu.enqueue_dma source(%dma_start3A_39 : memref<16384xf32, #tpu.memory_space<hbm>>) target(%arg6 : memref<16384xf32, #tpu.memory_space<vmem>>) target_semaphore(%arg10 : memref<!tpu.dma_semaphore, #tpu.memory_space<semaphore_mem>>)
    %add3A_40 = arith.constant 8192 : i32
    %add3A_41 = arith.addi %mul3A_2, %add3A_40 : i32
    %dma_start3A_42 = arith.constant 8192 : i32
    %dma_start3A_43 = tpu.memref_slice %arg8[%dma_start3A_42] : memref<32768xf32, #tpu.memory_space<vmem>> -> memref<8192xf32, #tpu.memory_space<vmem>>
    %dma_start3A_44 = tpu.memref_slice %arg4[%add3A_41] : memref<1048576xf32, #tpu.memory_space<hbm>> -> memref<8192xf32, #tpu.memory_space<hbm>>
    %dma_start3A_45 = tpu.memref_slice %arg4[%add3A_41] : memref<1048576xf32, #tpu.memory_space<hbm>> -> memref<8192xf32, #tpu.memory_space<hbm>>
    %dma_start3A_46 = arith.constant 8192 : i32
    %dma_start3A_47 = tpu.memref_slice %arg8[%dma_start3A_46] : memref<32768xf32, #tpu.memory_space<vmem>> -> memref<8192xf32, #tpu.memory_space<vmem>>
    tpu.enqueue_dma source(%dma_start3A_47 : memref<8192xf32, #tpu.memory_space<vmem>>) target(%dma_start3A_45 : memref<8192xf32, #tpu.memory_space<hbm>>) target_semaphore(%arg11 : memref<!tpu.dma_semaphore, #tpu.memory_space<semaphore_mem>>)
    %dma_wait3A_48 = tpu.memref_slice %arg2[%add3A_18] : memref<2097152xf32, #tpu.memory_space<hbm>> -> memref<16384xf32, #tpu.memory_space<hbm>>
    %dma_wait3A_49 = tpu.memref_slice %arg2[%add3A_18] : memref<2097152xf32, #tpu.memory_space<hbm>> -> memref<16384xf32, #tpu.memory_space<hbm>>
    tpu.wait_dma2 semaphore(%arg9 : memref<!tpu.dma_semaphore, #tpu.memory_space<semaphore_mem>>) src(%dma_wait3A_49 : memref<16384xf32, #tpu.memory_space<hbm>>) dst(%arg5 : memref<16384xf32, #tpu.memory_space<vmem>>)
    %parallel_loop3A_50 = arith.constant 0 : i32
    %parallel_loop3A_51 = arith.constant 512 : i32
    %parallel_loop3A_52 = arith.constant 1 : i32
    scf.for %parallel_loop3A_98 = %parallel_loop3A_50 to %parallel_loop3A_51 step %parallel_loop3A_52  : i32 {
      %parallel_loop3A_99 = arith.constant 5 : i32
      %parallel_loop3A_100 = arith.shrsi %parallel_loop3A_98, %parallel_loop3A_99 : i32
      %parallel_loop3A_101 = arith.constant 32 : i32
      %parallel_loop3A_102 = arith.addi %parallel_loop3A_101, %parallel_loop3A_100 : i32
      %parallel_loop3A_103 = arith.constant 3 : i32
      %parallel_loop3A_104 = arith.shrsi %parallel_loop3A_98, %parallel_loop3A_103 : i32
      %parallel_loop3A_105 = arith.constant 3 : i32
      %parallel_loop3A_106 = arith.andi %parallel_loop3A_104, %parallel_loop3A_105 : i32
      %parallel_loop3A_107 = arith.constant 7 : i32
      %parallel_loop3A_108 = arith.andi %parallel_loop3A_98, %parallel_loop3A_107 : i32
      %parallel_loop3A_109 = arith.constant 1024 : i32
      %parallel_loop3A_110 = arith.muli %parallel_loop3A_100, %parallel_loop3A_109 : i32
      %parallel_loop3A_111 = arith.constant 256 : i32
      %parallel_loop3A_112 = arith.muli %parallel_loop3A_106, %parallel_loop3A_111 : i32
      %parallel_loop3A_113 = arith.addi %parallel_loop3A_110, %parallel_loop3A_112 : i32
      %parallel_loop3A_114 = arith.constant 16 : i32
      %parallel_loop3A_115 = arith.muli %parallel_loop3A_108, %parallel_loop3A_114 : i32
      %parallel_loop3A_116 = arith.addi %parallel_loop3A_113, %parallel_loop3A_115 : i32
      %parallel_loop3A_117 = arith.constant 3 : i32
      %parallel_loop3A_118 = arith.shrsi %parallel_loop3A_102, %parallel_loop3A_117 : i32
      %parallel_loop3A_119 = arith.constant 4096 : i32
      %parallel_loop3A_120 = arith.muli %parallel_loop3A_118, %parallel_loop3A_119 : i32
      %parallel_loop3A_121 = arith.constant 1024 : i32
      %parallel_loop3A_122 = arith.muli %parallel_loop3A_106, %parallel_loop3A_121 : i32
      %parallel_loop3A_123 = arith.addi %parallel_loop3A_120, %parallel_loop3A_122 : i32
      %parallel_loop3A_124 = arith.constant 7 : i32
      %parallel_loop3A_125 = arith.andi %parallel_loop3A_102, %parallel_loop3A_124 : i32
      %parallel_loop3A_126 = arith.constant 128 : i32
      %parallel_loop3A_127 = arith.muli %parallel_loop3A_125, %parallel_loop3A_126 : i32
      %parallel_loop3A_128 = arith.addi %parallel_loop3A_123, %parallel_loop3A_127 : i32
      %parallel_loop3A_129 = arith.constant 16 : i32
      %parallel_loop3A_130 = arith.muli %parallel_loop3A_108, %parallel_loop3A_129 : i32
      %parallel_loop3A_131 = arith.addi %parallel_loop3A_128, %parallel_loop3A_130 : i32
      %parallel_loop3A_132 = arith.index_cast %parallel_loop3A_116 : i32 to index
      %parallel_loop3A_133 = tpu.vector_load %arg5[%parallel_loop3A_132] {strides = array<i32>} : memref<16384xf32, #tpu.memory_space<vmem>>, vector<16xf32>,
      %parallel_loop3A_134 = arith.constant 128 : i32
      %parallel_loop3A_135 = arith.addi %parallel_loop3A_116, %parallel_loop3A_134 : i32
      %parallel_loop3A_136 = arith.index_cast %parallel_loop3A_135 : i32 to index
      %parallel_loop3A_137 = tpu.vector_load %arg5[%parallel_loop3A_136] {strides = array<i32>} : memref<16384xf32, #tpu.memory_space<vmem>>, vector<16xf32>,
      %parallel_loop3A_138 = arith.constant 6.400000e+01 : f32
      %parallel_loop3A_139 = vector.broadcast %parallel_loop3A_138 : f32 to vector<16xf32>
      %parallel_loop3A_140 = arith.mulf %parallel_loop3A_133, %parallel_loop3A_139 : vector<16xf32>
      %parallel_loop3A_141 = arith.constant 6.350000e+01 : f32
      %parallel_loop3A_142 = vector.broadcast %parallel_loop3A_141 : f32 to vector<16xf32>
      %parallel_loop3A_143 = arith.addf %parallel_loop3A_140, %parallel_loop3A_142 : vector<16xf32>
      %parallel_loop3A_144 = arith.constant 6.400000e+01 : f32
      %parallel_loop3A_145 = vector.broadcast %parallel_loop3A_144 : f32 to vector<16xf32>
      %parallel_loop3A_146 = arith.mulf %parallel_loop3A_137, %parallel_loop3A_145 : vector<16xf32>
      %parallel_loop3A_147 = arith.constant 6.350000e+01 : f32
      %parallel_loop3A_148 = vector.broadcast %parallel_loop3A_147 : f32 to vector<16xf32>
      %parallel_loop3A_149 = arith.addf %parallel_loop3A_146, %parallel_loop3A_148 : vector<16xf32>
      %parallel_loop3A_150 = arith.fptosi %parallel_loop3A_143 : vector<16xf32> to vector<16xi32>
      %parallel_loop3A_151 = arith.fptosi %parallel_loop3A_149 : vector<16xf32> to vector<16xi32>
      %parallel_loop3A_152 = arith.sitofp %parallel_loop3A_150 : vector<16xi32> to vector<16xf32>
      %parallel_loop3A_153 = arith.subf %parallel_loop3A_143, %parallel_loop3A_152 : vector<16xf32>
      %parallel_loop3A_154 = arith.sitofp %parallel_loop3A_151 : vector<16xi32> to vector<16xf32>
      %parallel_loop3A_155 = arith.subf %parallel_loop3A_149, %parallel_loop3A_154 : vector<16xf32>
      %parallel_loop3A_156 = arith.constant 7 : i32
      %parallel_loop3A_157 = vector.broadcast %parallel_loop3A_156 : i32 to vector<16xi32>
      %parallel_loop3A_158 = arith.shli %parallel_loop3A_151, %parallel_loop3A_157 : vector<16xi32>
      %parallel_loop3A_159 = arith.addi %parallel_loop3A_158, %parallel_loop3A_150 : vector<16xi32>
      %parallel_loop3A_160 = arith.constant 8127 : i32
      %parallel_loop3A_161 = vector.broadcast %parallel_loop3A_160 : i32 to vector<16xi32>
      %parallel_loop3A_162 = arith.subi %parallel_loop3A_159, %parallel_loop3A_161 : vector<16xi32>
      %parallel_loop3A_163 = arith.constant 128 : i32
      %parallel_loop3A_164 = vector.broadcast %parallel_loop3A_163 : i32 to vector<16xi32>
      %parallel_loop3A_165 = arith.addi %parallel_loop3A_162, %parallel_loop3A_164 : vector<16xi32>
      %parallel_loop3A_166 = tpu.vector_load_idx %arg7[%parallel_loop3A_162] : memref<9216xf32, #tpu.memory_space<vmem>>[vector<16xi32>], vector<16xf32>,
      %parallel_loop3A_167 = arith.constant 1 : i32
      %parallel_loop3A_168 = vector.broadcast %parallel_loop3A_167 : i32 to vector<16xi32>
      %parallel_loop3A_169 = arith.addi %parallel_loop3A_162, %parallel_loop3A_168 : vector<16xi32>
      %parallel_loop3A_170 = tpu.vector_load_idx %arg7[%parallel_loop3A_169] : memref<9216xf32, #tpu.memory_space<vmem>>[vector<16xi32>], vector<16xf32>,
      %parallel_loop3A_171 = tpu.vector_load_idx %arg7[%parallel_loop3A_165] : memref<9216xf32, #tpu.memory_space<vmem>>[vector<16xi32>], vector<16xf32>,
      %parallel_loop3A_172 = arith.constant 1 : i32
      %parallel_loop3A_173 = vector.broadcast %parallel_loop3A_172 : i32 to vector<16xi32>
      %parallel_loop3A_174 = arith.addi %parallel_loop3A_165, %parallel_loop3A_173 : vector<16xi32>
      %parallel_loop3A_175 = tpu.vector_load_idx %arg7[%parallel_loop3A_174] : memref<9216xf32, #tpu.memory_space<vmem>>[vector<16xi32>], vector<16xf32>,
      %parallel_loop3A_176 = arith.subf %parallel_loop3A_170, %parallel_loop3A_166 : vector<16xf32>
      %parallel_loop3A_177 = arith.mulf %parallel_loop3A_153, %parallel_loop3A_176 : vector<16xf32>
      %parallel_loop3A_178 = arith.addf %parallel_loop3A_166, %parallel_loop3A_177 : vector<16xf32>
      %parallel_loop3A_179 = arith.subf %parallel_loop3A_175, %parallel_loop3A_171 : vector<16xf32>
      %parallel_loop3A_180 = arith.mulf %parallel_loop3A_153, %parallel_loop3A_179 : vector<16xf32>
      %parallel_loop3A_181 = arith.addf %parallel_loop3A_171, %parallel_loop3A_180 : vector<16xf32>
      %parallel_loop3A_182 = arith.subf %parallel_loop3A_181, %parallel_loop3A_178 : vector<16xf32>
      %parallel_loop3A_183 = arith.mulf %parallel_loop3A_155, %parallel_loop3A_182 : vector<16xf32>
      %parallel_loop3A_184 = arith.addf %parallel_loop3A_178, %parallel_loop3A_183 : vector<16xf32>
      %parallel_loop3A_185 = arith.index_cast %parallel_loop3A_131 : i32 to index
      %parallel_loop3A_186 = tpu.vector_load %arg8[%parallel_loop3A_185] {strides = array<i32>} : memref<32768xf32, #tpu.memory_space<vmem>>, vector<16xf32>,
      tpu.vector_store %arg8[%parallel_loop3A_185], %parallel_loop3A_184 {strides = array<i32>} : memref<32768xf32, #tpu.memory_space<vmem>>, vector<16xf32>,
    } {sc.loop_unroll_factor = 8 : i64, sc.parallel_access}
    %add3A_53 = arith.constant 16384 : i32
    %add3A_54 = arith.addi %mul3A_2, %add3A_53 : i32
    %dma_start3A_55 = arith.constant 16384 : i32
    %dma_start3A_56 = tpu.memref_slice %arg8[%dma_start3A_55] : memref<32768xf32, #tpu.memory_space<vmem>> -> memref<8192xf32, #tpu.memory_space<vmem>>
    %dma_start3A_57 = tpu.memref_slice %arg4[%add3A_54] : memref<1048576xf32, #tpu.memory_space<hbm>> -> memref<8192xf32, #tpu.memory_space<hbm>>
    %dma_start3A_58 = tpu.memref_slice %arg4[%add3A_54] : memref<1048576xf32, #tpu.memory_space<hbm>> -> memref<8192xf32, #tpu.memory_space<hbm>>
    %dma_start3A_59 = arith.constant 16384 : i32
    %dma_start3A_60 = tpu.memref_slice %arg8[%dma_start3A_59] : memref<32768xf32, #tpu.memory_space<vmem>> -> memref<8192xf32, #tpu.memory_space<vmem>>
    tpu.enqueue_dma source(%dma_start3A_60 : memref<8192xf32, #tpu.memory_space<vmem>>) target(%dma_start3A_58 : memref<8192xf32, #tpu.memory_space<hbm>>) target_semaphore(%arg11 : memref<!tpu.dma_semaphore, #tpu.memory_space<semaphore_mem>>)
    %dma_wait3A_61 = tpu.memref_slice %arg2[%add3A_37] : memref<2097152xf32, #tpu.memory_space<hbm>> -> memref<16384xf32, #tpu.memory_space<hbm>>
    %dma_wait3A_62 = tpu.memref_slice %arg2[%add3A_37] : memref<2097152xf32, #tpu.memory_space<hbm>> -> memref<16384xf32, #tpu.memory_space<hbm>>
    tpu.wait_dma2 semaphore(%arg10 : memref<!tpu.dma_semaphore, #tpu.memory_space<semaphore_mem>>) src(%dma_wait3A_62 : memref<16384xf32, #tpu.memory_space<hbm>>) dst(%arg6 : memref<16384xf32, #tpu.memory_space<vmem>>)
    %parallel_loop3A_63 = arith.constant 0 : i32
    %parallel_loop3A_64 = arith.constant 512 : i32
    %parallel_loop3A_65 = arith.constant 1 : i32
    scf.for %parallel_loop3A_98 = %parallel_loop3A_63 to %parallel_loop3A_64 step %parallel_loop3A_65  : i32 {
      %parallel_loop3A_99 = arith.constant 5 : i32
      %parallel_loop3A_100 = arith.shrsi %parallel_loop3A_98, %parallel_loop3A_99 : i32
      %parallel_loop3A_101 = arith.constant 48 : i32
      %parallel_loop3A_102 = arith.addi %parallel_loop3A_101, %parallel_loop3A_100 : i32
      %parallel_loop3A_103 = arith.constant 3 : i32
      %parallel_loop3A_104 = arith.shrsi %parallel_loop3A_98, %parallel_loop3A_103 : i32
      %parallel_loop3A_105 = arith.constant 3 : i32
      %parallel_loop3A_106 = arith.andi %parallel_loop3A_104, %parallel_loop3A_105 : i32
      %parallel_loop3A_107 = arith.constant 7 : i32
      %parallel_loop3A_108 = arith.andi %parallel_loop3A_98, %parallel_loop3A_107 : i32
      %parallel_loop3A_109 = arith.constant 1024 : i32
      %parallel_loop3A_110 = arith.muli %parallel_loop3A_100, %parallel_loop3A_109 : i32
      %parallel_loop3A_111 = arith.constant 256 : i32
      %parallel_loop3A_112 = arith.muli %parallel_loop3A_106, %parallel_loop3A_111 : i32
      %parallel_loop3A_113 = arith.addi %parallel_loop3A_110, %parallel_loop3A_112 : i32
      %parallel_loop3A_114 = arith.constant 16 : i32
      %parallel_loop3A_115 = arith.muli %parallel_loop3A_108, %parallel_loop3A_114 : i32
      %parallel_loop3A_116 = arith.addi %parallel_loop3A_113, %parallel_loop3A_115 : i32
      %parallel_loop3A_117 = arith.constant 3 : i32
      %parallel_loop3A_118 = arith.shrsi %parallel_loop3A_102, %parallel_loop3A_117 : i32
      %parallel_loop3A_119 = arith.constant 4096 : i32
      %parallel_loop3A_120 = arith.muli %parallel_loop3A_118, %parallel_loop3A_119 : i32
      %parallel_loop3A_121 = arith.constant 1024 : i32
      %parallel_loop3A_122 = arith.muli %parallel_loop3A_106, %parallel_loop3A_121 : i32
      %parallel_loop3A_123 = arith.addi %parallel_loop3A_120, %parallel_loop3A_122 : i32
      %parallel_loop3A_124 = arith.constant 7 : i32
      %parallel_loop3A_125 = arith.andi %parallel_loop3A_102, %parallel_loop3A_124 : i32
      %parallel_loop3A_126 = arith.constant 128 : i32
      %parallel_loop3A_127 = arith.muli %parallel_loop3A_125, %parallel_loop3A_126 : i32
      %parallel_loop3A_128 = arith.addi %parallel_loop3A_123, %parallel_loop3A_127 : i32
      %parallel_loop3A_129 = arith.constant 16 : i32
      %parallel_loop3A_130 = arith.muli %parallel_loop3A_108, %parallel_loop3A_129 : i32
      %parallel_loop3A_131 = arith.addi %parallel_loop3A_128, %parallel_loop3A_130 : i32
      %parallel_loop3A_132 = arith.index_cast %parallel_loop3A_116 : i32 to index
      %parallel_loop3A_133 = tpu.vector_load %arg6[%parallel_loop3A_132] {strides = array<i32>} : memref<16384xf32, #tpu.memory_space<vmem>>, vector<16xf32>,
      %parallel_loop3A_134 = arith.constant 128 : i32
      %parallel_loop3A_135 = arith.addi %parallel_loop3A_116, %parallel_loop3A_134 : i32
      %parallel_loop3A_136 = arith.index_cast %parallel_loop3A_135 : i32 to index
      %parallel_loop3A_137 = tpu.vector_load %arg6[%parallel_loop3A_136] {strides = array<i32>} : memref<16384xf32, #tpu.memory_space<vmem>>, vector<16xf32>,
      %parallel_loop3A_138 = arith.constant 6.400000e+01 : f32
      %parallel_loop3A_139 = vector.broadcast %parallel_loop3A_138 : f32 to vector<16xf32>
      %parallel_loop3A_140 = arith.mulf %parallel_loop3A_133, %parallel_loop3A_139 : vector<16xf32>
      %parallel_loop3A_141 = arith.constant 6.350000e+01 : f32
      %parallel_loop3A_142 = vector.broadcast %parallel_loop3A_141 : f32 to vector<16xf32>
      %parallel_loop3A_143 = arith.addf %parallel_loop3A_140, %parallel_loop3A_142 : vector<16xf32>
      %parallel_loop3A_144 = arith.constant 6.400000e+01 : f32
      %parallel_loop3A_145 = vector.broadcast %parallel_loop3A_144 : f32 to vector<16xf32>
      %parallel_loop3A_146 = arith.mulf %parallel_loop3A_137, %parallel_loop3A_145 : vector<16xf32>
      %parallel_loop3A_147 = arith.constant 6.350000e+01 : f32
      %parallel_loop3A_148 = vector.broadcast %parallel_loop3A_147 : f32 to vector<16xf32>
      %parallel_loop3A_149 = arith.addf %parallel_loop3A_146, %parallel_loop3A_148 : vector<16xf32>
      %parallel_loop3A_150 = arith.fptosi %parallel_loop3A_143 : vector<16xf32> to vector<16xi32>
      %parallel_loop3A_151 = arith.fptosi %parallel_loop3A_149 : vector<16xf32> to vector<16xi32>
      %parallel_loop3A_152 = arith.sitofp %parallel_loop3A_150 : vector<16xi32> to vector<16xf32>
      %parallel_loop3A_153 = arith.subf %parallel_loop3A_143, %parallel_loop3A_152 : vector<16xf32>
      %parallel_loop3A_154 = arith.sitofp %parallel_loop3A_151 : vector<16xi32> to vector<16xf32>
      %parallel_loop3A_155 = arith.subf %parallel_loop3A_149, %parallel_loop3A_154 : vector<16xf32>
      %parallel_loop3A_156 = arith.constant 7 : i32
      %parallel_loop3A_157 = vector.broadcast %parallel_loop3A_156 : i32 to vector<16xi32>
      %parallel_loop3A_158 = arith.shli %parallel_loop3A_151, %parallel_loop3A_157 : vector<16xi32>
      %parallel_loop3A_159 = arith.addi %parallel_loop3A_158, %parallel_loop3A_150 : vector<16xi32>
      %parallel_loop3A_160 = arith.constant 8127 : i32
      %parallel_loop3A_161 = vector.broadcast %parallel_loop3A_160 : i32 to vector<16xi32>
      %parallel_loop3A_162 = arith.subi %parallel_loop3A_159, %parallel_loop3A_161 : vector<16xi32>
      %parallel_loop3A_163 = arith.constant 128 : i32
      %parallel_loop3A_164 = vector.broadcast %parallel_loop3A_163 : i32 to vector<16xi32>
      %parallel_loop3A_165 = arith.addi %parallel_loop3A_162, %parallel_loop3A_164 : vector<16xi32>
      %parallel_loop3A_166 = tpu.vector_load_idx %arg7[%parallel_loop3A_162] : memref<9216xf32, #tpu.memory_space<vmem>>[vector<16xi32>], vector<16xf32>,
      %parallel_loop3A_167 = arith.constant 1 : i32
      %parallel_loop3A_168 = vector.broadcast %parallel_loop3A_167 : i32 to vector<16xi32>
      %parallel_loop3A_169 = arith.addi %parallel_loop3A_162, %parallel_loop3A_168 : vector<16xi32>
      %parallel_loop3A_170 = tpu.vector_load_idx %arg7[%parallel_loop3A_169] : memref<9216xf32, #tpu.memory_space<vmem>>[vector<16xi32>], vector<16xf32>,
      %parallel_loop3A_171 = tpu.vector_load_idx %arg7[%parallel_loop3A_165] : memref<9216xf32, #tpu.memory_space<vmem>>[vector<16xi32>], vector<16xf32>,
      %parallel_loop3A_172 = arith.constant 1 : i32
      %parallel_loop3A_173 = vector.broadcast %parallel_loop3A_172 : i32 to vector<16xi32>
      %parallel_loop3A_174 = arith.addi %parallel_loop3A_165, %parallel_loop3A_173 : vector<16xi32>
      %parallel_loop3A_175 = tpu.vector_load_idx %arg7[%parallel_loop3A_174] : memref<9216xf32, #tpu.memory_space<vmem>>[vector<16xi32>], vector<16xf32>,
      %parallel_loop3A_176 = arith.subf %parallel_loop3A_170, %parallel_loop3A_166 : vector<16xf32>
      %parallel_loop3A_177 = arith.mulf %parallel_loop3A_153, %parallel_loop3A_176 : vector<16xf32>
      %parallel_loop3A_178 = arith.addf %parallel_loop3A_166, %parallel_loop3A_177 : vector<16xf32>
      %parallel_loop3A_179 = arith.subf %parallel_loop3A_175, %parallel_loop3A_171 : vector<16xf32>
      %parallel_loop3A_180 = arith.mulf %parallel_loop3A_153, %parallel_loop3A_179 : vector<16xf32>
      %parallel_loop3A_181 = arith.addf %parallel_loop3A_171, %parallel_loop3A_180 : vector<16xf32>
      %parallel_loop3A_182 = arith.subf %parallel_loop3A_181, %parallel_loop3A_178 : vector<16xf32>
      %parallel_loop3A_183 = arith.mulf %parallel_loop3A_155, %parallel_loop3A_182 : vector<16xf32>
      %parallel_loop3A_184 = arith.addf %parallel_loop3A_178, %parallel_loop3A_183 : vector<16xf32>
      %parallel_loop3A_185 = arith.index_cast %parallel_loop3A_131 : i32 to index
      %parallel_loop3A_186 = tpu.vector_load %arg8[%parallel_loop3A_185] {strides = array<i32>} : memref<32768xf32, #tpu.memory_space<vmem>>, vector<16xf32>,
      tpu.vector_store %arg8[%parallel_loop3A_185], %parallel_loop3A_184 {strides = array<i32>} : memref<32768xf32, #tpu.memory_space<vmem>>, vector<16xf32>,
    } {sc.loop_unroll_factor = 8 : i64, sc.parallel_access}
    %add3A_66 = arith.constant 24576 : i32
    %add3A_67 = arith.addi %mul3A_2, %add3A_66 : i32
    %dma_start3A_68 = arith.constant 24576 : i32
    %dma_start3A_69 = tpu.memref_slice %arg8[%dma_start3A_68] : memref<32768xf32, #tpu.memory_space<vmem>> -> memref<8192xf32, #tpu.memory_space<vmem>>
    %dma_start3A_70 = tpu.memref_slice %arg4[%add3A_67] : memref<1048576xf32, #tpu.memory_space<hbm>> -> memref<8192xf32, #tpu.memory_space<hbm>>
    %dma_start3A_71 = tpu.memref_slice %arg4[%add3A_67] : memref<1048576xf32, #tpu.memory_space<hbm>> -> memref<8192xf32, #tpu.memory_space<hbm>>
    %dma_start3A_72 = arith.constant 24576 : i32
    %dma_start3A_73 = tpu.memref_slice %arg8[%dma_start3A_72] : memref<32768xf32, #tpu.memory_space<vmem>> -> memref<8192xf32, #tpu.memory_space<vmem>>
    tpu.enqueue_dma source(%dma_start3A_73 : memref<8192xf32, #tpu.memory_space<vmem>>) target(%dma_start3A_71 : memref<8192xf32, #tpu.memory_space<hbm>>) target_semaphore(%arg11 : memref<!tpu.dma_semaphore, #tpu.memory_space<semaphore_mem>>)
    %dma_wait3A_74 = arith.constant 0 : i32
    %dma_wait3A_75 = tpu.memref_slice %arg8[%dma_wait3A_74] : memref<32768xf32, #tpu.memory_space<vmem>> -> memref<8192xf32, #tpu.memory_space<vmem>>
    %dma_wait3A_76 = tpu.memref_slice %arg4[%add3A_22] : memref<1048576xf32, #tpu.memory_space<hbm>> -> memref<8192xf32, #tpu.memory_space<hbm>>
    %dma_wait3A_77 = tpu.memref_slice %arg4[%add3A_22] : memref<1048576xf32, #tpu.memory_space<hbm>> -> memref<8192xf32, #tpu.memory_space<hbm>>
    %dma_wait3A_78 = arith.constant 0 : i32
    %dma_wait3A_79 = tpu.memref_slice %arg8[%dma_wait3A_78] : memref<32768xf32, #tpu.memory_space<vmem>> -> memref<8192xf32, #tpu.memory_space<vmem>>
    tpu.wait_dma2 semaphore(%arg11 : memref<!tpu.dma_semaphore, #tpu.memory_space<semaphore_mem>>) src(%dma_wait3A_79 : memref<8192xf32, #tpu.memory_space<vmem>>) dst(%dma_wait3A_77 : memref<8192xf32, #tpu.memory_space<hbm>>)
    %dma_wait3A_80 = arith.constant 8192 : i32
    %dma_wait3A_81 = tpu.memref_slice %arg8[%dma_wait3A_80] : memref<32768xf32, #tpu.memory_space<vmem>> -> memref<8192xf32, #tpu.memory_space<vmem>>
    %dma_wait3A_82 = tpu.memref_slice %arg4[%add3A_41] : memref<1048576xf32, #tpu.memory_space<hbm>> -> memref<8192xf32, #tpu.memory_space<hbm>>
    %dma_wait3A_83 = tpu.memref_slice %arg4[%add3A_41] : memref<1048576xf32, #tpu.memory_space<hbm>> -> memref<8192xf32, #tpu.memory_space<hbm>>
    %dma_wait3A_84 = arith.constant 8192 : i32
    %dma_wait3A_85 = tpu.memref_slice %arg8[%dma_wait3A_84] : memref<32768xf32, #tpu.memory_space<vmem>> -> memref<8192xf32, #tpu.memory_space<vmem>>
    tpu.wait_dma2 semaphore(%arg11 : memref<!tpu.dma_semaphore, #tpu.memory_space<semaphore_mem>>) src(%dma_wait3A_85 : memref<8192xf32, #tpu.memory_space<vmem>>) dst(%dma_wait3A_83 : memref<8192xf32, #tpu.memory_space<hbm>>)
    %dma_wait3A_86 = arith.constant 16384 : i32
    %dma_wait3A_87 = tpu.memref_slice %arg8[%dma_wait3A_86] : memref<32768xf32, #tpu.memory_space<vmem>> -> memref<8192xf32, #tpu.memory_space<vmem>>
    %dma_wait3A_88 = tpu.memref_slice %arg4[%add3A_54] : memref<1048576xf32, #tpu.memory_space<hbm>> -> memref<8192xf32, #tpu.memory_space<hbm>>
    %dma_wait3A_89 = tpu.memref_slice %arg4[%add3A_54] : memref<1048576xf32, #tpu.memory_space<hbm>> -> memref<8192xf32, #tpu.memory_space<hbm>>
    %dma_wait3A_90 = arith.constant 16384 : i32
    %dma_wait3A_91 = tpu.memref_slice %arg8[%dma_wait3A_90] : memref<32768xf32, #tpu.memory_space<vmem>> -> memref<8192xf32, #tpu.memory_space<vmem>>
    tpu.wait_dma2 semaphore(%arg11 : memref<!tpu.dma_semaphore, #tpu.memory_space<semaphore_mem>>) src(%dma_wait3A_91 : memref<8192xf32, #tpu.memory_space<vmem>>) dst(%dma_wait3A_89 : memref<8192xf32, #tpu.memory_space<hbm>>)
    %dma_wait3A_92 = arith.constant 24576 : i32
    %dma_wait3A_93 = tpu.memref_slice %arg8[%dma_wait3A_92] : memref<32768xf32, #tpu.memory_space<vmem>> -> memref<8192xf32, #tpu.memory_space<vmem>>
    %dma_wait3A_94 = tpu.memref_slice %arg4[%add3A_67] : memref<1048576xf32, #tpu.memory_space<hbm>> -> memref<8192xf32, #tpu.memory_space<hbm>>
    %dma_wait3A_95 = tpu.memref_slice %arg4[%add3A_67] : memref<1048576xf32, #tpu.memory_space<hbm>> -> memref<8192xf32, #tpu.memory_space<hbm>>
    %dma_wait3A_96 = arith.constant 24576 : i32
    %dma_wait3A_97 = tpu.memref_slice %arg8[%dma_wait3A_96] : memref<32768xf32, #tpu.memory_space<vmem>> -> memref<8192xf32, #tpu.memory_space<vmem>>
    tpu.wait_dma2 semaphore(%arg11 : memref<!tpu.dma_semaphore, #tpu.memory_space<semaphore_mem>>) src(%dma_wait3A_97 : memref<8192xf32, #tpu.memory_space<vmem>>) dst(%dma_wait3A_95 : memref<8192xf32, #tpu.memory_space<hbm>>)
    return
  }
}

</mosaic_0001>

<sc_bundles>
// kernel: kernel.3.cloned.1.call-start
scs
__scs_entry_jumppad:
0x0: {  	(pc) =	sbr.rel $0x88, $3  }
0x1: {  	(tag) =	ssettag $0x0;
	lr =	simm.s32 $0x1  }
0x2: {  	[smem:$0x3F9F] =	sst lr;
	_ =	strace $0xD0000000  }
0x3: {  	_ = 	snop  }
0x4: {  	_ = 	snop  }
0x5: {  	_ = 	snop  }
0x6: {  	_ = 	snop  }
0x7: {  	_ = 	snop  }
__scs_overlays_trampoline_lowered:
0x8: {  	[smem:$0x3FAE] =	sst s0  }
0x9: {  	[smem:$0x3FAF] =	sst s1  }
0xa: {  	[smem:$0x3FB0] =	sst s2  }
0xb: {  	[smem:$0x3FB1] =	sst s3  }
0xc: {  	[smem:$0x3FB2] =	sst s4  }
0xd: {  	[smem:$0x3FB3] =	sst s5  }
0xe: {  	[smem:$0x3FB4] =	sst s6  }
0xf: {  	[smem:$0x3FB5] =	sst s7  }
0x10: {  	[smem:$0x3FB6] =	sst s8  }
0x11: {  	[smem:$0x3FB7] =	sst s9;
	s0 =	simm.s32 @!p0 $0x0  }
0x12: {  	s1 =	sld [smem:$0x3F9D];
	s0 =	simm.s32 @p0 $0x1  }
0x13: {  	[smem:$0x3FB8] =	sst s0;
	s0 =	simm.s32 @!p1 $0x0  }
0x14: {  	s2 =	sld [smem:$0x3F9C];
	s0 =	simm.s32 @p1 $0x1  }
0x15: {  	[smem:$0x3FB9] =	sst s0;
	s0 =	simm.s32 @!p2 $0x0  }
0x16: {  	s3 =	sld [smem:$0x3FDB];
	s0 =	simm.s32 @p2 $0x1  }
0x17: {  	s4 =	simm.s32 $0x1BF5;
	[smem:$0x3FBB] =	sst s0  }
0x18: {  	s0 =	sld [smem:$0x3F9E];
	_ =	swait.ge [sflag:s4], $0x0  }
0x19: {  	s7 =	sld [smem:$0x3F9F]  }
0x1a: {  	s8 =	sadd.s32 $0xFFFFE003, lr  }
0x1b: {  	s9 =	sadd.s32 $0xFFFFFEF7, lr;
	s5 =	simm.s32 $0xFFFFFFFF;
	p2 =	slt.u32 s8, $0xFFFFF086  }
0x1c: {  	p1 =	slt.u32 s9, $0xF7A;
	s5 =	simm.s32 @!p2 $0x0  }
0x1d: {  	s5 =	simm.s32 @p1 $0x1;
	p0 =	seq.s32 s7, s2  }
0x1e: {  	s7 =	smul.u32 @!p0 $0xF7A, s2;
	p2 =	seq.s32 @!p0 s5, $0x0  }
0x1f: {  	s9 =	smul.u32 $0xF7A, s1;
	s8 =	simm.s32 @!p0 $0x1BF5;
	p2 =	por !p2, p0  }
0x20: {  	[sflag:s8] =	ssyncset.s32 @!p0 $0xFFFFF086;
	s6 =	sadd.s32 @!p0 s3, s7;
	s7 =	simm.s32 @!p0 $0x108  }
0x21: {  	s3 =	sadd.s32 s3, s9;
	s6 =	sadd.s32 @!p0 $0x88, s6;
	s7 =	simm.s32 @p2 $0x1082  }
0x22: {  	[simem:s7], [sflag:s8] =	dma.local @!p0 [hbm:s6], $0xF7A  }
0x23: {  	s9 =	sor.u32 $0xD0000000, s2;
	s6 =	simm.s32 $0x108;
	_ =	swait.ge @!p0 [sflag:s8], $0x0  }
0x24: {  	s3 =	sadd.s32 $0x88, s3;
	s6 =	simm.s32 @!p1 $0x1082;
	[sflag:s4] =	ssyncset.s32 $0xFFFFF086  }
0x25: {  	[simem:s6], [sflag:s4] =	dma.local [hbm:s3], $0xF7A  }
0x26: {  	[smem:$0x3F9F] =	sst s1;
	(tag) =	ssettag s2;
	_ =	strace s9  }
0x27: {  	s1 =	sld [smem:$0x3FAF]  }
0x28: {  	s2 =	sld [smem:$0x3FB0]  }
0x29: {  	s4 =	sld [smem:$0x3FB2]  }
0x2a: {  	p0 =	seq.s32 s5, $0x0;
	s5 =	sld [smem:$0x3FB3]  }
0x2b: {  	s6 =	sld [smem:$0x3FB4]  }
0x2c: {  	s7 =	sld [smem:$0x3FB5]  }
0x2d: {  	s3 =	simm.s32 $0x108;
	s8 =	sld [smem:$0x3FB6]  }
0x2e: {  	s3 =	simm.s32 @!p0 $0x1082;
	s9 =	sld [smem:$0x3FB7]  }
0x2f: {  	lr =	sadd.s32 s0, s3;
	s0 =	sld [smem:$0x3FAE]  }
0x30: {  	s3 =	sld [smem:$0x3FB1]  }
0x31: {  	[smem:$0x3FBA] =	sst s10  }
0x32: {  	s10 =	sld [smem:$0x3FB8];
	_ =	sdelay $0x3  }
0x33: {  	p0 =	seq.s32 s10, $0x1;
	s10 =	sld [smem:$0x3FBA];
	_ =	sdelay $0x3  }
0x34: {  	[smem:$0x3FBA] =	sst s10  }
0x35: {  	s10 =	sld [smem:$0x3FB9];
	_ =	sdelay $0x3  }
0x36: {  	p1 =	seq.s32 s10, $0x1;
	s10 =	sld [smem:$0x3FBA];
	_ =	sdelay $0x3  }
0x37: {  	[smem:$0x3FBA] =	sst s10  }
0x38: {  	s10 =	sld [smem:$0x3FBB]  }
0x39: {  	_ = 	snop;
	(pc) =	sbr.ind lr, $3  }
0x3a: {  	_ = 	snop  }
0x3b: {  	_ = 	snop  }
0x3c: {  	p2 =	seq.s32 s10, $0x1;
	s10 =	sld [smem:$0x3FBA]  }
0x3d: {  	_ =	shalt  }
0x3e: {  	_ =	shalt  }
0x3f: {  	_ =	shalt  }
0x40: {  	_ =	shalt  }
0x41: {  	_ =	shalt  }
0x42: {  	_ =	shalt  }
0x43: {  	_ =	shalt  }
0x44: {  	_ =	shalt  }
0x45: {  	_ =	shalt  }
0x46: {  	_ =	shalt  }
0x47: {  	_ =	shalt  }
0x48: {  	_ =	shalt  }
0x49: {  	_ =	shalt  }
0x4a: {  	_ =	shalt  }
0x4b: {  	_ =	shalt  }
0x4c: {  	_ =	shalt  }
0x4d: {  	_ =	shalt  }
0x4e: {  	_ =	shalt  }
0x4f: {  	_ =	shalt  }
0x50: {  	_ =	shalt  }
0x51: {  	_ =	shalt  }
0x52: {  	_ =	shalt  }
0x53: {  	_ =	shalt  }
0x54: {  	_ =	shalt  }
0x55: {  	_ =	shalt  }
0x56: {  	_ =	shalt  }
0x57: {  	_ =	shalt  }
0x58: {  	_ =	shalt  }
0x59: {  	_ =	shalt  }
0x5a: {  	_ =	shalt  }
0x5b: {  	_ =	shalt  }
0x5c: {  	_ =	shalt  }
0x5d: {  	_ =	shalt  }
0x5e: {  	_ =	shalt  }
0x5f: {  	_ =	shalt  }
0x60: {  	_ =	shalt  }
0x61: {  	_ =	shalt  }
0x62: {  	_ =	shalt  }
0x63: {  	_ =	shalt  }
0x64: {  	_ =	shalt  }
0x65: {  	_ =	shalt  }
0x66: {  	_ =	shalt  }
0x67: {  	_ =	shalt  }
0x68: {  	_ =	shalt  }
0x69: {  	_ =	shalt  }
0x6a: {  	_ =	shalt  }
0x6b: {  	_ =	shalt  }
0x6c: {  	_ =	shalt  }
0x6d: {  	_ =	shalt  }
0x6e: {  	_ =	shalt  }
0x6f: {  	_ =	shalt  }
0x70: {  	_ =	shalt  }
0x71: {  	_ =	shalt  }
0x72: {  	_ =	shalt  }
0x73: {  	_ =	shalt  }
0x74: {  	_ =	shalt  }
0x75: {  	_ =	shalt  }
0x76: {  	_ =	shalt  }
0x77: {  	_ =	shalt  }
0x78: {  	_ =	shalt  }
0x79: {  	_ =	shalt  }
0x7a: {  	_ =	shalt  }
0x7b: {  	_ =	shalt  }
0x7c: {  	_ =	shalt  }
0x7d: {  	_ =	shalt  }
0x7e: {  	_ =	shalt  }
0x7f: {  	_ =	shalt  }
0x80: {  	_ =	shalt  }
0x81: {  	_ =	shalt  }
0x82: {  	_ =	shalt  }
0x83: {  	_ =	shalt  }
0x84: {  	_ =	shalt  }
0x85: {  	_ =	shalt  }
0x86: {  	_ =	shalt  }
0x87: {  	_ =	shalt  }
.Lfunc_end0:
.L_simem_size_0:
called_computation_lowered:
.L_overlay_start_0:
0x88: {  	s2 =	sld [smem:$0x3FD9]  }
0x89: {  	s3 =	sld [smem:$0x3FFE];
	_ =	sdelay $0x1  }
0x8a: {  	s1 =	srdreg.scid  }
0x8b: {  	s0 =	sand.u32 $0x1, s1  }
0x8c: {  	s17 =	sshll.u32 s0, $0xA;
	s2 =	sadd.s32 s3, s2  }
0x8d: {  	s2 =	sadd.s32 s2, s17  }
0x8e: {  	[smem:$0x3FC6] =	sst s2  }
0x8f: {  	_ = 	snop  }
0x90: {  	s2 =	sld [smem:$0x3FC9]  }
0x91: {  	s18 =	sld [smem:$0x3FD0];
	(tm) =	ssettm $0x1  }
0x92: {  	s4 =	sld [smem:$0x3FFB];
	_ =	sdelay $0x3  }
0x93: {  	_ =	strace s4  }
0x94: {  	s4 =	sld [smem:$0x3FFC];
	_ =	sdelay $0x3  }
0x95: {  	_ =	strace s4  }
0x96: {  	s4 =	sld [smem:$0x3FFD];
	_ =	sdelay $0x3  }
0x97: {  	_ =	strace s4  }
0x98: {  	_ =	strace $0x8FFFFFFF  }
0x99: {  	s19 =	sld [smem:$0x3FDB];
	_ =	sdelay $0x1  }
0x9a: {  	s5 =	simm.s32 $_scs_section_size  }
0x9b: {  	s6 =	simm.s32 $_size__tile_overlayer_lowered;
	s7 =	simm.s32 $_tile_overlayer_lowered  }
0x9c: {  	s22 =	simm.s32 $0x1BFF;
	s21 =	sshll.u32 s7, $0x1;
	s4 =	sadd.s32 s5, s19  }
0x9d: {  	s8 =	simm.s32 $0x0;
	s20 =	sshll.u32 s6, $0x1;
	s6 =	sadd.s32 s21, s4  }
0x9e: {  	[timem:s8], [sflag:s22] =	dma.local [hbm:s6], s20  }
0x9f: {  	_ =	swait.ge [sflag:s22], s20  }
0xa0: {  	s5 =	ssub.s32 $0x0, s20;
	[sflag:s22] =	ssyncset.done $0x0  }
0xa1: {  	[sflag:s22] =	ssyncadd.s32 s5;
	_ =	sdelay $0x1  }
0xa2: {  	s23 =	simm.s32 $0x1B8B  }
0xa3: {  	_ =	swait.ge [sflag:s23], $0x1  }
0xa4: {  	[sflag:s23] =	ssyncset.done $0x0  }
0xa5: {  	s25 =	simm.s32 $0x1B8E;
	s24 =	sld [smem:$0x3FFE];
	[sflag:s23] =	ssyncadd.s32 $0xFFFFFFFF  }
0xa6: {  	s26 =	simm.s32 $execute0_lowered;
	[smem:$0x3FD2] =	sst s25  }
0xa7: {  	s6 =	sshll.u32 s26, $0x1;
	_ =	strace $0x80000046;
	[dreg:$0x1] =	wrdreg $0xFFFFFFFF  }
0xa8: {  	s28 =	simm.s32 $_size_execute0_lowered;
	s4 =	sadd.s32 s4, s6;
	[dreg:$0x0] =	wrdreg $0x0  }
0xa9: {  	s6 =	sshll.u32 s28, $0x1;
	[dreg:$0x2] =	wrdreg s4  }
0xaa: {  	[dreg:$0x3] =	wrdreg s6  }
0xab: {  	[dreg:$0x4] =	wrdreg $0xC0  }
0xac: {  	_ =	task [dreg:s8], $0x5FFFF  }
0xad: {  	[dreg:$0x1] =	wrdreg $0xFFFFFFFF  }
0xae: {  	[dreg:$0x0] =	wrdreg $0x60  }
0xaf: {  	[dreg:$0x2] =	wrdreg s2  }
0xb0: {  	[dreg:$0x3] =	wrdreg s24  }
0xb1: {  	[dreg:$0x4] =	wrdreg s18  }
0xb2: {  	[dreg:$0x5] =	wrdreg $0x9  }
0xb3: {  	_ =	task.clear_ibuf [dreg:s8], $0x6FFFF;
	_ =	strace $0x90000046  }
0xb4: {  	s29 =	simm.s32 $0x9;
	_ =	strace $0x80000048  }
0xb5: {  	_ =	swait.ge [sflag:s29], $0x1  }
0xb6: {  	[sflag:s29] =	ssyncadd.s32 $0xFFFFFFFF  }
0xb7: {  	_ =	strace $0x90000048  }
0xb8: {  	_ =	sfence  }
0xb9: {  	s30 =	sld [smem:$0x0];
	_ =	sdelay $0x2  }
0xba: {  	s31 =	sshll.u32 s1, $0xD;
	s1 =	sshrl.u32 s1, $0x2  }
0xbb: {  	s3 =	sand.u32 $0x4000, s31;
	s1 =	sadd.s32 s1, s30  }
0xbc: {  	s0 =	sor.u32 s3, s0;
	s1 =	sshll.u32 s1, $0x11  }
0xbd: {  	s0 =	sor.u32 s1, s0  }
0xbe: {  	s0 =	sadd.s32 $0x8F2B, s0  }
0xbf: {  	[sflag:s0] =	ssyncadd.remote.s32 $0x1  }
0xc0: {  	_ =	sfence.sel $0xFFFF  }
0xc1: {  	[dreg:$0x0] =	wrdreg $0xFFFFFFFF;
	(pc) =	sbr.abs _section_cstart, $3  }
0xc2: {  	[dreg:$0x1] =	wrdreg $0xFFFFFFFF  }
0xc3: {  	_ =	task.clear_ibuf [dreg:s8], $0x2FFFF;
	_ =	strace $0x9FFFFFFF  }
0xc4: {  	(tm) =	ssettm $0x7FFFFFFF  }
0xc5: {  	_ =	shalt  }
tec
execute0_lowered:
.L_overlay_start_1:
0x0: {  	(tag) =	ssettag $0x1  }
0x1: {  	s4 =	rddreg [dreg:$0x0]  }
0x2: {  	s3 =	rddreg [dreg:$0x1]  }
0x3: {  	s7 =	rddreg [dreg:$0x2];
	s5 =	srdreg.scid  }
0x4: {  	s1 =	stileid.u32;
	s2 =	simm.s32 $0x0;
	s13 =	simm.s32 $0x4000  }
0x5: {  	s14 =	simm.s32 $0x8000;
	s15 =	simm.s32 $0x4;
	s16 =	simm.s32 $0x1  }
0x6: {  	s17 =	simm.s32 $0xA400;
	s18 =	simm.s32 $0x2;
	s19 =	simm.s32 $0xC400  }
0x7: {  	s20 =	simm.s32 $0xE400;
	s21 =	simm.s32 $0x10400;
	s22 =	simm.s32 $0x3  }
0x8: {  	s23 =	simm.s32 $0x0;
	s5 =	sand.u32 $0x1, s5;
	s6 =	sshll.u32 s1, $0x1  }
0x9: {  	[smem:$0x7FF] =	sst s2;
	s3 =	sadd.s32 $0x400, s3;
	s6 =	sor.u32 s5, s6  }
0xa: {  	_ =	strace $0x80000047;
	s5 =	ssub.s32 $0x2, s5;
	s8 =	sshll.u32 s6, $0xD  }
0xb: {  	s9 =	sshrl.u32 s5, $0x1;
	s31 =	sshll.u32 s6, $0xC;
	s4 =	sadd.s32 s4, s8  }
0xc: {  	s12 =	ssub.s32 s5, s9;
	s7 =	sadd.s32 s7, s31;
	s5 =	sadd.s32 $0x800, s4  }
0xd: {  	s6 =	sadd.s32 $0x1000, s4;
	s8 =	sadd.s32 $0x1800, s4;
	s9 =	sadd.s32 $0x400, s7  }
0xe: {  	s10 =	sadd.s32 $0x800, s7;
	s11 =	sadd.s32 $0xC00, s7;
	s12 =	smax.u32 s12, $0x1  }
.LBB2_1:
0xf: {  	[tilespmem:s2], [sflag:$0x1] =	stream.linear.gather [hbm4b:s4+s2], $0x4000, $0x38;
	[tilespmem:$0x12400] =	vst v63  }
0x10: {  	_ = 	snop  }
0x11: {  	[tilespmem:s13], [sflag:$0x2] =	stream.linear.gather [hbm4b:s5+s2], $0x4000, $0x38;
	[tilespmem:$0x12400] =	vst v63  }
0x12: {  	_ = 	snop  }
0x13: {  	[tilespmem:s14], [sflag:$0x4] =	stream.linear.gather [hbm4b:s3+s2], $0x2400, $0x38;
	[tilespmem:$0x12400] =	vst v63  }
0x14: {  	_ =	swait.ge [sflag:s15], $0x2400  }
0x15: {  	[sflag:s15] =	ssyncset.done $0x0  }
0x16: {  	s24 =	simm.s32 $0x0;
	[sflag:s15] =	ssyncadd.s32 $0xFFFFDC00  }
0x17: {  	s25 =	simm.s32 $0x0;
	s24 =	sand.u32 $0xC00, s24;
	_ =	swait.ge [sflag:s16], $0x4000  }
0x18: {  	s25 =	sand.u32 $0x3FFFFC00, s25;
	s26 =	sshrl.u32 s24, $0x2;
	[sflag:s16] =	ssyncset.done $0x0  }
0x19: {  	s25 =	sor.u32 s26, s25;
	[sflag:s16] =	ssyncadd.s32 $0xFFFFC000  }
0x1a: {  	v0 =	vld [tilespmem:s25+$0xF0]  }
0x1b: {  	v1 =	vld [tilespmem:s25+$0x70]  }
0x1c: {  	v2 =	vld [tilespmem:s25+$0x80]  }
0x1d: {  	v3 =	vld [tilespmem:s25+$0x90]  }
0x1e: {  	v12 =	vld [tilespmem:s25+$0x0]  }
0x1f: {  	v14 =	vld [tilespmem:s25+$0x20]  }
0x20: {  	v16 =	vld [tilespmem:s25+$0x30]  }
0x21: {  	v17 =	vld [tilespmem:s25+$0x40]  }
0x22: {  	v18 =	vld [tilespmem:s25+$0x50]  }
0x23: {  	v20 =	vld [tilespmem:s25+$0x60];
	v0 =	vmul.f32 $6.400000000e+01, v0  }
0x24: {  	v4 =	vld [tilespmem:s25+$0xA0];
	v1 =	vmul.f32 $6.400000000e+01, v1;
	v2 =	vmul.f32 $6.400000000e+01, v2  }
0x25: {  	v6 =	vld [tilespmem:s25+$0xB0];
	v3 =	vmul.f32 $6.400000000e+01, v3;
	v12 =	vmul.f32 $6.400000000e+01, v12  }
0x26: {  	v8 =	vld [tilespmem:s25+$0xC0];
	v14 =	vmul.f32 $6.400000000e+01, v14;
	v16 =	vmul.f32 $6.400000000e+01, v16  }
0x27: {  	v9 =	vld [tilespmem:s25+$0xD0];
	v17 =	vmul.f32 $6.400000000e+01, v17;
	v18 =	vmul.f32 $6.400000000e+01, v18;
	v10 =	vadd.f32 $6.350000000e+01, v0  }
0x28: {  	v20 =	vmul.f32 $6.400000000e+01, v20;
	v11 =	vadd.f32 $6.350000000e+01, v1;
	v7 =	vadd.f32 $6.350000000e+01, v2  }
0x29: {  	v1 =	vmul.f32 $6.400000000e+01, v4;
	v5 =	vadd.f32 $6.350000000e+01, v3;
	v2 =	vtrunc.f32 v10  }
0x2a: {  	v12 =	vadd.f32 $6.350000000e+01, v12;
	v3 =	vtrunc.f32 v11;
	v13 =	vcvt.f32.s32 v2  }
0x2b: {  	v14 =	vadd.f32 $6.350000000e+01, v14;
	v2 =	vmul.f32 $6.400000000e+01, v6;
	v15 =	vcvt.f32.s32 v3  }
0x2c: {  	v6 =	vmul.f32 $6.400000000e+01, v8;
	v8 =	vmul.f32 $6.400000000e+01, v9;
	v9 =	vshll.u32 v13, $0x7  }
0x2d: {  	v16 =	vadd.f32 $6.350000000e+01, v16;
	v18 =	vadd.f32 $6.350000000e+01, v18;
	v9 =	vadd.s32 v15, v9  }
0x2e: {  	v4 =	vld [tilespmem:s25+$0x10];
	v1 =	vadd.f32 $6.350000000e+01, v1;
	v22 =	vtrunc.f32 v7;
	v19 =	vadd.s32 $0xFFFFE041, v9  }
0x2f: {  	v0 =	vld [tilespmem:s25+$0xE0];
	v3 =	vadd.f32 $6.350000000e+01, v2;
	v2 =	vadd.f32 $6.350000000e+01, v8;
	v8 =	vadd.s32 $0xFFFFE042, v9  }
0x30: {  	v31 =	vtrunc.f32 v12;
	v32 =	vtrunc.f32 v14;
	v21 =	vadd.s32 $0xFFFFE0C1, v9  }
0x31: {  	v34 =	vtrunc.f32 v16;
	v37 =	vtrunc.f32 v18;
	v9 =	vadd.s32 $0xFFFFE0C2, v9  }
0x32: {  	v17 =	vadd.f32 $6.350000000e+01, v17;
	v22 =	vcvt.f32.s32 v22;
	v60 =	vcvt.f32.s32 v34  }
0x33: {  	v20 =	vadd.f32 $6.350000000e+01, v20;
	v24 =	vtrunc.f32 v1;
	v4 =	vmul.f32 $6.400000000e+01, v4;
	v19 =	vld.idx.msk [tilespmem:v19+s14+$0x0], $0xffff  }
0x34: {  	v0 =	vmul.f32 $6.400000000e+01, v0;
	v6 =	vadd.f32 $6.350000000e+01, v6;
	v24 =	vcvt.f32.s32 v24;
	v8 =	vld.idx.msk [tilespmem:v8+s14+$0x0], $0xffff  }
0x35: {  	v13 =	vcvt.s32.f32 v13;
	v23 =	vadd.f32 $6.350000000e+01, v4;
	v4 =	vtrunc.f32 v5;
	v21 =	vld.idx.msk [tilespmem:v21+s14+$0x0], $0xffff  }
0x36: {  	v0 =	vadd.f32 $6.350000000e+01, v0;
	v25 =	vtrunc.f32 v3;
	v26 =	vtrunc.f32 v6;
	v9 =	vld.idx.msk [tilespmem:v9+s14+$0x0], $0xffff  }
0x37: {  	v27 =	vtrunc.f32 v2;
	v10 =	vsub.f32 v10, v13;
	v13 =	vcvt.f32.s32 v32  }
0x38: {  	v33 =	vshll.u32 v24, $0x7;
	v29 =	vcvt.f32.s32 v4;
	v4 =	vcvt.s32.f32 v15  }
0x39: {  	v32 =	vcvt.s32.f32 v60;
	v25 =	vcvt.f32.s32 v25;
	v15 =	vshll.u32 v22, $0x7  }
0x3a: {  	v26 =	vcvt.f32.s32 v26;
	v27 =	vcvt.f32.s32 v27;
	v4 =	vsub.f32 v11, v4  }
0x3b: {  	v22 =	vcvt.s32.f32 v22;
	v8 =	vsub.f32 v8, v19;
	v9 =	vsub.f32 v9, v21  }
0x3c: {  	v28 =	vtrunc.f32 v0;
	v33 =	vadd.s32 v13, v33;
	v13 =	vcvt.s32.f32 v13  }
0x3d: {  	v30 =	vshll.u32 v29, $0x7;
	v8 =	vmul.f32 v4, v8;
	v4 =	vmul.f32 v9, v4  }
0x3e: {  	v28 =	vcvt.f32.s32 v28;
	v11 =	vtrunc.f32 v23;
	v35 =	vshll.u32 v25, $0x7  }
0x3f: {  	v36 =	vshll.u32 v26, $0x7;
	v8 =	vadd.f32 v8, v19;
	v4 =	vadd.f32 v4, v21  }
0x40: {  	v42 =	vadd.s32 $0xFFFFE041, v33;
	v43 =	vadd.s32 $0xFFFFE0C1, v33;
	v19 =	vcvt.f32.s32 v31  }
0x41: {  	v44 =	vadd.s32 $0xFFFFE042, v33;
	v33 =	vadd.s32 $0xFFFFE0C2, v33;
	v4 =	vsub.f32 v4, v8  }
0x42: {  	v29 =	vcvt.s32.f32 v29;
	v7 =	vsub.f32 v7, v22;
	v15 =	vadd.s32 v19, v15  }
0x43: {  	v11 =	vcvt.f32.s32 v11;
	v62 =	vadd.s32 $0xFFFFE041, v15;
	v4 =	vmul.f32 v4, v10  }
0x44: {  	v35 =	vadd.s32 v60, v35;
	v13 =	vsub.f32 v14, v13;
	v38 =	vadd.s32 $0xFFFFE0C1, v15  }
0x45: {  	v14 =	vsub.f32 v16, v32;
	v31 =	vtrunc.f32 v20;
	v4 =	vadd.f32 v4, v8  }
0x46: {  	v61 =	vshll.u32 v28, $0x7;
	v45 =	vadd.s32 $0xFFFFE041, v35;
	v31 =	vcvt.f32.s32 v31  }
0x47: {  	v21 =	vshll.u32 v27, $0x7;
	v19 =	vcvt.s32.f32 v19;
	v10 =	vadd.s32 v11, v30;
	[tilespmem:$0x1FFB0] =	vst v4  }
0x48: {  	v34 =	vadd.s32 v31, v61;
	v30 =	vcvt.f32.s32 v37;
	v39 =	vadd.s32 $0xFFFFE041, v10;
	v37 =	vld.idx.msk [tilespmem:v62+s14+$0x0], $0xffff  }
0x49: {  	v11 =	vcvt.s32.f32 v11;
	v12 =	vsub.f32 v12, v19;
	v8 =	vadd.s32 $0xFFFFE042, v15;
	v38 =	vld.idx.msk [tilespmem:v38+s14+$0x0], $0xffff  }
0x4a: {  	v21 =	vadd.s32 v30, v21;
	v15 =	vadd.s32 $0xFFFFE0C2, v15;
	v19 =	vcvt.s32.f32 v30;
	v30 =	vld.idx.msk [tilespmem:v42+s14+$0x0], $0xffff  }
0x4b: {  	v41 =	vadd.s32 $0xFFFFE042, v10;
	v11 =	vsub.f32 v23, v11;
	v23 =	vcvt.s32.f32 v31;
	v31 =	vld.idx.msk [tilespmem:v44+s14+$0x0], $0xffff  }
0x4c: {  	v46 =	vadd.s32 $0xFFFFE0C1, v35;
	v9 =	vtrunc.f32 v17;
	v40 =	vadd.s32 $0xFFFFE0C1, v10;
	v16 =	vld.idx.msk [tilespmem:v43+s14+$0x0], $0xffff  }
0x4d: {  	v28 =	vcvt.s32.f32 v28;
	v9 =	vcvt.f32.s32 v9;
	v10 =	vadd.s32 $0xFFFFE0C2, v10;
	v39 =	vld.idx.msk [tilespmem:v39+s14+$0x0], $0xffff  }
0x4e: {  	v47 =	vadd.s32 $0xFFFFE042, v35;
	v35 =	vadd.s32 $0xFFFFE0C2, v35;
	v29 =	vsub.f32 v5, v29;
	v8 =	vld.idx.msk [tilespmem:v8+s14+$0x0], $0xffff  }
0x4f: {  	v0 =	vsub.f32 v0, v28;
	v27 =	vcvt.s32.f32 v27;
	v36 =	vadd.s32 v9, v36;
	v15 =	vld.idx.msk [tilespmem:v15+s14+$0x0], $0xffff  }
0x50: {  	v9 =	vcvt.s32.f32 v9;
	v48 =	vadd.s32 $0xFFFFE041, v36;
	v49 =	vadd.s32 $0xFFFFE0C1, v36;
	v41 =	vld.idx.msk [tilespmem:v41+s14+$0x0], $0xffff  }
0x51: {  	v50 =	vadd.s32 $0xFFFFE042, v36;
	v36 =	vadd.s32 $0xFFFFE0C2, v36;
	v2 =	vsub.f32 v2, v27;
	v40 =	vld.idx.msk [tilespmem:v40+s14+$0x0], $0xffff  }
0x52: {  	v9 =	vsub.f32 v17, v9;
	v54 =	vadd.s32 $0xFFFFE041, v34;
	v56 =	vadd.s32 $0xFFFFE042, v34;
	v10 =	vld.idx.msk [tilespmem:v10+s14+$0x0], $0xffff  }
0x53: {  	v51 =	vadd.s32 $0xFFFFE041, v21;
	v20 =	vsub.f32 v20, v23;
	v23 =	vcvt.s32.f32 v24;
	v17 =	vld.idx.msk [tilespmem:v33+s14+$0x0], $0xffff  }
0x54: {  	v52 =	vadd.s32 $0xFFFFE0C1, v21;
	v63 =	vld.idx.msk [tilespmem:v45+s14+$0x0], $0xffff;
	v8 =	vsub.f32 v8, v37;
	v15 =	vsub.f32 v15, v38  }
0x55: {  	v18 =	vsub.f32 v18, v19;
	v24 =	vcvt.s32.f32 v25;
	v22 =	vld.idx.msk [tilespmem:v46+s14+$0x0], $0xffff;
	v1 =	vsub.f32 v1, v23  }
0x56: {  	v25 =	vld.idx.msk [tilespmem:v35+s14+$0x0], $0xffff;
	v19 =	vsub.f32 v41, v39;
	v8 =	vmul.f32 v12, v8;
	v12 =	vmul.f32 v15, v12  }
0x57: {  	v53 =	vadd.s32 $0xFFFFE042, v21;
	v23 =	vld.idx.msk [tilespmem:v49+s14+$0x0], $0xffff;
	v3 =	vsub.f32 v3, v24;
	v10 =	vsub.f32 v10, v40  }
0x58: {  	v19 =	vmul.f32 v11, v19;
	v15 =	vld.idx.msk [tilespmem:v47+s14+$0x0], $0xffff;
	v8 =	vadd.f32 v8, v37;
	v12 =	vadd.f32 v12, v38  }
0x59: {  	v24 =	vld.idx.msk [tilespmem:v36+s14+$0x0], $0xffff;
	v5 =	vmul.f32 v10, v11;
	v10 =	vcvt.s32.f32 v26;
	v26 =	vsub.f32 v31, v30  }
0x5a: {  	v21 =	vadd.s32 $0xFFFFE0C2, v21;
	v17 =	vsub.f32 v17, v16;
	v11 =	vld.idx.msk [tilespmem:v48+s14+$0x0], $0xffff;
	v12 =	vsub.f32 v12, v8  }
0x5b: {  	v25 =	vsub.f32 v25, v22;
	v31 =	vld.idx.msk [tilespmem:v50+s14+$0x0], $0xffff;
	v19 =	vadd.f32 v19, v39;
	v26 =	vmul.f32 v13, v26  }
0x5c: {  	v41 =	vsub.f32 v6, v10;
	v10 =	vmul.f32 v17, v13;
	v17 =	vld.idx.msk [tilespmem:v53+s14+$0x0], $0xffff;
	v7 =	vmul.f32 v12, v7  }
0x5d: {  	v55 =	vadd.s32 $0xFFFFE0C1, v34;
	v5 =	vadd.f32 v5, v40;
	v6 =	vsub.f32 v15, v63;
	v15 =	vld.idx.msk [tilespmem:v51+s14+$0x0], $0xffff;
	[tilespmem:$0x1FFD0] =	vst v2  }
0x5e: {  	v34 =	vadd.s32 $0xFFFFE0C2, v34;
	v26 =	vadd.f32 v26, v30;
	v27 =	vld.idx.msk [tilespmem:v52+s14+$0x0], $0xffff;
	[tilespmem:$0x1FFF0] =	vst v0;
	v4 =	vadd.f32 v7, v8  }
0x5f: {  	v13 =	vsub.f32 v5, v19;
	v10 =	vadd.f32 v10, v16;
	v12 =	vmul.f32 v25, v14;
	v0 =	vld.idx.msk [tilespmem:v21+s14+$0x0], $0xffff  }
0x60: {  	s31 =	simm.s32 $0x400;
	v2 =	vmul.f32 v14, v6;
	v14 =	vsub.f32 v31, v11;
	v16 =	vld.idx.msk [tilespmem:v54+s14+$0x0], $0xffff;
	[tilespmem:$0x1FFC0] =	vst v4  }
0x61: {  	s28 =	simm.s32 $0x100;
	s0 =	sand.u32 $0xC00, s31;
	v8 =	vsub.f32 v10, v26;
	v12 =	vadd.f32 v12, v22;
	v21 =	vld.idx.msk [tilespmem:v56+s14+$0x0], $0xffff  }
0x62: {  	s30 =	sand.u32 $0x3FFFFC00, s28;
	s28 =	sshrl.u32 s0, $0x2;
	v10 =	vmul.f32 v13, v29;
	v13 =	vsub.f32 v24, v23;
	v2 =	vadd.f32 v2, v63;
	v22 =	vld.idx.msk [tilespmem:v55+s14+$0x0], $0xffff  }
0x63: {  	s25 =	sor.u32 s28, s30;
	v14 =	vmul.f32 v9, v14;
	v17 =	vsub.f32 v17, v15;
	v24 =	vld.idx.msk [tilespmem:v34+s14+$0x0], $0xffff  }
0x64: {  	v8 =	vmul.f32 v8, v1;
	v9 =	vmul.f32 v13, v9;
	v13 =	vld [tilespmem:s25+$0xF0];
	v12 =	vsub.f32 v12, v2  }
0x65: {  	v10 =	vadd.f32 v10, v19;
	v1 =	vadd.f32 v14, v11;
	v11 =	vld [tilespmem:s25+$0x70];
	v14 =	vmul.f32 v18, v17  }
0x66: {  	v19 =	vld [tilespmem:s25+$0x80];
	v17 =	vadd.f32 v9, v23;
	v9 =	vsub.f32 v0, v27;
	v3 =	vmul.f32 v12, v3  }
0x67: {  	v0 =	vadd.f32 v14, v15  }
0x68: {  	v12 =	vld [tilespmem:s25+$0x90];
	v15 =	vmul.f32 v9, v18;
	v9 =	vadd.f32 v3, v2;
	v2 =	vsub.f32 v17, v1  }
0x69: {  	v8 =	vadd.f32 v8, v26;
	v18 =	vld [tilespmem:s25+$0xA0];
	v14 =	vsub.f32 v21, v16  }
0x6a: {  	v17 =	vld [tilespmem:s25+$0xB0];
	v13 =	vmul.f32 $6.400000000e+01, v13;
	v21 =	vsub.f32 v24, v22;
	v2 =	vmul.f32 v2, v41  }
0x6b: {  	v11 =	vmul.f32 $6.400000000e+01, v11;
	v15 =	vadd.f32 v15, v27;
	v19 =	vmul.f32 $6.400000000e+01, v19  }
0x6c: {  	v24 =	vld [tilespmem:s25+$0xC0];
	v14 =	vmul.f32 v20, v14;
	v26 =	vadd.f32 $6.350000000e+01, v13;
	v27 =	vmul.f32 v21, v20;
	[tilespmem:$0x1FFA0] =	vst v2  }
0x6d: {  	v12 =	vmul.f32 $6.400000000e+01, v12;
	v29 =	vadd.f32 $6.350000000e+01, v11;
	v23 =	vadd.f32 $6.350000000e+01, v19;
	v25 =	vld [tilespmem:s25+$0xD0]  }
0x6e: {  	v13 =	vmul.f32 $6.400000000e+01, v18;
	v20 =	vld [tilespmem:s25+$0xE0];
	v2 =	vadd.f32 v14, v16;
	v14 =	vtrunc.f32 v26  }
0x6f: {  	v11 =	vld [tilespmem:s25+$0x0];
	v21 =	vadd.f32 $6.350000000e+01, v12;
	v12 =	vtrunc.f32 v29;
	v17 =	vmul.f32 $6.400000000e+01, v17  }
0x70: {  	v16 =	vld [tilespmem:s25+$0x10];
	v46 =	vtrunc.f32 v23;
	v14 =	vcvt.f32.s32 v14  }
0x71: {  	v18 =	vld [tilespmem:s25+$0x20];
	v28 =	vcvt.f32.s32 v12;
	v19 =	vmul.f32 $6.400000000e+01, v24  }
0x72: {  	v30 =	vld [tilespmem:s25+$0x30];
	v36 =	vcvt.f32.s32 v46;
	v12 =	vadd.f32 $6.350000000e+01, v17;
	v47 =	vtrunc.f32 v21  }
0x73: {  	v3 =	vsub.f32 v15, v0;
	v43 =	vld [tilespmem:s25+$0x50];
	v37 =	vcvt.f32.s32 v47;
	v51 =	vcvt.s32.f32 v28  }
0x74: {  	v15 =	vshll.u32 v36, $0x7;
	v36 =	vcvt.s32.f32 v36;
	v48 =	vtrunc.f32 v12  }
0x75: {  	v22 =	vadd.f32 v27, v22;
	v24 =	vmul.f32 $6.400000000e+01, v25;
	v31 =	vmul.f32 $6.400000000e+01, v20  }
0x76: {  	v13 =	vadd.f32 $6.350000000e+01, v13;
	v42 =	vmul.f32 $6.400000000e+01, v11;
	v16 =	vmul.f32 $6.400000000e+01, v16  }
0x77: {  	v17 =	vld [tilespmem:s25+$0x40];
	v25 =	vshll.u32 v14, $0x7;
	v18 =	vmul.f32 $6.400000000e+01, v18;
	v30 =	vmul.f32 $6.400000000e+01, v30  }
0x78: {  	v20 =	vadd.f32 $6.350000000e+01, v19;
	v33 =	vmul.f32 $6.400000000e+01, v43;
	v39 =	vcvt.f32.s32 v48  }
0x79: {  	v52 =	vshll.u32 v37, $0x7;
	v25 =	vadd.s32 v28, v25;
	v19 =	vadd.f32 $6.350000000e+01, v24;
	v24 =	vld [tilespmem:s25+$0x60]  }
0x7a: {  	v29 =	vsub.f32 v29, v51;
	v11 =	vadd.f32 $6.350000000e+01, v31;
	v31 =	vadd.s32 $0xFFFFE0C1, v25  }
0x7b: {  	v44 =	vadd.s32 $0xFFFFE041, v25;
	v45 =	vadd.s32 $0xFFFFE042, v25;
	v25 =	vadd.s32 $0xFFFFE0C2, v25  }
0x7c: {  	v32 =	vadd.f32 $6.350000000e+01, v42;
	v16 =	vadd.f32 $6.350000000e+01, v16;
	v17 =	vmul.f32 $6.400000000e+01, v17  }
0x7d: {  	v14 =	vcvt.s32.f32 v14;
	v18 =	vadd.f32 $6.350000000e+01, v18;
	v30 =	vadd.f32 $6.350000000e+01, v30  }
0x7e: {  	v49 =	vtrunc.f32 v20;
	v38 =	vadd.f32 $6.350000000e+01, v17;
	v17 =	vmul.f32 $6.400000000e+01, v24  }
0x7f: {  	v33 =	vadd.f32 $6.350000000e+01, v33;
	v27 =	vcvt.f32.s32 v49;
	v50 =	vtrunc.f32 v19;
	v31 =	vld.idx.msk [tilespmem:v31+s14+$0x0], $0xffff  }
0x80: {  	v53 =	vtrunc.f32 v32;
	v54 =	vtrunc.f32 v16;
	v42 =	vadd.f32 $6.350000000e+01, v17;
	v17 =	vld.idx.msk [tilespmem:v25+s14+$0x0], $0xffff  }
0x81: {  	v58 =	vshll.u32 v39, $0x7;
	v55 =	vtrunc.f32 v18;
	v57 =	vtrunc.f32 v30  }
0x82: {  	v14 =	vsub.f32 v26, v14;
	v60 =	vtrunc.f32 v33;
	v28 =	vcvt.f32.s32 v50;
	v34 =	vld.idx.msk [tilespmem:v44+s14+$0x0], $0xffff  }
0x83: {  	v59 =	vshll.u32 v27, $0x7;
	v41 =	vcvt.f32.s32 v54;
	v26 =	vcvt.f32.s32 v55;
	v35 =	vld.idx.msk [tilespmem:v45+s14+$0x0], $0xffff  }
0x84: {  	v24 =	vtrunc.f32 v13;
	v61 =	vshll.u32 v28, $0x7;
	v44 =	vcvt.f32.s32 v57  }
0x85: {  	v43 =	vcvt.f32.s32 v24;
	v25 =	vtrunc.f32 v11;
	v17 =	vsub.f32 v17, v31  }
0x86: {  	v45 =	vcvt.f32.s32 v60;
	v48 =	vadd.s32 v44, v58;
	v25 =	vcvt.f32.s32 v25  }
0x87: {  	[tilespmem:$0x1FFE0] =	vst v3;
	v3 =	vld [tilespmem:$0x1FFB0];
	v56 =	vshll.u32 v43, $0x7;
	v60 =	vadd.s32 $0xFFFFE0C1, v48;
	v17 =	vmul.f32 v17, v29  }
0x88: {  	v62 =	vtrunc.f32 v42;
	v46 =	vadd.s32 v26, v56;
	v35 =	vsub.f32 v35, v34  }
0x89: {  	s31 =	sand.u32 $0x1000, s2;
	s28 =	simm.s32 $0x0;
	v63 =	vshll.u32 v25, $0x7;
	v17 =	vadd.f32 v17, v31;
	v31 =	vcvt.f32.s32 v53  }
0x8a: {  	s24 =	sor.u32 s24, s31;
	s28 =	sand.u32 $0x380, s28;
	v40 =	vcvt.f32.s32 v62;
	v56 =	vadd.s32 $0xFFFFE041, v46;
	v35 =	vmul.f32 v29, v35  }
0x8b: {  	s24 =	sor.u32 s28, s24;
	v57 =	vadd.s32 $0xFFFFE0C1, v46;
	v58 =	vadd.s32 $0xFFFFE042, v46;
	v15 =	vadd.s32 v31, v15  }
0x8c: {  	v46 =	vadd.s32 $0xFFFFE0C2, v46;
	[tilespmem:s24+$0xA470] =	vst v3;
	v34 =	vadd.f32 v35, v34;
	v49 =	vadd.s32 $0xFFFFE041, v15  }
0x8d: {  	v47 =	vadd.s32 v40, v63;
	v3 =	vld [tilespmem:$0x1FFC0];
	[tilespmem:s24+$0xA420] =	vst v8;
	v8 =	vsub.f32 v23, v36;
	v51 =	vadd.s32 $0xFFFFE042, v15  }
0x8e: {  	v29 =	vtrunc.f32 v38;
	v17 =	vsub.f32 v17, v34;
	v50 =	vadd.s32 $0xFFFFE0C1, v15  }
0x8f: {  	v35 =	vadd.s32 v45, v61;
	v29 =	vcvt.f32.s32 v29;
	v15 =	vadd.s32 $0xFFFFE0C2, v15  }
0x90: {  	v14 =	vmul.f32 v17, v14;
	v17 =	vadd.s32 v41, v52;
	v41 =	vcvt.s32.f32 v41  }
0x91: {  	s25 =	simm.s32 $0x80;
	v52 =	vadd.s32 $0xFFFFE041, v17;
	v53 =	vadd.s32 $0xFFFFE0C1, v17;
	v54 =	vadd.s32 $0xFFFFE042, v17;
	v49 =	vld.idx.msk [tilespmem:v49+s14+$0x0], $0xffff  }
0x92: {  	s29 =	simm.s32 $0x20;
	s28 =	sand.u32 $0x1000, s25;
	[tilespmem:s24+$0xA410] =	vst v10;
	v55 =	vadd.s32 $0xFFFFE0C2, v17;
	v34 =	vadd.f32 v14, v34;
	v14 =	vadd.s32 v29, v59;
	v51 =	vld.idx.msk [tilespmem:v51+s14+$0x0], $0xffff  }
0x93: {  	s29 =	sand.u32 $0x380, s29;
	s26 =	sor.u32 s0, s28;
	[tilespmem:s24+$0xA430] =	vst v9;
	v17 =	vcvt.s32.f32 v31;
	v62 =	vadd.s32 $0xFFFFE041, v14;
	v31 =	vadd.s32 $0xFFFFE0C1, v14;
	v50 =	vld.idx.msk [tilespmem:v50+s14+$0x0], $0xffff  }
0x94: {  	s29 =	sor.u32 s29, s26;
	[tilespmem:s24+$0xA400] =	vst v3;
	v63 =	vadd.s32 $0xFFFFE042, v14;
	v7 =	vadd.s32 $0xFFFFE0C2, v14;
	v14 =	vcvt.s32.f32 v26;
	v26 =	vld.idx.msk [tilespmem:v15+s14+$0x0], $0xffff  }
0x95: {  	v23 =	vld.idx.msk [tilespmem:v60+s14+$0x0], $0xffff;
	v61 =	vadd.s32 $0xFFFFE042, v48;
	v59 =	vadd.s32 $0xFFFFE041, v48;
	v48 =	vadd.s32 $0xFFFFE0C2, v48;
	[tilespmem:s29+$0xA470] =	vst v34  }
0x96: {  	v41 =	vsub.f32 v16, v41;
	v16 =	vcvt.s32.f32 v29;
	v15 =	vcvt.s32.f32 v44;
	v3 =	vld [tilespmem:$0x1FFD0]  }
0x97: {  	v29 =	vcvt.s32.f32 v45;
	v32 =	vsub.f32 v32, v17;
	v17 =	vadd.s32 $0xFFFFE042, v47;
	v52 =	vld.idx.msk [tilespmem:v52+s14+$0x0], $0xffff  }
0x98: {  	v4 =	vsub.f32 v18, v14;
	v18 =	vadd.s32 $0xFFFFE041, v47;
	v24 =	vsub.f32 v30, v15;
	v30 =	vld.idx.msk [tilespmem:v54+s14+$0x0], $0xffff  }
0x99: {  	v14 =	vadd.s32 $0xFFFFE0C2, v47;
	v45 =	vsub.f32 v51, v49;
	v51 =	vld.idx.msk [tilespmem:v55+s14+$0x0], $0xffff;
	v55 =	vsub.f32 v26, v50  }
0x9a: {  	v15 =	vadd.s32 $0xFFFFE0C1, v47;
	v47 =	vld.idx.msk [tilespmem:v53+s14+$0x0], $0xffff;
	v53 =	vsub.f32 v22, v2;
	v22 =	vsub.f32 v38, v16  }
0x9b: {  	v54 =	vld.idx.msk [tilespmem:v56+s14+$0x0], $0xffff;
	v16 =	vsub.f32 v33, v29;
	v45 =	vmul.f32 v32, v45;
	v29 =	vmul.f32 v55, v32  }
0x9c: {  	v6 =	vadd.s32 $0xFFFFE041, v35;
	v56 =	vld.idx.msk [tilespmem:v58+s14+$0x0], $0xffff  }
0x9d: {  	v38 =	vld.idx.msk [tilespmem:v57+s14+$0x0], $0xffff;
	v26 =	vadd.f32 v45, v49;
	v29 =	vadd.f32 v29, v50  }
0x9e: {  	v58 =	vld.idx.msk [tilespmem:v48+s14+$0x0], $0xffff  }
0x9f: {  	v37 =	vcvt.s32.f32 v37;
	v32 =	vld.idx.msk [tilespmem:v46+s14+$0x0], $0xffff;
	v55 =	vcvt.s32.f32 v27;
	v29 =	vsub.f32 v29, v26  }
0xa0: {  	v40 =	vcvt.s32.f32 v40;
	v30 =	vsub.f32 v30, v52;
	v49 =	vld.idx.msk [tilespmem:v59+s14+$0x0], $0xffff  }
0xa1: {  	v37 =	vsub.f32 v21, v37;
	v29 =	vmul.f32 v29, v8;
	v8 =	vsub.f32 v20, v55;
	v20 =	vld.idx.msk [tilespmem:v6+s14+$0x0], $0xffff  }
0xa2: {  	v36 =	vcvt.s32.f32 v39;
	v10 =	vsub.f32 v42, v40;
	v30 =	vmul.f32 v41, v30;
	v6 =	vld [tilespmem:$0x1FFE0]  }
0xa3: {  	v5 =	vadd.s32 $0xFFFFE042, v35;
	v44 =	vadd.s32 $0xFFFFE0C1, v35;
	v50 =	vsub.f32 v51, v47;
	v51 =	vld.idx.msk [tilespmem:v61+s14+$0x0], $0xffff  }
0xa4: {  	v33 =	vcvt.s32.f32 v43;
	v21 =	vadd.f32 v30, v52;
	v30 =	vsub.f32 v56, v54  }
0xa5: {  	v35 =	vadd.s32 $0xFFFFE0C2, v35;
	v27 =	vld.idx.msk [tilespmem:v62+s14+$0x0], $0xffff;
	v59 =	vcvt.s32.f32 v25;
	v9 =	vmul.f32 v50, v41  }
0xa6: {  	v61 =	vld.idx.msk [tilespmem:v63+s14+$0x0], $0xffff;
	v63 =	vsub.f32 v58, v23;
	v25 =	vmul.f32 v4, v30;
	v30 =	vsub.f32 v32, v38  }
0xa7: {  	v60 =	vadd.f32 v9, v47;
	v9 =	vsub.f32 v12, v36;
	v12 =	vmul.f32 v6, v3;
	v3 =	vld [tilespmem:$0x1FFF0]  }
0xa8: {  	v57 =	vcvt.s32.f32 v28;
	v28 =	vsub.f32 v13, v33;
	v13 =	vld.idx.msk [tilespmem:v31+s14+$0x0], $0xffff;
	v62 =	vsub.f32 v51, v49  }
0xa9: {  	v33 =	vmul.f32 v63, v24;
	v31 =	vmul.f32 v30, v4;
	v30 =	vld.idx.msk [tilespmem:v7+s14+$0x0], $0xffff;
	v7 =	vsub.f32 v60, v21  }
0xaa: {  	v25 =	vadd.f32 v25, v54;
	v4 =	vsub.f32 v19, v57;
	v19 =	vld.idx.msk [tilespmem:v5+s14+$0x0], $0xffff;
	v6 =	vmul.f32 v24, v62  }
0xab: {  	v5 =	vsub.f32 v11, v59;
	v32 =	vadd.f32 v31, v38;
	v31 =	vmul.f32 v7, v37;
	v7 =	vld.idx.msk [tilespmem:v44+s14+$0x0], $0xffff  }
0xac: {  	s28 =	simm.s32 $0x2;
	s26 =	simm.s32 $0x8;
	v34 =	vsub.f32 v61, v27;
	v24 =	vld.idx.msk [tilespmem:v35+s14+$0x0], $0xffff;
	v6 =	vadd.f32 v6, v49;
	v11 =	vmul.f32 v53, v3  }
.LBB2_2:
0xad: {  	v18 =	vld.idx.msk [tilespmem:v18+s14+$0x0], $0xffff  }
0xae: {  	v17 =	vld.idx.msk [tilespmem:v17+s14+$0x0], $0xffff  }
0xaf: {  	s26 =	sadd.s32 $0x8, s26;
	s30 =	sshll.u32 s28, $0xA;
	v26 =	vadd.f32 v29, v26;
	v15 =	vld.idx.msk [tilespmem:v15+s14+$0x0], $0xffff  }
0xb0: {  	v3 =	vld [tilespmem:$0x1FFA0];
	v12 =	vadd.f32 v12, v0;
	v29 =	vsub.f32 v32, v25;
	s31 =	sshll.u32 s26, $0x5;
	s30 =	sand.u32 $0xC00, s30  }
0xb1: {  	v14 =	vld.idx.msk [tilespmem:v14+s14+$0x0], $0xffff;
	v23 =	vadd.f32 v33, v23;
	v21 =	vadd.f32 v31, v21;
	s31 =	sand.u32 $0x3FFFFC00, s31;
	s0 =	sshrl.u32 s30, $0x2  }
0xb2: {  	v2 =	vadd.f32 v11, v2;
	[tilespmem:s29+$0xA400] =	vst v26;
	v28 =	vmul.f32 v29, v28;
	s31 =	sor.u32 s0, s31;
	v30 =	vsub.f32 v30, v13  }
0xb3: {  	v49 =	vmul.f32 v22, v34;
	v23 =	vsub.f32 v23, v6;
	[tilespmem:s29+$0xA410] =	vst v21;
	v19 =	vsub.f32 v19, v20;
	v26 =	vld [tilespmem:s31+$0x70]  }
0xb4: {  	v21 =	vsub.f32 v24, v7;
	v11 =	vld [tilespmem:s31+$0x90];
	v25 =	vadd.f32 v28, v25;
	v22 =	vmul.f32 v30, v22  }
0xb5: {  	v3 =	vadd.f32 v3, v1;
	v1 =	vadd.f32 v49, v27;
	v27 =	vld [tilespmem:s31+$0xF0];
	v19 =	vmul.f32 v16, v19  }
0xb6: {  	v17 =	vsub.f32 v17, v18;
	v16 =	vmul.f32 v21, v16;
	[tilespmem:s29+$0xA420] =	vst v25;
	v13 =	vadd.f32 v22, v13;
	v22 =	vld [tilespmem:s31+$0x80]  }
0xb7: {  	[tilespmem:s24+$0xA450] =	vst v12;
	v9 =	vmul.f32 v23, v9;
	v0 =	vadd.f32 v19, v20;
	v19 =	vld [tilespmem:s31+$0xA0]  }
0xb8: {  	v12 =	vmul.f32 v10, v17;
	v17 =	vadd.f32 v16, v7;
	v7 =	vld [tilespmem:s31+$0xD0]  }
0xb9: {  	[tilespmem:s24+$0xA440] =	vst v3;
	v3 =	vadd.f32 v9, v6;
	v16 =	vld [tilespmem:s31+$0x10]  }
0xba: {  	[tilespmem:s24+$0xA460] =	vst v2;
	s24 =	smov.u32 s29;
	v20 =	vld [tilespmem:s31+$0xB0];
	v2 =	vmul.f32 $6.400000000e+01, v26;
	v6 =	vsub.f32 v13, v1;
	v13 =	vsub.f32 v14, v15  }
0xbb: {  	[tilespmem:s24+$0xA430] =	vst v3;
	v9 =	vmul.f32 $6.400000000e+01, v27;
	v14 =	vld [tilespmem:s31+$0xC0]  }
0xbc: {  	v21 =	vld [tilespmem:s31+$0x30];
	v51 =	vadd.f32 $6.350000000e+01, v2;
	v3 =	vmul.f32 v6, v8;
	v24 =	vmul.f32 v13, v10  }
0xbd: {  	v50 =	vadd.f32 $6.350000000e+01, v9;
	v8 =	vmul.f32 $6.400000000e+01, v11;
	v6 =	vmul.f32 $6.400000000e+01, v22  }
0xbe: {  	v2 =	vadd.f32 v12, v18;
	v7 =	vmul.f32 $6.400000000e+01, v7;
	v16 =	vmul.f32 $6.400000000e+01, v16  }
0xbf: {  	v9 =	vtrunc.f32 v50;
	v12 =	vadd.f32 $6.350000000e+01, v8;
	v8 =	vtrunc.f32 v51  }
0xc0: {  	v10 =	vld [tilespmem:s31+$0xE0];
	v13 =	vadd.f32 $6.350000000e+01, v6;
	v6 =	vmul.f32 $6.400000000e+01, v19;
	v18 =	vcvt.f32.s32 v9  }
0xc1: {  	v11 =	vld [tilespmem:s31+$0x0];
	v14 =	vmul.f32 $6.400000000e+01, v14;
	v7 =	vadd.f32 $6.350000000e+01, v7;
	v21 =	vmul.f32 $6.400000000e+01, v21  }
0xc2: {  	v19 =	vld [tilespmem:s31+$0x20];
	v9 =	vadd.f32 $6.350000000e+01, v6;
	v6 =	vmul.f32 $6.400000000e+01, v20;
	v20 =	vcvt.f32.s32 v8  }
0xc3: {  	v41 =	vadd.f32 v24, v15;
	v31 =	vtrunc.f32 v13;
	v38 =	vtrunc.f32 v7  }
0xc4: {  	v22 =	vshll.u32 v18, $0x7;
	v18 =	vcvt.s32.f32 v18;
	v31 =	vcvt.f32.s32 v31  }
0xc5: {  	v8 =	vadd.f32 $6.350000000e+01, v6;
	v6 =	vmul.f32 $6.400000000e+01, v10;
	v10 =	vadd.s32 v20, v22  }
0xc6: {  	v23 =	vld [tilespmem:s31+$0x40];
	v22 =	vmul.f32 $6.400000000e+01, v11;
	v11 =	vadd.f32 $6.350000000e+01, v14;
	v25 =	vadd.s32 $0xFFFFE041, v10  }
0xc7: {  	v28 =	vadd.s32 $0xFFFFE042, v10;
	v19 =	vmul.f32 $6.400000000e+01, v19;
	v29 =	vadd.s32 $0xFFFFE0C1, v10  }
0xc8: {  	v27 =	vld [tilespmem:s31+$0x60];
	v30 =	vadd.s32 $0xFFFFE0C2, v10;
	v15 =	vshll.u32 v31, $0x7;
	v6 =	vadd.f32 $6.350000000e+01, v6  }
0xc9: {  	v14 =	vld [tilespmem:s31+$0x50];
	v31 =	vcvt.s32.f32 v31;
	v26 =	vadd.f32 $6.350000000e+01, v22;
	v22 =	vadd.f32 $6.350000000e+01, v16  }
0xca: {  	v16 =	vadd.f32 $6.350000000e+01, v21;
	v36 =	vtrunc.f32 v8;
	v37 =	vtrunc.f32 v11  }
0xcb: {  	v10 =	vadd.f32 $6.350000000e+01, v19;
	v19 =	vmul.f32 $6.400000000e+01, v23;
	v24 =	vcvt.f32.s32 v37  }
0xcc: {  	v41 =	vsub.f32 v41, v2;
	v40 =	vtrunc.f32 v6;
	v54 =	vtrunc.f32 v26  }
0xcd: {  	v18 =	vsub.f32 v50, v18;
	v55 =	vtrunc.f32 v22;
	v42 =	vtrunc.f32 v16  }
0xce: {  	v14 =	vmul.f32 $6.400000000e+01, v14;
	v21 =	vadd.f32 $6.350000000e+01, v19;
	v19 =	vmul.f32 $6.400000000e+01, v27;
	v52 =	vld.idx.msk [tilespmem:v25+s14+$0x0], $0xffff  }
0xcf: {  	v13 =	vsub.f32 v13, v31;
	v27 =	vtrunc.f32 v9;
	v57 =	vtrunc.f32 v10;
	v35 =	vld.idx.msk [tilespmem:v28+s14+$0x0], $0xffff  }
0xd0: {  	v44 =	vshll.u32 v24, $0x7;
	v33 =	vcvt.f32.s32 v55;
	v25 =	vtrunc.f32 v12;
	v39 =	vld.idx.msk [tilespmem:v30+s14+$0x0], $0xffff  }
0xd1: {  	v27 =	vcvt.f32.s32 v27;
	v32 =	vcvt.f32.s32 v57;
	v23 =	vadd.f32 $6.350000000e+01, v14;
	v14 =	vld.idx.msk [tilespmem:v29+s14+$0x0], $0xffff  }
0xd2: {  	v28 =	vadd.f32 $6.350000000e+01, v19;
	v30 =	vcvt.f32.s32 v25;
	v29 =	vcvt.f32.s32 v36  }
0xd3: {  	v19 =	vsub.f32 v17, v0;
	v17 =	vcvt.s32.f32 v20;
	v25 =	vcvt.f32.s32 v38  }
0xd4: {  	v20 =	vcvt.f32.s32 v40;
	v59 =	vtrunc.f32 v21;
	v58 =	vshll.u32 v27, $0x7  }
0xd5: {  	v38 =	vcvt.f32.s32 v59;
	v17 =	vsub.f32 v51, v17;
	v35 =	vsub.f32 v35, v52  }
0xd6: {  	v53 =	vshll.u32 v30, $0x7;
	v45 =	vtrunc.f32 v23;
	v56 =	vsub.f32 v39, v14  }
0xd7: {  	v43 =	vshll.u32 v29, $0x7;
	v60 =	vtrunc.f32 v28;
	v35 =	vmul.f32 v17, v35  }
0xd8: {  	v61 =	vshll.u32 v20, $0x7;
	v40 =	vadd.s32 v32, v58;
	v17 =	vmul.f32 v56, v17  }
0xd9: {  	v32 =	vcvt.s32.f32 v32;
	v34 =	vadd.f32 v35, v52;
	v35 =	vcvt.f32.s32 v54  }
0xda: {  	v36 =	vcvt.f32.s32 v45;
	v37 =	vcvt.f32.s32 v60;
	v14 =	vadd.f32 v17, v14  }
0xdb: {  	v62 =	vadd.s32 v38, v44;
	v51 =	vadd.s32 $0xFFFFE041, v40;
	v15 =	vadd.s32 v35, v15  }
0xdc: {  	v57 =	vadd.s32 $0xFFFFE041, v62;
	v14 =	vsub.f32 v14, v34;
	v63 =	vadd.s32 $0xFFFFE041, v15  }
0xdd: {  	v58 =	vadd.s32 $0xFFFFE0C1, v62;
	v52 =	vadd.s32 $0xFFFFE0C1, v40;
	v46 =	vadd.s32 $0xFFFFE042, v15  }
0xde: {  	v35 =	vcvt.s32.f32 v35;
	v45 =	vadd.s32 $0xFFFFE0C1, v15;
	v14 =	vmul.f32 v14, v18  }
0xdf: {  	s25 =	sadd.s32 $0x80, s25;
	v18 =	vadd.s32 v33, v53;
	v53 =	vadd.s32 $0xFFFFE042, v40;
	v40 =	vadd.s32 $0xFFFFE0C2, v40  }
0xe0: {  	s29 =	sshll.u32 s26, $0x2;
	s31 =	sand.u32 $0x1000, s25;
	v59 =	vadd.s32 $0xFFFFE042, v62;
	v39 =	vcvt.f32.s32 v42;
	v47 =	vadd.s32 $0xFFFFE041, v18  }
0xe1: {  	s29 =	sand.u32 $0x380, s29;
	s0 =	sor.u32 s30, s31;
	v35 =	vsub.f32 v26, v35;
	v48 =	vadd.s32 $0xFFFFE0C1, v18;
	v14 =	vadd.f32 v14, v34;
	v44 =	vld.idx.msk [tilespmem:v63+s14+$0x0], $0xffff  }
0xe2: {  	s29 =	sor.u32 s29, s0;
	v26 =	vcvt.s32.f32 v38;
	v33 =	vcvt.s32.f32 v33;
	v50 =	vadd.s32 $0xFFFFE0C2, v18;
	v46 =	vld.idx.msk [tilespmem:v46+s14+$0x0], $0xffff  }
0xe3: {  	v17 =	vshll.u32 v25, $0x7;
	v49 =	vadd.s32 $0xFFFFE042, v18;
	v45 =	vld.idx.msk [tilespmem:v45+s14+$0x0], $0xffff;
	[tilespmem:s29+$0xA470] =	vst v14;
	v14 =	vadd.s32 $0xFFFFE0C2, v15  }
0xe4: {  	v33 =	vsub.f32 v22, v33;
	v22 =	vsub.f32 v21, v26;
	v21 =	vcvt.s32.f32 v30;
	v30 =	vld.idx.msk [tilespmem:v40+s14+$0x0], $0xffff  }
0xe5: {  	v42 =	vadd.s32 v37, v61;
	v43 =	vadd.s32 v39, v43;
	v17 =	vadd.s32 v36, v17;
	v47 =	vld.idx.msk [tilespmem:v47+s14+$0x0], $0xffff  }
0xe6: {  	v37 =	vcvt.s32.f32 v37;
	v54 =	vadd.s32 $0xFFFFE041, v43;
	v60 =	vadd.s32 $0xFFFFE041, v17;
	v48 =	vld.idx.msk [tilespmem:v48+s14+$0x0], $0xffff  }
0xe7: {  	v61 =	vadd.s32 $0xFFFFE0C1, v17;
	v18 =	vadd.s32 $0xFFFFE041, v42;
	v38 =	vsub.f32 v46, v44;
	v46 =	vld.idx.msk [tilespmem:v50+s14+$0x0], $0xffff  }
0xe8: {  	[tilespmem:$0x1FFA0] =	vst v3;
	v34 =	vadd.s32 $0xFFFFE0C2, v62;
	v62 =	vadd.s32 $0xFFFFE042, v17;
	v63 =	vadd.s32 $0xFFFFE0C2, v17;
	v3 =	vld.idx.msk [tilespmem:v14+s14+$0x0], $0xffff  }
0xe9: {  	v17 =	vadd.s32 $0xFFFFE042, v42;
	v15 =	vadd.s32 $0xFFFFE0C1, v42;
	v14 =	vadd.s32 $0xFFFFE0C2, v42;
	v42 =	vld.idx.msk [tilespmem:v49+s14+$0x0], $0xffff  }
0xea: {  	v27 =	vcvt.s32.f32 v27;
	v32 =	vsub.f32 v10, v32;
	v39 =	vcvt.s32.f32 v39;
	v50 =	vld.idx.msk [tilespmem:v53+s14+$0x0], $0xffff  }
0xeb: {  	v10 =	vsub.f32 v28, v37;
	v56 =	vadd.s32 $0xFFFFE042, v43;
	v36 =	vcvt.s32.f32 v36;
	v49 =	vld.idx.msk [tilespmem:v51+s14+$0x0], $0xffff  }
0xec: {  	v55 =	vadd.s32 $0xFFFFE0C1, v43;
	v43 =	vadd.s32 $0xFFFFE0C2, v43;
	v39 =	vsub.f32 v16, v39;
	v51 =	vld.idx.msk [tilespmem:v52+s14+$0x0], $0xffff  }
0xed: {  	v31 =	vcvt.s32.f32 v29;
	v16 =	vsub.f32 v23, v36;
	v52 =	vld.idx.msk [tilespmem:v54+s14+$0x0], $0xffff;
	v54 =	vsub.f32 v12, v21  }
0xee: {  	v38 =	vmul.f32 v35, v38;
	v3 =	vsub.f32 v3, v45;
	v23 =	vsub.f32 v42, v47  }
0xef: {  	v12 =	vcvt.s32.f32 v24;
	v24 =	vcvt.s32.f32 v25;
	v29 =	vsub.f32 v46, v48  }
0xf0: {  	v53 =	vld.idx.msk [tilespmem:v56+s14+$0x0], $0xffff;
	v26 =	vadd.f32 v38, v44;
	v3 =	vmul.f32 v3, v35;
	v28 =	vmul.f32 v33, v23  }
0xf1: {  	v56 =	vld.idx.msk [tilespmem:v43+s14+$0x0], $0xffff;
	v30 =	vsub.f32 v30, v51;
	v25 =	vmul.f32 v29, v33;
	v29 =	vsub.f32 v50, v49  }
0xf2: {  	v23 =	vld.idx.msk [tilespmem:v55+s14+$0x0], $0xffff;
	v3 =	vadd.f32 v3, v45;
	v21 =	vadd.f32 v28, v47  }
0xf3: {  	v28 =	vsub.f32 v9, v27;
	v27 =	vld.idx.msk [tilespmem:v57+s14+$0x0], $0xffff;
	v57 =	vcvt.s32.f32 v20;
	v20 =	vadd.f32 v25, v48  }
0xf4: {  	v59 =	vld.idx.msk [tilespmem:v59+s14+$0x0], $0xffff;
	v25 =	vmul.f32 v32, v29;
	v9 =	vsub.f32 v8, v31;
	v3 =	vsub.f32 v3, v26  }
0xf5: {  	p0 =	slt.u32 s26, $0x1F8;
	v8 =	vsub.f32 v11, v12;
	v11 =	vsub.f32 v53, v52;
	v12 =	vmul.f32 v19, v4;
	v19 =	vld.idx.msk [tilespmem:v62+s14+$0x0], $0xffff  }
.Ltmp0:
0xf6: {  	v4 =	vsub.f32 v7, v24;
	v7 =	vld.idx.msk [tilespmem:v61+s14+$0x0], $0xffff;
	v29 =	vmul.f32 v3, v13;
	v3 =	vmul.f32 v30, v32;
	(pc) =	sbr.rel @p0 .LBB2_2-.Ltmp0, $4  }
0xf7: {  	v31 =	vsub.f32 v20, v21;
	v20 =	vld.idx.msk [tilespmem:v60+s14+$0x0], $0xffff;
	v24 =	vsub.f32 v56, v23  }
0xf8: {  	v25 =	vadd.f32 v25, v49;
	v13 =	vld.idx.msk [tilespmem:v58+s14+$0x0], $0xffff;
	v32 =	vadd.f32 v3, v51;
	v3 =	vmul.f32 v39, v11  }
0xf9: {  	v30 =	vld.idx.msk [tilespmem:v34+s14+$0x0], $0xffff;
	v31 =	vmul.f32 v31, v54;
	v33 =	vmul.f32 v24, v39;
	v34 =	vsub.f32 v59, v27  }
0xfa: {  	s28 =	sadd.s32 $0x1, s28;
	v24 =	vld.idx.msk [tilespmem:v63+s14+$0x0], $0xffff;
	v11 =	vmul.f32 v41, v5;
	v5 =	vsub.f32 v6, v57;
	v6 =	vadd.f32 v3, v52  }
0xfb: {  	_ =	sdelay $0x3  }
0xfc: {  	v3 =	vld.idx.msk [tilespmem:v18+s14+$0x0], $0xffff  }
0xfd: {  	v17 =	vld.idx.msk [tilespmem:v17+s14+$0x0], $0xffff  }
0xfe: {  	v15 =	vld.idx.msk [tilespmem:v15+s14+$0x0], $0xffff;
	v18 =	vadd.f32 v29, v26  }
0xff: {  	v26 =	vsub.f32 v32, v25;
	v14 =	vld.idx.msk [tilespmem:v14+s14+$0x0], $0xffff;
	v23 =	vadd.f32 v33, v23  }
0x100: {  	v29 =	vmul.f32 v22, v34;
	v21 =	vadd.f32 v31, v21;
	v0 =	vadd.f32 v12, v0  }
0x101: {  	v19 =	vsub.f32 v19, v20;
	v26 =	vmul.f32 v26, v28;
	v28 =	vld [tilespmem:$0x1FFA0];
	v30 =	vsub.f32 v30, v13  }
0x102: {  	v27 =	vadd.f32 v29, v27;
	v23 =	vsub.f32 v23, v6  }
0x103: {  	v19 =	vmul.f32 v16, v19;
	v24 =	vsub.f32 v24, v7;
	v22 =	vmul.f32 v30, v22  }
0x104: {  	v17 =	vsub.f32 v17, v3;
	v14 =	vsub.f32 v14, v15  }
0x105: {  	v19 =	vadd.f32 v19, v20;
	v16 =	vmul.f32 v24, v16;
	v13 =	vadd.f32 v22, v13  }
0x106: {  	v1 =	vadd.f32 v28, v1;
	v17 =	vmul.f32 v10, v17;
	v10 =	vmul.f32 v14, v10  }
0x107: {  	[tilespmem:s29+$0xA400] =	vst v18;
	v7 =	vadd.f32 v16, v7;
	v13 =	vsub.f32 v13, v27  }
0x108: {  	[tilespmem:s29+$0xA410] =	vst v21;
	v3 =	vadd.f32 v17, v3;
	v10 =	vadd.f32 v10, v15  }
0x109: {  	v2 =	vadd.f32 v11, v2;
	[tilespmem:s24+$0xA450] =	vst v0;
	v9 =	vmul.f32 v23, v9;
	v7 =	vsub.f32 v7, v19  }
0x10a: {  	v25 =	vadd.f32 v26, v25;
	[tilespmem:s24+$0xA440] =	vst v1;
	v1 =	vmul.f32 v13, v8;
	v8 =	vsub.f32 v10, v3  }
0x10b: {  	[tilespmem:s24+$0xA460] =	vst v2;
	v6 =	vadd.f32 v9, v6;
	v0 =	vmul.f32 v7, v4  }
0x10c: {  	[tilespmem:s29+$0xA420] =	vst v25;
	v2 =	vmul.f32 v8, v5;
	v1 =	vadd.f32 v1, v27  }
0x10d: {  	[tilespmem:s29+$0xA430] =	vst v6;
	v0 =	vadd.f32 v0, v19  }
0x10e: {  	v2 =	vadd.f32 v2, v3;
	[tilespmem:s29+$0xA440] =	vst v1  }
0x10f: {  	[tilespmem:s29+$0xA450] =	vst v0  }
0x110: {  	s0 =	simm.s32 $0x0;
	[tilespmem:s29+$0xA460] =	vst v2  }
0x111: {  	[tilespmem:s0], [sflag:$0x1] =	stream.linear.gather [hbm4b:s6+s0], $0x4000, $0x38;
	[tilespmem:$0x12400] =	vst v63  }
0x112: {  	s24 =	simm.s32 $0x0  }
0x113: {  	[hbm4b:s7+s0] =	stream.linear.scatter [tilespmem:s17], [sflag:$0x3], $0x2000, $0x38;
	[tilespmem:$0x12400] =	vst v63  }
0x114: {  	s25 =	simm.s32 $0x0;
	s24 =	sand.u32 $0xC00, s24;
	_ =	swait.ge [sflag:s18], $0x4000  }
0x115: {  	s25 =	sand.u32 $0x3FFFFC00, s25;
	s26 =	sshrl.u32 s24, $0x2;
	[sflag:s18] =	ssyncset.done $0x0  }
0x116: {  	s0 =	sor.u32 s26, s25;
	[sflag:s18] =	ssyncadd.s32 $0xFFFFC000  }
0x117: {  	v0 =	vld [tilespmem:s0+$0x40F0]  }
0x118: {  	v1 =	vld [tilespmem:s0+$0x4070]  }
0x119: {  	v2 =	vld [tilespmem:s0+$0x4080]  }
0x11a: {  	v3 =	vld [tilespmem:s0+$0x4090]  }
0x11b: {  	v12 =	vld [tilespmem:s0+$0x4000]  }
0x11c: {  	v14 =	vld [tilespmem:s0+$0x4020]  }
0x11d: {  	v16 =	vld [tilespmem:s0+$0x4030]  }
0x11e: {  	v17 =	vld [tilespmem:s0+$0x4040]  }
0x11f: {  	v18 =	vld [tilespmem:s0+$0x4050]  }
0x120: {  	v20 =	vld [tilespmem:s0+$0x4060];
	v0 =	vmul.f32 $6.400000000e+01, v0  }
0x121: {  	v4 =	vld [tilespmem:s0+$0x40A0];
	v1 =	vmul.f32 $6.400000000e+01, v1;
	v2 =	vmul.f32 $6.400000000e+01, v2  }
0x122: {  	v6 =	vld [tilespmem:s0+$0x40B0];
	v3 =	vmul.f32 $6.400000000e+01, v3;
	v12 =	vmul.f32 $6.400000000e+01, v12  }
0x123: {  	v8 =	vld [tilespmem:s0+$0x40C0];
	v14 =	vmul.f32 $6.400000000e+01, v14;
	v16 =	vmul.f32 $6.400000000e+01, v16  }
0x124: {  	v9 =	vld [tilespmem:s0+$0x40D0];
	v17 =	vmul.f32 $6.400000000e+01, v17;
	v18 =	vmul.f32 $6.400000000e+01, v18;
	v10 =	vadd.f32 $6.350000000e+01, v0  }
0x125: {  	v20 =	vmul.f32 $6.400000000e+01, v20;
	v11 =	vadd.f32 $6.350000000e+01, v1;
	v7 =	vadd.f32 $6.350000000e+01, v2  }
0x126: {  	v1 =	vmul.f32 $6.400000000e+01, v4;
	v5 =	vadd.f32 $6.350000000e+01, v3;
	v2 =	vtrunc.f32 v10  }
0x127: {  	v12 =	vadd.f32 $6.350000000e+01, v12;
	v3 =	vtrunc.f32 v11;
	v13 =	vcvt.f32.s32 v2  }
0x128: {  	v14 =	vadd.f32 $6.350000000e+01, v14;
	v2 =	vmul.f32 $6.400000000e+01, v6;
	v15 =	vcvt.f32.s32 v3  }
0x129: {  	v6 =	vmul.f32 $6.400000000e+01, v8;
	v8 =	vmul.f32 $6.400000000e+01, v9;
	v9 =	vshll.u32 v13, $0x7  }
0x12a: {  	v16 =	vadd.f32 $6.350000000e+01, v16;
	v18 =	vadd.f32 $6.350000000e+01, v18;
	v9 =	vadd.s32 v15, v9  }
0x12b: {  	v0 =	vld [tilespmem:s0+$0x40E0];
	v1 =	vadd.f32 $6.350000000e+01, v1;
	v22 =	vtrunc.f32 v7;
	v19 =	vadd.s32 $0xFFFFE041, v9  }
0x12c: {  	v4 =	vld [tilespmem:s0+$0x4010];
	v3 =	vadd.f32 $6.350000000e+01, v2;
	v2 =	vadd.f32 $6.350000000e+01, v8;
	v8 =	vadd.s32 $0xFFFFE042, v9  }
0x12d: {  	v31 =	vtrunc.f32 v12;
	v57 =	vtrunc.f32 v14;
	v21 =	vadd.s32 $0xFFFFE0C1, v9  }
0x12e: {  	v59 =	vtrunc.f32 v16;
	v37 =	vtrunc.f32 v18;
	v9 =	vadd.s32 $0xFFFFE0C2, v9  }
0x12f: {  	v17 =	vadd.f32 $6.350000000e+01, v17;
	v22 =	vcvt.f32.s32 v22;
	v60 =	vcvt.f32.s32 v59  }
0x130: {  	v20 =	vadd.f32 $6.350000000e+01, v20;
	v24 =	vtrunc.f32 v1;
	v0 =	vmul.f32 $6.400000000e+01, v0;
	v19 =	vld.idx.msk [tilespmem:v19+s14+$0x0], $0xffff  }
0x131: {  	v6 =	vadd.f32 $6.350000000e+01, v6;
	v4 =	vmul.f32 $6.400000000e+01, v4;
	v24 =	vcvt.f32.s32 v24;
	v8 =	vld.idx.msk [tilespmem:v8+s14+$0x0], $0xffff  }
0x132: {  	v13 =	vcvt.s32.f32 v13;
	v32 =	vcvt.s32.f32 v60;
	v0 =	vadd.f32 $6.350000000e+01, v0;
	v21 =	vld.idx.msk [tilespmem:v21+s14+$0x0], $0xffff  }
0x133: {  	v23 =	vadd.f32 $6.350000000e+01, v4;
	v4 =	vtrunc.f32 v5;
	v25 =	vtrunc.f32 v3;
	v9 =	vld.idx.msk [tilespmem:v9+s14+$0x0], $0xffff  }
0x134: {  	v26 =	vtrunc.f32 v6;
	v27 =	vtrunc.f32 v2;
	v58 =	vshll.u32 v24, $0x7  }
0x135: {  	v10 =	vsub.f32 v10, v13;
	v29 =	vcvt.f32.s32 v4;
	v4 =	vcvt.s32.f32 v15  }
0x136: {  	v13 =	vcvt.f32.s32 v57;
	v25 =	vcvt.f32.s32 v25;
	v15 =	vshll.u32 v22, $0x7  }
0x137: {  	v26 =	vcvt.f32.s32 v26;
	v27 =	vcvt.f32.s32 v27;
	v4 =	vsub.f32 v11, v4  }
0x138: {  	v22 =	vcvt.s32.f32 v22;
	v8 =	vsub.f32 v8, v19;
	v9 =	vsub.f32 v9, v21  }
0x139: {  	v28 =	vtrunc.f32 v0;
	v33 =	vadd.s32 v13, v58;
	v13 =	vcvt.s32.f32 v13  }
0x13a: {  	v30 =	vshll.u32 v29, $0x7;
	v8 =	vmul.f32 v4, v8;
	v4 =	vmul.f32 v9, v4  }
0x13b: {  	v28 =	vcvt.f32.s32 v28;
	v11 =	vtrunc.f32 v23;
	v35 =	vshll.u32 v25, $0x7  }
0x13c: {  	v36 =	vshll.u32 v26, $0x7;
	v8 =	vadd.f32 v8, v19;
	v4 =	vadd.f32 v4, v21  }
0x13d: {  	v42 =	vadd.s32 $0xFFFFE041, v33;
	v43 =	vadd.s32 $0xFFFFE0C1, v33;
	v19 =	vcvt.f32.s32 v31  }
0x13e: {  	v44 =	vadd.s32 $0xFFFFE042, v33;
	v33 =	vadd.s32 $0xFFFFE0C2, v33;
	v4 =	vsub.f32 v4, v8  }
0x13f: {  	v29 =	vcvt.s32.f32 v29;
	v7 =	vsub.f32 v7, v22;
	v15 =	vadd.s32 v19, v15  }
0x140: {  	v11 =	vcvt.f32.s32 v11;
	v62 =	vadd.s32 $0xFFFFE041, v15;
	v4 =	vmul.f32 v4, v10  }
0x141: {  	v35 =	vadd.s32 v60, v35;
	v13 =	vsub.f32 v14, v13;
	v38 =	vadd.s32 $0xFFFFE0C1, v15  }
0x142: {  	v14 =	vsub.f32 v16, v32;
	v31 =	vtrunc.f32 v20;
	v4 =	vadd.f32 v4, v8  }
0x143: {  	v61 =	vshll.u32 v28, $0x7;
	v45 =	vadd.s32 $0xFFFFE041, v35;
	v31 =	vcvt.f32.s32 v31  }
0x144: {  	v21 =	vshll.u32 v27, $0x7;
	v19 =	vcvt.s32.f32 v19;
	v10 =	vadd.s32 v11, v30;
	[tilespmem:$0x1FF50] =	vst v4  }
0x145: {  	v34 =	vadd.s32 v31, v61;
	v30 =	vcvt.f32.s32 v37;
	v39 =	vadd.s32 $0xFFFFE041, v10;
	v37 =	vld.idx.msk [tilespmem:v62+s14+$0x0], $0xffff  }
0x146: {  	v11 =	vcvt.s32.f32 v11;
	v12 =	vsub.f32 v12, v19;
	v8 =	vadd.s32 $0xFFFFE042, v15;
	v38 =	vld.idx.msk [tilespmem:v38+s14+$0x0], $0xffff  }
0x147: {  	v21 =	vadd.s32 v30, v21;
	v15 =	vadd.s32 $0xFFFFE0C2, v15;
	v19 =	vcvt.s32.f32 v30;
	v30 =	vld.idx.msk [tilespmem:v42+s14+$0x0], $0xffff  }
0x148: {  	v41 =	vadd.s32 $0xFFFFE042, v10;
	v11 =	vsub.f32 v23, v11;
	v23 =	vcvt.s32.f32 v31;
	v31 =	vld.idx.msk [tilespmem:v44+s14+$0x0], $0xffff  }
0x149: {  	v46 =	vadd.s32 $0xFFFFE0C1, v35;
	v9 =	vtrunc.f32 v17;
	v40 =	vadd.s32 $0xFFFFE0C1, v10;
	v16 =	vld.idx.msk [tilespmem:v43+s14+$0x0], $0xffff  }
0x14a: {  	v28 =	vcvt.s32.f32 v28;
	v9 =	vcvt.f32.s32 v9;
	v10 =	vadd.s32 $0xFFFFE0C2, v10;
	v39 =	vld.idx.msk [tilespmem:v39+s14+$0x0], $0xffff  }
0x14b: {  	v47 =	vadd.s32 $0xFFFFE042, v35;
	v35 =	vadd.s32 $0xFFFFE0C2, v35;
	v29 =	vsub.f32 v5, v29;
	v8 =	vld.idx.msk [tilespmem:v8+s14+$0x0], $0xffff  }
0x14c: {  	v0 =	vsub.f32 v0, v28;
	v27 =	vcvt.s32.f32 v27;
	v36 =	vadd.s32 v9, v36;
	v15 =	vld.idx.msk [tilespmem:v15+s14+$0x0], $0xffff  }
0x14d: {  	v9 =	vcvt.s32.f32 v9;
	v48 =	vadd.s32 $0xFFFFE041, v36;
	v49 =	vadd.s32 $0xFFFFE0C1, v36;
	v41 =	vld.idx.msk [tilespmem:v41+s14+$0x0], $0xffff  }
0x14e: {  	v50 =	vadd.s32 $0xFFFFE042, v36;
	v36 =	vadd.s32 $0xFFFFE0C2, v36;
	v2 =	vsub.f32 v2, v27;
	v40 =	vld.idx.msk [tilespmem:v40+s14+$0x0], $0xffff  }
0x14f: {  	v9 =	vsub.f32 v17, v9;
	v54 =	vadd.s32 $0xFFFFE041, v34;
	v56 =	vadd.s32 $0xFFFFE042, v34;
	v10 =	vld.idx.msk [tilespmem:v10+s14+$0x0], $0xffff  }
0x150: {  	v51 =	vadd.s32 $0xFFFFE041, v21;
	v20 =	vsub.f32 v20, v23;
	v23 =	vcvt.s32.f32 v24;
	v17 =	vld.idx.msk [tilespmem:v33+s14+$0x0], $0xffff  }
0x151: {  	v52 =	vadd.s32 $0xFFFFE0C1, v21;
	v63 =	vld.idx.msk [tilespmem:v45+s14+$0x0], $0xffff;
	v8 =	vsub.f32 v8, v37;
	v15 =	vsub.f32 v15, v38  }
0x152: {  	v18 =	vsub.f32 v18, v19;
	v24 =	vcvt.s32.f32 v25;
	v22 =	vld.idx.msk [tilespmem:v46+s14+$0x0], $0xffff;
	v1 =	vsub.f32 v1, v23  }
0x153: {  	v25 =	vld.idx.msk [tilespmem:v35+s14+$0x0], $0xffff;
	v19 =	vsub.f32 v41, v39;
	v8 =	vmul.f32 v12, v8;
	v12 =	vmul.f32 v15, v12  }
0x154: {  	v53 =	vadd.s32 $0xFFFFE042, v21;
	v23 =	vld.idx.msk [tilespmem:v49+s14+$0x0], $0xffff;
	v3 =	vsub.f32 v3, v24;
	v10 =	vsub.f32 v10, v40  }
0x155: {  	v19 =	vmul.f32 v11, v19;
	v15 =	vld.idx.msk [tilespmem:v47+s14+$0x0], $0xffff;
	v8 =	vadd.f32 v8, v37;
	v12 =	vadd.f32 v12, v38  }
0x156: {  	v24 =	vld.idx.msk [tilespmem:v36+s14+$0x0], $0xffff;
	v5 =	vmul.f32 v10, v11;
	v10 =	vcvt.s32.f32 v26;
	v26 =	vsub.f32 v31, v30  }
0x157: {  	v21 =	vadd.s32 $0xFFFFE0C2, v21;
	v17 =	vsub.f32 v17, v16;
	v11 =	vld.idx.msk [tilespmem:v48+s14+$0x0], $0xffff;
	v12 =	vsub.f32 v12, v8  }
0x158: {  	v25 =	vsub.f32 v25, v22;
	v31 =	vld.idx.msk [tilespmem:v50+s14+$0x0], $0xffff;
	v19 =	vadd.f32 v19, v39;
	v26 =	vmul.f32 v13, v26  }
0x159: {  	v41 =	vsub.f32 v6, v10;
	v10 =	vmul.f32 v17, v13;
	v17 =	vld.idx.msk [tilespmem:v53+s14+$0x0], $0xffff;
	v7 =	vmul.f32 v12, v7  }
0x15a: {  	v55 =	vadd.s32 $0xFFFFE0C1, v34;
	v5 =	vadd.f32 v5, v40;
	v6 =	vsub.f32 v15, v63;
	v15 =	vld.idx.msk [tilespmem:v51+s14+$0x0], $0xffff;
	[tilespmem:$0x1FF70] =	vst v2  }
0x15b: {  	v34 =	vadd.s32 $0xFFFFE0C2, v34;
	v26 =	vadd.f32 v26, v30;
	v27 =	vld.idx.msk [tilespmem:v52+s14+$0x0], $0xffff;
	[tilespmem:$0x1FF90] =	vst v0;
	v4 =	vadd.f32 v7, v8  }
0x15c: {  	v13 =	vsub.f32 v5, v19;
	v10 =	vadd.f32 v10, v16;
	v12 =	vmul.f32 v25, v14;
	v0 =	vld.idx.msk [tilespmem:v21+s14+$0x0], $0xffff  }
0x15d: {  	s29 =	simm.s32 $0x400;
	v2 =	vmul.f32 v14, v6;
	v14 =	vsub.f32 v31, v11;
	v16 =	vld.idx.msk [tilespmem:v54+s14+$0x0], $0xffff;
	[tilespmem:$0x1FF60] =	vst v4  }
0x15e: {  	s26 =	simm.s32 $0x100;
	s25 =	sand.u32 $0xC00, s29;
	v8 =	vsub.f32 v10, v26;
	v12 =	vadd.f32 v12, v22;
	v21 =	vld.idx.msk [tilespmem:v56+s14+$0x0], $0xffff  }
0x15f: {  	s30 =	sand.u32 $0x3FFFFC00, s26;
	s31 =	sshrl.u32 s25, $0x2;
	v10 =	vmul.f32 v13, v29;
	v13 =	vsub.f32 v24, v23;
	v2 =	vadd.f32 v2, v63;
	v22 =	vld.idx.msk [tilespmem:v55+s14+$0x0], $0xffff  }
0x160: {  	s26 =	sor.u32 s31, s30;
	v14 =	vmul.f32 v9, v14;
	v17 =	vsub.f32 v17, v15;
	v24 =	vld.idx.msk [tilespmem:v34+s14+$0x0], $0xffff  }
0x161: {  	v8 =	vmul.f32 v8, v1;
	v9 =	vmul.f32 v13, v9;
	v13 =	vld [tilespmem:s26+$0x40F0];
	v12 =	vsub.f32 v12, v2  }
0x162: {  	v10 =	vadd.f32 v10, v19;
	v1 =	vadd.f32 v14, v11;
	v11 =	vld [tilespmem:s26+$0x4070];
	v14 =	vmul.f32 v18, v17  }
0x163: {  	v19 =	vld [tilespmem:s26+$0x4080];
	v17 =	vadd.f32 v9, v23;
	v9 =	vsub.f32 v0, v27;
	v3 =	vmul.f32 v12, v3  }
0x164: {  	v0 =	vadd.f32 v14, v15  }
0x165: {  	v12 =	vld [tilespmem:s26+$0x4090];
	v15 =	vmul.f32 v9, v18;
	v9 =	vadd.f32 v3, v2;
	v2 =	vsub.f32 v17, v1  }
0x166: {  	v8 =	vadd.f32 v8, v26;
	v18 =	vld [tilespmem:s26+$0x40A0];
	v14 =	vsub.f32 v21, v16  }
0x167: {  	v17 =	vld [tilespmem:s26+$0x40B0];
	v13 =	vmul.f32 $6.400000000e+01, v13;
	v21 =	vsub.f32 v24, v22;
	v2 =	vmul.f32 v2, v41  }
0x168: {  	v11 =	vmul.f32 $6.400000000e+01, v11;
	v15 =	vadd.f32 v15, v27;
	v19 =	vmul.f32 $6.400000000e+01, v19  }
0x169: {  	v24 =	vld [tilespmem:s26+$0x40C0];
	v14 =	vmul.f32 v20, v14;
	v26 =	vadd.f32 $6.350000000e+01, v13;
	v27 =	vmul.f32 v21, v20;
	[tilespmem:$0x1FF40] =	vst v2  }
0x16a: {  	v12 =	vmul.f32 $6.400000000e+01, v12;
	v29 =	vadd.f32 $6.350000000e+01, v11;
	v23 =	vadd.f32 $6.350000000e+01, v19;
	v25 =	vld [tilespmem:s26+$0x40D0]  }
0x16b: {  	v13 =	vmul.f32 $6.400000000e+01, v18;
	v20 =	vld [tilespmem:s26+$0x40E0];
	v2 =	vadd.f32 v14, v16;
	v14 =	vtrunc.f32 v26  }
0x16c: {  	v11 =	vld [tilespmem:s26+$0x4000];
	v21 =	vadd.f32 $6.350000000e+01, v12;
	v12 =	vtrunc.f32 v29;
	v17 =	vmul.f32 $6.400000000e+01, v17  }
0x16d: {  	v16 =	vld [tilespmem:s26+$0x4010];
	v46 =	vtrunc.f32 v23;
	v14 =	vcvt.f32.s32 v14  }
0x16e: {  	v18 =	vld [tilespmem:s26+$0x4020];
	v28 =	vcvt.f32.s32 v12;
	v19 =	vmul.f32 $6.400000000e+01, v24  }
0x16f: {  	v30 =	vld [tilespmem:s26+$0x4030];
	v36 =	vcvt.f32.s32 v46;
	v12 =	vadd.f32 $6.350000000e+01, v17;
	v47 =	vtrunc.f32 v21  }
0x170: {  	v3 =	vsub.f32 v15, v0;
	v43 =	vld [tilespmem:s26+$0x4050];
	v37 =	vcvt.f32.s32 v47;
	v51 =	vcvt.s32.f32 v28  }
0x171: {  	v15 =	vshll.u32 v36, $0x7;
	v36 =	vcvt.s32.f32 v36;
	v48 =	vtrunc.f32 v12  }
0x172: {  	v22 =	vadd.f32 v27, v22;
	v24 =	vmul.f32 $6.400000000e+01, v25;
	v31 =	vmul.f32 $6.400000000e+01, v20  }
0x173: {  	v13 =	vadd.f32 $6.350000000e+01, v13;
	v42 =	vmul.f32 $6.400000000e+01, v11;
	v16 =	vmul.f32 $6.400000000e+01, v16  }
0x174: {  	v17 =	vld [tilespmem:s26+$0x4040];
	v25 =	vshll.u32 v14, $0x7;
	v18 =	vmul.f32 $6.400000000e+01, v18;
	v30 =	vmul.f32 $6.400000000e+01, v30  }
0x175: {  	v20 =	vadd.f32 $6.350000000e+01, v19;
	v33 =	vmul.f32 $6.400000000e+01, v43;
	v39 =	vcvt.f32.s32 v48  }
0x176: {  	v52 =	vshll.u32 v37, $0x7;
	v25 =	vadd.s32 v28, v25;
	v19 =	vadd.f32 $6.350000000e+01, v24;
	v24 =	vld [tilespmem:s26+$0x4060]  }
0x177: {  	v29 =	vsub.f32 v29, v51;
	v11 =	vadd.f32 $6.350000000e+01, v31;
	v31 =	vadd.s32 $0xFFFFE0C1, v25  }
0x178: {  	v44 =	vadd.s32 $0xFFFFE041, v25;
	v45 =	vadd.s32 $0xFFFFE042, v25;
	v25 =	vadd.s32 $0xFFFFE0C2, v25  }
0x179: {  	v32 =	vadd.f32 $6.350000000e+01, v42;
	v16 =	vadd.f32 $6.350000000e+01, v16;
	v17 =	vmul.f32 $6.400000000e+01, v17  }
0x17a: {  	v14 =	vcvt.s32.f32 v14;
	v18 =	vadd.f32 $6.350000000e+01, v18;
	v30 =	vadd.f32 $6.350000000e+01, v30  }
0x17b: {  	v49 =	vtrunc.f32 v20;
	v38 =	vadd.f32 $6.350000000e+01, v17;
	v17 =	vmul.f32 $6.400000000e+01, v24  }
0x17c: {  	v33 =	vadd.f32 $6.350000000e+01, v33;
	v27 =	vcvt.f32.s32 v49;
	v50 =	vtrunc.f32 v19;
	v31 =	vld.idx.msk [tilespmem:v31+s14+$0x0], $0xffff  }
0x17d: {  	v53 =	vtrunc.f32 v32;
	v54 =	vtrunc.f32 v16;
	v42 =	vadd.f32 $6.350000000e+01, v17;
	v17 =	vld.idx.msk [tilespmem:v25+s14+$0x0], $0xffff  }
0x17e: {  	v58 =	vshll.u32 v39, $0x7;
	v55 =	vtrunc.f32 v18;
	v57 =	vtrunc.f32 v30  }
0x17f: {  	v14 =	vsub.f32 v26, v14;
	v60 =	vtrunc.f32 v33;
	v28 =	vcvt.f32.s32 v50;
	v34 =	vld.idx.msk [tilespmem:v44+s14+$0x0], $0xffff  }
0x180: {  	v59 =	vshll.u32 v27, $0x7;
	v41 =	vcvt.f32.s32 v54;
	v26 =	vcvt.f32.s32 v55;
	v35 =	vld.idx.msk [tilespmem:v45+s14+$0x0], $0xffff  }
0x181: {  	v24 =	vtrunc.f32 v13;
	v61 =	vshll.u32 v28, $0x7;
	v44 =	vcvt.f32.s32 v57  }
0x182: {  	v43 =	vcvt.f32.s32 v24;
	v25 =	vtrunc.f32 v11;
	v17 =	vsub.f32 v17, v31  }
0x183: {  	v45 =	vcvt.f32.s32 v60;
	v48 =	vadd.s32 v44, v58;
	v25 =	vcvt.f32.s32 v25  }
0x184: {  	[tilespmem:$0x1FF80] =	vst v3;
	v3 =	vld [tilespmem:$0x1FF50];
	v56 =	vshll.u32 v43, $0x7;
	v60 =	vadd.s32 $0xFFFFE0C1, v48;
	v17 =	vmul.f32 v17, v29  }
0x185: {  	s26 =	simm.s32 $0x0;
	v62 =	vtrunc.f32 v42;
	v46 =	vadd.s32 v26, v56;
	v35 =	vsub.f32 v35, v34  }
0x186: {  	s29 =	simm.s32 $0x0;
	s0 =	sand.u32 $0x1000, s26;
	v63 =	vshll.u32 v25, $0x7;
	v17 =	vadd.f32 v17, v31;
	v31 =	vcvt.f32.s32 v53  }
0x187: {  	s26 =	sand.u32 $0x380, s29;
	s0 =	sor.u32 s24, s0;
	v40 =	vcvt.f32.s32 v62;
	v56 =	vadd.s32 $0xFFFFE041, v46;
	v35 =	vmul.f32 v29, v35  }
0x188: {  	s24 =	sor.u32 s26, s0;
	v57 =	vadd.s32 $0xFFFFE0C1, v46;
	v58 =	vadd.s32 $0xFFFFE042, v46;
	v15 =	vadd.s32 v31, v15  }
0x189: {  	v46 =	vadd.s32 $0xFFFFE0C2, v46;
	[tilespmem:s24+$0xC470] =	vst v3;
	v34 =	vadd.f32 v35, v34;
	v49 =	vadd.s32 $0xFFFFE041, v15  }
0x18a: {  	v47 =	vadd.s32 v40, v63;
	v3 =	vld [tilespmem:$0x1FF60];
	[tilespmem:s24+$0xC420] =	vst v8;
	v8 =	vsub.f32 v23, v36;
	v51 =	vadd.s32 $0xFFFFE042, v15  }
0x18b: {  	v29 =	vtrunc.f32 v38;
	v17 =	vsub.f32 v17, v34;
	v50 =	vadd.s32 $0xFFFFE0C1, v15  }
0x18c: {  	v35 =	vadd.s32 v45, v61;
	v29 =	vcvt.f32.s32 v29;
	v15 =	vadd.s32 $0xFFFFE0C2, v15  }
0x18d: {  	v14 =	vmul.f32 v17, v14;
	v17 =	vadd.s32 v41, v52;
	v41 =	vcvt.s32.f32 v41  }
0x18e: {  	s30 =	simm.s32 $0x80;
	v52 =	vadd.s32 $0xFFFFE041, v17;
	v53 =	vadd.s32 $0xFFFFE0C1, v17;
	v54 =	vadd.s32 $0xFFFFE042, v17;
	v49 =	vld.idx.msk [tilespmem:v49+s14+$0x0], $0xffff  }
0x18f: {  	s31 =	simm.s32 $0x20;
	s0 =	sand.u32 $0x1000, s30;
	[tilespmem:s24+$0xC410] =	vst v10;
	v55 =	vadd.s32 $0xFFFFE0C2, v17;
	v34 =	vadd.f32 v14, v34;
	v14 =	vadd.s32 v29, v59;
	v51 =	vld.idx.msk [tilespmem:v51+s14+$0x0], $0xffff  }
0x190: {  	s26 =	sand.u32 $0x380, s31;
	s0 =	sor.u32 s25, s0;
	[tilespmem:s24+$0xC430] =	vst v9;
	v17 =	vcvt.s32.f32 v31;
	v62 =	vadd.s32 $0xFFFFE041, v14;
	v31 =	vadd.s32 $0xFFFFE0C1, v14;
	v50 =	vld.idx.msk [tilespmem:v50+s14+$0x0], $0xffff  }
0x191: {  	s28 =	sor.u32 s26, s0;
	[tilespmem:s24+$0xC400] =	vst v3;
	v63 =	vadd.s32 $0xFFFFE042, v14;
	v7 =	vadd.s32 $0xFFFFE0C2, v14;
	v14 =	vcvt.s32.f32 v26;
	v26 =	vld.idx.msk [tilespmem:v15+s14+$0x0], $0xffff  }
0x192: {  	v23 =	vld.idx.msk [tilespmem:v60+s14+$0x0], $0xffff;
	v61 =	vadd.s32 $0xFFFFE042, v48;
	v59 =	vadd.s32 $0xFFFFE041, v48;
	v48 =	vadd.s32 $0xFFFFE0C2, v48;
	[tilespmem:s28+$0xC470] =	vst v34  }
0x193: {  	v41 =	vsub.f32 v16, v41;
	v16 =	vcvt.s32.f32 v29;
	v15 =	vcvt.s32.f32 v44;
	v3 =	vld [tilespmem:$0x1FF70]  }
0x194: {  	v29 =	vcvt.s32.f32 v45;
	v32 =	vsub.f32 v32, v17;
	v17 =	vadd.s32 $0xFFFFE042, v47;
	v52 =	vld.idx.msk [tilespmem:v52+s14+$0x0], $0xffff  }
0x195: {  	v4 =	vsub.f32 v18, v14;
	v18 =	vadd.s32 $0xFFFFE041, v47;
	v24 =	vsub.f32 v30, v15;
	v30 =	vld.idx.msk [tilespmem:v54+s14+$0x0], $0xffff  }
0x196: {  	v14 =	vadd.s32 $0xFFFFE0C2, v47;
	v45 =	vsub.f32 v51, v49;
	v51 =	vld.idx.msk [tilespmem:v55+s14+$0x0], $0xffff;
	v55 =	vsub.f32 v26, v50  }
0x197: {  	v15 =	vadd.s32 $0xFFFFE0C1, v47;
	v47 =	vld.idx.msk [tilespmem:v53+s14+$0x0], $0xffff;
	v53 =	vsub.f32 v22, v2;
	v22 =	vsub.f32 v38, v16  }
0x198: {  	v54 =	vld.idx.msk [tilespmem:v56+s14+$0x0], $0xffff;
	v16 =	vsub.f32 v33, v29;
	v45 =	vmul.f32 v32, v45;
	v29 =	vmul.f32 v55, v32  }
0x199: {  	v6 =	vadd.s32 $0xFFFFE041, v35;
	v56 =	vld.idx.msk [tilespmem:v58+s14+$0x0], $0xffff  }
0x19a: {  	v38 =	vld.idx.msk [tilespmem:v57+s14+$0x0], $0xffff;
	v26 =	vadd.f32 v45, v49;
	v29 =	vadd.f32 v29, v50  }
0x19b: {  	v58 =	vld.idx.msk [tilespmem:v48+s14+$0x0], $0xffff  }
0x19c: {  	v37 =	vcvt.s32.f32 v37;
	v32 =	vld.idx.msk [tilespmem:v46+s14+$0x0], $0xffff;
	v55 =	vcvt.s32.f32 v27;
	v29 =	vsub.f32 v29, v26  }
0x19d: {  	v40 =	vcvt.s32.f32 v40;
	v30 =	vsub.f32 v30, v52;
	v49 =	vld.idx.msk [tilespmem:v59+s14+$0x0], $0xffff  }
0x19e: {  	v37 =	vsub.f32 v21, v37;
	v29 =	vmul.f32 v29, v8;
	v8 =	vsub.f32 v20, v55;
	v20 =	vld.idx.msk [tilespmem:v6+s14+$0x0], $0xffff  }
0x19f: {  	v36 =	vcvt.s32.f32 v39;
	v10 =	vsub.f32 v42, v40;
	v30 =	vmul.f32 v41, v30;
	v6 =	vld [tilespmem:$0x1FF80]  }
0x1a0: {  	v5 =	vadd.s32 $0xFFFFE042, v35;
	v44 =	vadd.s32 $0xFFFFE0C1, v35;
	v50 =	vsub.f32 v51, v47;
	v51 =	vld.idx.msk [tilespmem:v61+s14+$0x0], $0xffff  }
0x1a1: {  	v33 =	vcvt.s32.f32 v43;
	v21 =	vadd.f32 v30, v52;
	v30 =	vsub.f32 v56, v54  }
0x1a2: {  	v35 =	vadd.s32 $0xFFFFE0C2, v35;
	v27 =	vld.idx.msk [tilespmem:v62+s14+$0x0], $0xffff;
	v59 =	vcvt.s32.f32 v25;
	v9 =	vmul.f32 v50, v41  }
0x1a3: {  	v61 =	vld.idx.msk [tilespmem:v63+s14+$0x0], $0xffff;
	v63 =	vsub.f32 v58, v23;
	v25 =	vmul.f32 v4, v30;
	v30 =	vsub.f32 v32, v38  }
0x1a4: {  	v60 =	vadd.f32 v9, v47;
	v9 =	vsub.f32 v12, v36;
	v12 =	vmul.f32 v6, v3;
	v3 =	vld [tilespmem:$0x1FF90]  }
0x1a5: {  	v57 =	vcvt.s32.f32 v28;
	v28 =	vsub.f32 v13, v33;
	v13 =	vld.idx.msk [tilespmem:v31+s14+$0x0], $0xffff;
	v62 =	vsub.f32 v51, v49  }
0x1a6: {  	v33 =	vmul.f32 v63, v24;
	v31 =	vmul.f32 v30, v4;
	v30 =	vld.idx.msk [tilespmem:v7+s14+$0x0], $0xffff;
	v7 =	vsub.f32 v60, v21  }
0x1a7: {  	v25 =	vadd.f32 v25, v54;
	v4 =	vsub.f32 v19, v57;
	v19 =	vld.idx.msk [tilespmem:v5+s14+$0x0], $0xffff;
	v6 =	vmul.f32 v24, v62  }
0x1a8: {  	v5 =	vsub.f32 v11, v59;
	v32 =	vadd.f32 v31, v38;
	v31 =	vmul.f32 v7, v37;
	v7 =	vld.idx.msk [tilespmem:v44+s14+$0x0], $0xffff  }
0x1a9: {  	s25 =	simm.s32 $0x8;
	s26 =	simm.s32 $0x2;
	v34 =	vsub.f32 v61, v27;
	v24 =	vld.idx.msk [tilespmem:v35+s14+$0x0], $0xffff;
	v6 =	vadd.f32 v6, v49;
	v11 =	vmul.f32 v53, v3  }
.LBB2_4:
0x1aa: {  	v18 =	vld.idx.msk [tilespmem:v18+s14+$0x0], $0xffff  }
0x1ab: {  	v17 =	vld.idx.msk [tilespmem:v17+s14+$0x0], $0xffff  }
0x1ac: {  	s25 =	sadd.s32 $0x8, s25;
	s0 =	sshll.u32 s26, $0xA;
	v26 =	vadd.f32 v29, v26;
	v15 =	vld.idx.msk [tilespmem:v15+s14+$0x0], $0xffff  }
0x1ad: {  	v3 =	vld [tilespmem:$0x1FF40];
	v12 =	vadd.f32 v12, v0;
	v29 =	vsub.f32 v32, v25;
	s30 =	sshll.u32 s25, $0x5;
	s29 =	sand.u32 $0xC00, s0  }
0x1ae: {  	v14 =	vld.idx.msk [tilespmem:v14+s14+$0x0], $0xffff;
	v23 =	vadd.f32 v33, v23;
	v21 =	vadd.f32 v31, v21;
	s0 =	sand.u32 $0x3FFFFC00, s30;
	s31 =	sshrl.u32 s29, $0x2  }
0x1af: {  	v2 =	vadd.f32 v11, v2;
	[tilespmem:s28+$0xC400] =	vst v26;
	v28 =	vmul.f32 v29, v28;
	s30 =	sor.u32 s31, s0;
	v30 =	vsub.f32 v30, v13  }
0x1b0: {  	v49 =	vmul.f32 v22, v34;
	v23 =	vsub.f32 v23, v6;
	[tilespmem:s28+$0xC410] =	vst v21;
	v19 =	vsub.f32 v19, v20;
	v26 =	vld [tilespmem:s30+$0x4070]  }
0x1b1: {  	v21 =	vsub.f32 v24, v7;
	v11 =	vld [tilespmem:s30+$0x4090];
	v25 =	vadd.f32 v28, v25;
	v22 =	vmul.f32 v30, v22  }
0x1b2: {  	v3 =	vadd.f32 v3, v1;
	v1 =	vadd.f32 v49, v27;
	v27 =	vld [tilespmem:s30+$0x40F0];
	v19 =	vmul.f32 v16, v19  }
0x1b3: {  	v17 =	vsub.f32 v17, v18;
	v16 =	vmul.f32 v21, v16;
	[tilespmem:s28+$0xC420] =	vst v25;
	v13 =	vadd.f32 v22, v13;
	v22 =	vld [tilespmem:s30+$0x4080]  }
0x1b4: {  	[tilespmem:s24+$0xC450] =	vst v12;
	v9 =	vmul.f32 v23, v9;
	v0 =	vadd.f32 v19, v20;
	v19 =	vld [tilespmem:s30+$0x40A0]  }
0x1b5: {  	v12 =	vmul.f32 v10, v17;
	v17 =	vadd.f32 v16, v7;
	v7 =	vld [tilespmem:s30+$0x40D0]  }
0x1b6: {  	[tilespmem:s24+$0xC440] =	vst v3;
	v3 =	vadd.f32 v9, v6;
	v16 =	vld [tilespmem:s30+$0x4010]  }
0x1b7: {  	[tilespmem:s24+$0xC460] =	vst v2;
	s24 =	smov.u32 s28;
	v20 =	vld [tilespmem:s30+$0x40B0];
	v2 =	vmul.f32 $6.400000000e+01, v26;
	v6 =	vsub.f32 v13, v1;
	v13 =	vsub.f32 v14, v15  }
0x1b8: {  	[tilespmem:s24+$0xC430] =	vst v3;
	v9 =	vmul.f32 $6.400000000e+01, v27;
	v14 =	vld [tilespmem:s30+$0x40C0]  }
0x1b9: {  	v21 =	vld [tilespmem:s30+$0x4030];
	v51 =	vadd.f32 $6.350000000e+01, v2;
	v3 =	vmul.f32 v6, v8;
	v24 =	vmul.f32 v13, v10  }
0x1ba: {  	v50 =	vadd.f32 $6.350000000e+01, v9;
	v8 =	vmul.f32 $6.400000000e+01, v11;
	v6 =	vmul.f32 $6.400000000e+01, v22  }
0x1bb: {  	v2 =	vadd.f32 v12, v18;
	v7 =	vmul.f32 $6.400000000e+01, v7;
	v16 =	vmul.f32 $6.400000000e+01, v16  }
0x1bc: {  	v9 =	vtrunc.f32 v50;
	v12 =	vadd.f32 $6.350000000e+01, v8;
	v8 =	vtrunc.f32 v51  }
0x1bd: {  	v10 =	vld [tilespmem:s30+$0x40E0];
	v13 =	vadd.f32 $6.350000000e+01, v6;
	v6 =	vmul.f32 $6.400000000e+01, v19;
	v18 =	vcvt.f32.s32 v9  }
0x1be: {  	v11 =	vld [tilespmem:s30+$0x4000];
	v14 =	vmul.f32 $6.400000000e+01, v14;
	v7 =	vadd.f32 $6.350000000e+01, v7;
	v21 =	vmul.f32 $6.400000000e+01, v21  }
0x1bf: {  	v19 =	vld [tilespmem:s30+$0x4020];
	v9 =	vadd.f32 $6.350000000e+01, v6;
	v6 =	vmul.f32 $6.400000000e+01, v20;
	v20 =	vcvt.f32.s32 v8  }
0x1c0: {  	v41 =	vadd.f32 v24, v15;
	v31 =	vtrunc.f32 v13;
	v38 =	vtrunc.f32 v7  }
0x1c1: {  	v22 =	vshll.u32 v18, $0x7;
	v18 =	vcvt.s32.f32 v18;
	v31 =	vcvt.f32.s32 v31  }
0x1c2: {  	v8 =	vadd.f32 $6.350000000e+01, v6;
	v6 =	vmul.f32 $6.400000000e+01, v10;
	v10 =	vadd.s32 v20, v22  }
0x1c3: {  	v23 =	vld [tilespmem:s30+$0x4040];
	v22 =	vmul.f32 $6.400000000e+01, v11;
	v11 =	vadd.f32 $6.350000000e+01, v14;
	v25 =	vadd.s32 $0xFFFFE041, v10  }
0x1c4: {  	v28 =	vadd.s32 $0xFFFFE042, v10;
	v19 =	vmul.f32 $6.400000000e+01, v19;
	v29 =	vadd.s32 $0xFFFFE0C1, v10  }
0x1c5: {  	v27 =	vld [tilespmem:s30+$0x4060];
	v30 =	vadd.s32 $0xFFFFE0C2, v10;
	v15 =	vshll.u32 v31, $0x7;
	v6 =	vadd.f32 $6.350000000e+01, v6  }
0x1c6: {  	v14 =	vld [tilespmem:s30+$0x4050];
	v31 =	vcvt.s32.f32 v31;
	v26 =	vadd.f32 $6.350000000e+01, v22;
	v22 =	vadd.f32 $6.350000000e+01, v16  }
0x1c7: {  	v16 =	vadd.f32 $6.350000000e+01, v21;
	v36 =	vtrunc.f32 v8;
	v37 =	vtrunc.f32 v11  }
0x1c8: {  	v10 =	vadd.f32 $6.350000000e+01, v19;
	v19 =	vmul.f32 $6.400000000e+01, v23;
	v24 =	vcvt.f32.s32 v37  }
0x1c9: {  	v41 =	vsub.f32 v41, v2;
	v40 =	vtrunc.f32 v6;
	v54 =	vtrunc.f32 v26  }
0x1ca: {  	v18 =	vsub.f32 v50, v18;
	v55 =	vtrunc.f32 v22;
	v42 =	vtrunc.f32 v16  }
0x1cb: {  	v14 =	vmul.f32 $6.400000000e+01, v14;
	v21 =	vadd.f32 $6.350000000e+01, v19;
	v19 =	vmul.f32 $6.400000000e+01, v27;
	v52 =	vld.idx.msk [tilespmem:v25+s14+$0x0], $0xffff  }
0x1cc: {  	v13 =	vsub.f32 v13, v31;
	v27 =	vtrunc.f32 v9;
	v57 =	vtrunc.f32 v10;
	v35 =	vld.idx.msk [tilespmem:v28+s14+$0x0], $0xffff  }
0x1cd: {  	v44 =	vshll.u32 v24, $0x7;
	v33 =	vcvt.f32.s32 v55;
	v25 =	vtrunc.f32 v12;
	v39 =	vld.idx.msk [tilespmem:v30+s14+$0x0], $0xffff  }
0x1ce: {  	v27 =	vcvt.f32.s32 v27;
	v32 =	vcvt.f32.s32 v57;
	v23 =	vadd.f32 $6.350000000e+01, v14;
	v14 =	vld.idx.msk [tilespmem:v29+s14+$0x0], $0xffff  }
0x1cf: {  	v28 =	vadd.f32 $6.350000000e+01, v19;
	v30 =	vcvt.f32.s32 v25;
	v29 =	vcvt.f32.s32 v36  }
0x1d0: {  	v19 =	vsub.f32 v17, v0;
	v17 =	vcvt.s32.f32 v20;
	v25 =	vcvt.f32.s32 v38  }
0x1d1: {  	v20 =	vcvt.f32.s32 v40;
	v59 =	vtrunc.f32 v21;
	v58 =	vshll.u32 v27, $0x7  }
0x1d2: {  	v38 =	vcvt.f32.s32 v59;
	v17 =	vsub.f32 v51, v17;
	v35 =	vsub.f32 v35, v52  }
0x1d3: {  	v53 =	vshll.u32 v30, $0x7;
	v45 =	vtrunc.f32 v23;
	v56 =	vsub.f32 v39, v14  }
0x1d4: {  	v43 =	vshll.u32 v29, $0x7;
	v60 =	vtrunc.f32 v28;
	v35 =	vmul.f32 v17, v35  }
0x1d5: {  	v61 =	vshll.u32 v20, $0x7;
	v40 =	vadd.s32 v32, v58;
	v17 =	vmul.f32 v56, v17  }
0x1d6: {  	v32 =	vcvt.s32.f32 v32;
	v34 =	vadd.f32 v35, v52;
	v35 =	vcvt.f32.s32 v54  }
0x1d7: {  	v36 =	vcvt.f32.s32 v45;
	v37 =	vcvt.f32.s32 v60;
	v14 =	vadd.f32 v17, v14  }
0x1d8: {  	v62 =	vadd.s32 v38, v44;
	v51 =	vadd.s32 $0xFFFFE041, v40;
	v15 =	vadd.s32 v35, v15  }
0x1d9: {  	v57 =	vadd.s32 $0xFFFFE041, v62;
	v14 =	vsub.f32 v14, v34;
	v63 =	vadd.s32 $0xFFFFE041, v15  }
0x1da: {  	v58 =	vadd.s32 $0xFFFFE0C1, v62;
	v52 =	vadd.s32 $0xFFFFE0C1, v40;
	v46 =	vadd.s32 $0xFFFFE042, v15  }
0x1db: {  	v35 =	vcvt.s32.f32 v35;
	v45 =	vadd.s32 $0xFFFFE0C1, v15;
	v14 =	vmul.f32 v14, v18  }
0x1dc: {  	s31 =	sshll.u32 s25, $0x4;
	v18 =	vadd.s32 v33, v53;
	v53 =	vadd.s32 $0xFFFFE042, v40;
	v40 =	vadd.s32 $0xFFFFE0C2, v40  }
0x1dd: {  	s0 =	sand.u32 $0x1000, s31;
	s28 =	sshll.u32 s25, $0x2;
	v59 =	vadd.s32 $0xFFFFE042, v62;
	v39 =	vcvt.f32.s32 v42;
	v47 =	vadd.s32 $0xFFFFE041, v18  }
0x1de: {  	s0 =	sor.u32 s29, s0;
	s28 =	sand.u32 $0x380, s28;
	v35 =	vsub.f32 v26, v35;
	v48 =	vadd.s32 $0xFFFFE0C1, v18;
	v14 =	vadd.f32 v14, v34;
	v44 =	vld.idx.msk [tilespmem:v63+s14+$0x0], $0xffff  }
0x1df: {  	s28 =	sor.u32 s28, s0;
	v26 =	vcvt.s32.f32 v38;
	v33 =	vcvt.s32.f32 v33;
	v50 =	vadd.s32 $0xFFFFE0C2, v18;
	v46 =	vld.idx.msk [tilespmem:v46+s14+$0x0], $0xffff  }
0x1e0: {  	v17 =	vshll.u32 v25, $0x7;
	v49 =	vadd.s32 $0xFFFFE042, v18;
	v45 =	vld.idx.msk [tilespmem:v45+s14+$0x0], $0xffff;
	[tilespmem:s28+$0xC470] =	vst v14;
	v14 =	vadd.s32 $0xFFFFE0C2, v15  }
0x1e1: {  	v33 =	vsub.f32 v22, v33;
	v22 =	vsub.f32 v21, v26;
	v21 =	vcvt.s32.f32 v30;
	v30 =	vld.idx.msk [tilespmem:v40+s14+$0x0], $0xffff  }
0x1e2: {  	v42 =	vadd.s32 v37, v61;
	v43 =	vadd.s32 v39, v43;
	v17 =	vadd.s32 v36, v17;
	v47 =	vld.idx.msk [tilespmem:v47+s14+$0x0], $0xffff  }
0x1e3: {  	v37 =	vcvt.s32.f32 v37;
	v54 =	vadd.s32 $0xFFFFE041, v43;
	v60 =	vadd.s32 $0xFFFFE041, v17;
	v48 =	vld.idx.msk [tilespmem:v48+s14+$0x0], $0xffff  }
0x1e4: {  	v61 =	vadd.s32 $0xFFFFE0C1, v17;
	v18 =	vadd.s32 $0xFFFFE041, v42;
	v38 =	vsub.f32 v46, v44;
	v46 =	vld.idx.msk [tilespmem:v50+s14+$0x0], $0xffff  }
0x1e5: {  	[tilespmem:$0x1FF40] =	vst v3;
	v34 =	vadd.s32 $0xFFFFE0C2, v62;
	v62 =	vadd.s32 $0xFFFFE042, v17;
	v63 =	vadd.s32 $0xFFFFE0C2, v17;
	v3 =	vld.idx.msk [tilespmem:v14+s14+$0x0], $0xffff  }
0x1e6: {  	v17 =	vadd.s32 $0xFFFFE042, v42;
	v15 =	vadd.s32 $0xFFFFE0C1, v42;
	v14 =	vadd.s32 $0xFFFFE0C2, v42;
	v42 =	vld.idx.msk [tilespmem:v49+s14+$0x0], $0xffff  }
0x1e7: {  	v27 =	vcvt.s32.f32 v27;
	v32 =	vsub.f32 v10, v32;
	v39 =	vcvt.s32.f32 v39;
	v50 =	vld.idx.msk [tilespmem:v53+s14+$0x0], $0xffff  }
0x1e8: {  	v10 =	vsub.f32 v28, v37;
	v56 =	vadd.s32 $0xFFFFE042, v43;
	v36 =	vcvt.s32.f32 v36;
	v49 =	vld.idx.msk [tilespmem:v51+s14+$0x0], $0xffff  }
0x1e9: {  	v55 =	vadd.s32 $0xFFFFE0C1, v43;
	v43 =	vadd.s32 $0xFFFFE0C2, v43;
	v39 =	vsub.f32 v16, v39;
	v51 =	vld.idx.msk [tilespmem:v52+s14+$0x0], $0xffff  }
0x1ea: {  	v31 =	vcvt.s32.f32 v29;
	v16 =	vsub.f32 v23, v36;
	v52 =	vld.idx.msk [tilespmem:v54+s14+$0x0], $0xffff;
	v54 =	vsub.f32 v12, v21  }
0x1eb: {  	v38 =	vmul.f32 v35, v38;
	v3 =	vsub.f32 v3, v45;
	v23 =	vsub.f32 v42, v47  }
0x1ec: {  	v12 =	vcvt.s32.f32 v24;
	v24 =	vcvt.s32.f32 v25;
	v29 =	vsub.f32 v46, v48  }
0x1ed: {  	v53 =	vld.idx.msk [tilespmem:v56+s14+$0x0], $0xffff;
	v26 =	vadd.f32 v38, v44;
	v3 =	vmul.f32 v3, v35;
	v28 =	vmul.f32 v33, v23  }
0x1ee: {  	v56 =	vld.idx.msk [tilespmem:v43+s14+$0x0], $0xffff;
	v30 =	vsub.f32 v30, v51;
	v25 =	vmul.f32 v29, v33;
	v29 =	vsub.f32 v50, v49  }
0x1ef: {  	v23 =	vld.idx.msk [tilespmem:v55+s14+$0x0], $0xffff;
	v3 =	vadd.f32 v3, v45;
	v21 =	vadd.f32 v28, v47  }
0x1f0: {  	v28 =	vsub.f32 v9, v27;
	v27 =	vld.idx.msk [tilespmem:v57+s14+$0x0], $0xffff;
	v57 =	vcvt.s32.f32 v20;
	v20 =	vadd.f32 v25, v48  }
0x1f1: {  	v59 =	vld.idx.msk [tilespmem:v59+s14+$0x0], $0xffff;
	v25 =	vmul.f32 v32, v29;
	v9 =	vsub.f32 v8, v31;
	v3 =	vsub.f32 v3, v26  }
0x1f2: {  	p0 =	slt.u32 s25, $0x1F8;
	v8 =	vsub.f32 v11, v12;
	v11 =	vsub.f32 v53, v52;
	v12 =	vmul.f32 v19, v4;
	v19 =	vld.idx.msk [tilespmem:v62+s14+$0x0], $0xffff  }
.Ltmp1:
0x1f3: {  	v4 =	vsub.f32 v7, v24;
	v7 =	vld.idx.msk [tilespmem:v61+s14+$0x0], $0xffff;
	v29 =	vmul.f32 v3, v13;
	v3 =	vmul.f32 v30, v32;
	(pc) =	sbr.rel @p0 .LBB2_4-.Ltmp1, $4  }
0x1f4: {  	v31 =	vsub.f32 v20, v21;
	v20 =	vld.idx.msk [tilespmem:v60+s14+$0x0], $0xffff;
	v24 =	vsub.f32 v56, v23  }
0x1f5: {  	v25 =	vadd.f32 v25, v49;
	v13 =	vld.idx.msk [tilespmem:v58+s14+$0x0], $0xffff;
	v32 =	vadd.f32 v3, v51;
	v3 =	vmul.f32 v39, v11  }
0x1f6: {  	v30 =	vld.idx.msk [tilespmem:v34+s14+$0x0], $0xffff;
	v31 =	vmul.f32 v31, v54;
	v33 =	vmul.f32 v24, v39;
	v34 =	vsub.f32 v59, v27  }
0x1f7: {  	s26 =	sadd.s32 $0x1, s26;
	v24 =	vld.idx.msk [tilespmem:v63+s14+$0x0], $0xffff;
	v11 =	vmul.f32 v41, v5;
	v5 =	vsub.f32 v6, v57;
	v6 =	vadd.f32 v3, v52  }
0x1f8: {  	_ =	sdelay $0x3  }
0x1f9: {  	v3 =	vld.idx.msk [tilespmem:v18+s14+$0x0], $0xffff  }
0x1fa: {  	v17 =	vld.idx.msk [tilespmem:v17+s14+$0x0], $0xffff  }
0x1fb: {  	v15 =	vld.idx.msk [tilespmem:v15+s14+$0x0], $0xffff;
	v18 =	vadd.f32 v29, v26  }
0x1fc: {  	v26 =	vsub.f32 v32, v25;
	v14 =	vld.idx.msk [tilespmem:v14+s14+$0x0], $0xffff;
	v23 =	vadd.f32 v33, v23  }
0x1fd: {  	v29 =	vmul.f32 v22, v34;
	v21 =	vadd.f32 v31, v21;
	v0 =	vadd.f32 v12, v0  }
0x1fe: {  	v19 =	vsub.f32 v19, v20;
	v26 =	vmul.f32 v26, v28;
	v28 =	vld [tilespmem:$0x1FF40];
	v30 =	vsub.f32 v30, v13  }
0x1ff: {  	v27 =	vadd.f32 v29, v27;
	v23 =	vsub.f32 v23, v6  }
0x200: {  	v19 =	vmul.f32 v16, v19;
	v24 =	vsub.f32 v24, v7;
	v22 =	vmul.f32 v30, v22  }
0x201: {  	v17 =	vsub.f32 v17, v3;
	v14 =	vsub.f32 v14, v15  }
0x202: {  	v19 =	vadd.f32 v19, v20;
	v16 =	vmul.f32 v24, v16;
	v13 =	vadd.f32 v22, v13  }
0x203: {  	v1 =	vadd.f32 v28, v1;
	v17 =	vmul.f32 v10, v17;
	v10 =	vmul.f32 v14, v10  }
0x204: {  	[tilespmem:s28+$0xC400] =	vst v18;
	v7 =	vadd.f32 v16, v7;
	v13 =	vsub.f32 v13, v27  }
0x205: {  	[tilespmem:s28+$0xC410] =	vst v21;
	v3 =	vadd.f32 v17, v3;
	v10 =	vadd.f32 v10, v15  }
0x206: {  	v2 =	vadd.f32 v11, v2;
	[tilespmem:s24+$0xC450] =	vst v0;
	v9 =	vmul.f32 v23, v9;
	v7 =	vsub.f32 v7, v19  }
0x207: {  	v25 =	vadd.f32 v26, v25;
	[tilespmem:s24+$0xC440] =	vst v1;
	v1 =	vmul.f32 v13, v8;
	v8 =	vsub.f32 v10, v3  }
0x208: {  	[tilespmem:s24+$0xC460] =	vst v2;
	v6 =	vadd.f32 v9, v6;
	v0 =	vmul.f32 v7, v4  }
0x209: {  	[tilespmem:s28+$0xC420] =	vst v25;
	v2 =	vmul.f32 v8, v5;
	v1 =	vadd.f32 v1, v27  }
0x20a: {  	[tilespmem:s28+$0xC430] =	vst v6;
	v0 =	vadd.f32 v0, v19  }
0x20b: {  	v2 =	vadd.f32 v2, v3;
	[tilespmem:s28+$0xC440] =	vst v1  }
0x20c: {  	[tilespmem:s28+$0xC450] =	vst v0  }
0x20d: {  	s0 =	simm.s32 $0x0;
	[tilespmem:s28+$0xC460] =	vst v2  }
0x20e: {  	[tilespmem:s13], [sflag:$0x2] =	stream.linear.gather [hbm4b:s8+s0], $0x4000, $0x38;
	[tilespmem:$0x12400] =	vst v63  }
0x20f: {  	s24 =	simm.s32 $0x0  }
0x210: {  	[hbm4b:s9+s0] =	stream.linear.scatter [tilespmem:s19], [sflag:$0x3], $0x2000, $0x38;
	[tilespmem:$0x12400] =	vst v63  }
0x211: {  	s25 =	simm.s32 $0x0;
	s24 =	sand.u32 $0xC00, s24;
	_ =	swait.ge [sflag:s16], $0x4000  }
0x212: {  	s25 =	sand.u32 $0x3FFFFC00, s25;
	s26 =	sshrl.u32 s24, $0x2;
	[sflag:s16] =	ssyncset.done $0x0  }
0x213: {  	s0 =	sor.u32 s26, s25;
	[sflag:s16] =	ssyncadd.s32 $0xFFFFC000  }
0x214: {  	v0 =	vld [tilespmem:s0+$0xF0]  }
0x215: {  	v1 =	vld [tilespmem:s0+$0x70]  }
0x216: {  	v2 =	vld [tilespmem:s0+$0x80]  }
0x217: {  	v3 =	vld [tilespmem:s0+$0x90]  }
0x218: {  	v12 =	vld [tilespmem:s0+$0x0]  }
0x219: {  	v14 =	vld [tilespmem:s0+$0x20]  }
0x21a: {  	v16 =	vld [tilespmem:s0+$0x30]  }
0x21b: {  	v17 =	vld [tilespmem:s0+$0x40]  }
0x21c: {  	v18 =	vld [tilespmem:s0+$0x50]  }
0x21d: {  	v20 =	vld [tilespmem:s0+$0x60];
	v0 =	vmul.f32 $6.400000000e+01, v0  }
0x21e: {  	v4 =	vld [tilespmem:s0+$0xA0];
	v1 =	vmul.f32 $6.400000000e+01, v1;
	v2 =	vmul.f32 $6.400000000e+01, v2  }
0x21f: {  	v6 =	vld [tilespmem:s0+$0xB0];
	v3 =	vmul.f32 $6.400000000e+01, v3;
	v12 =	vmul.f32 $6.400000000e+01, v12  }
0x220: {  	v8 =	vld [tilespmem:s0+$0xC0];
	v14 =	vmul.f32 $6.400000000e+01, v14;
	v16 =	vmul.f32 $6.400000000e+01, v16  }
0x221: {  	v9 =	vld [tilespmem:s0+$0xD0];
	v17 =	vmul.f32 $6.400000000e+01, v17;
	v18 =	vmul.f32 $6.400000000e+01, v18;
	v10 =	vadd.f32 $6.350000000e+01, v0  }
0x222: {  	v20 =	vmul.f32 $6.400000000e+01, v20;
	v11 =	vadd.f32 $6.350000000e+01, v1;
	v7 =	vadd.f32 $6.350000000e+01, v2  }
0x223: {  	v1 =	vmul.f32 $6.400000000e+01, v4;
	v5 =	vadd.f32 $6.350000000e+01, v3;
	v2 =	vtrunc.f32 v10  }
0x224: {  	v12 =	vadd.f32 $6.350000000e+01, v12;
	v3 =	vtrunc.f32 v11;
	v13 =	vcvt.f32.s32 v2  }
0x225: {  	v14 =	vadd.f32 $6.350000000e+01, v14;
	v2 =	vmul.f32 $6.400000000e+01, v6;
	v15 =	vcvt.f32.s32 v3  }
0x226: {  	v6 =	vmul.f32 $6.400000000e+01, v8;
	v8 =	vmul.f32 $6.400000000e+01, v9;
	v9 =	vshll.u32 v13, $0x7  }
0x227: {  	v16 =	vadd.f32 $6.350000000e+01, v16;
	v18 =	vadd.f32 $6.350000000e+01, v18;
	v9 =	vadd.s32 v15, v9  }
0x228: {  	v0 =	vld [tilespmem:s0+$0xE0];
	v1 =	vadd.f32 $6.350000000e+01, v1;
	v22 =	vtrunc.f32 v7;
	v19 =	vadd.s32 $0xFFFFE041, v9  }
0x229: {  	v4 =	vld [tilespmem:s0+$0x10];
	v3 =	vadd.f32 $6.350000000e+01, v2;
	v2 =	vadd.f32 $6.350000000e+01, v8;
	v8 =	vadd.s32 $0xFFFFE042, v9  }
0x22a: {  	v31 =	vtrunc.f32 v12;
	v57 =	vtrunc.f32 v14;
	v21 =	vadd.s32 $0xFFFFE0C1, v9  }
0x22b: {  	v59 =	vtrunc.f32 v16;
	v37 =	vtrunc.f32 v18;
	v9 =	vadd.s32 $0xFFFFE0C2, v9  }
0x22c: {  	v17 =	vadd.f32 $6.350000000e+01, v17;
	v22 =	vcvt.f32.s32 v22;
	v60 =	vcvt.f32.s32 v59  }
0x22d: {  	v20 =	vadd.f32 $6.350000000e+01, v20;
	v24 =	vtrunc.f32 v1;
	v0 =	vmul.f32 $6.400000000e+01, v0;
	v19 =	vld.idx.msk [tilespmem:v19+s14+$0x0], $0xffff  }
0x22e: {  	v6 =	vadd.f32 $6.350000000e+01, v6;
	v4 =	vmul.f32 $6.400000000e+01, v4;
	v24 =	vcvt.f32.s32 v24;
	v8 =	vld.idx.msk [tilespmem:v8+s14+$0x0], $0xffff  }
0x22f: {  	v13 =	vcvt.s32.f32 v13;
	v32 =	vcvt.s32.f32 v60;
	v0 =	vadd.f32 $6.350000000e+01, v0;
	v21 =	vld.idx.msk [tilespmem:v21+s14+$0x0], $0xffff  }
0x230: {  	v23 =	vadd.f32 $6.350000000e+01, v4;
	v4 =	vtrunc.f32 v5;
	v25 =	vtrunc.f32 v3;
	v9 =	vld.idx.msk [tilespmem:v9+s14+$0x0], $0xffff  }
0x231: {  	v26 =	vtrunc.f32 v6;
	v27 =	vtrunc.f32 v2;
	v58 =	vshll.u32 v24, $0x7  }
0x232: {  	v10 =	vsub.f32 v10, v13;
	v29 =	vcvt.f32.s32 v4;
	v4 =	vcvt.s32.f32 v15  }
0x233: {  	v13 =	vcvt.f32.s32 v57;
	v25 =	vcvt.f32.s32 v25;
	v15 =	vshll.u32 v22, $0x7  }
0x234: {  	v26 =	vcvt.f32.s32 v26;
	v27 =	vcvt.f32.s32 v27;
	v4 =	vsub.f32 v11, v4  }
0x235: {  	v22 =	vcvt.s32.f32 v22;
	v8 =	vsub.f32 v8, v19;
	v9 =	vsub.f32 v9, v21  }
0x236: {  	v28 =	vtrunc.f32 v0;
	v33 =	vadd.s32 v13, v58;
	v13 =	vcvt.s32.f32 v13  }
0x237: {  	v30 =	vshll.u32 v29, $0x7;
	v8 =	vmul.f32 v4, v8;
	v4 =	vmul.f32 v9, v4  }
0x238: {  	v28 =	vcvt.f32.s32 v28;
	v11 =	vtrunc.f32 v23;
	v35 =	vshll.u32 v25, $0x7  }
0x239: {  	v36 =	vshll.u32 v26, $0x7;
	v8 =	vadd.f32 v8, v19;
	v4 =	vadd.f32 v4, v21  }
0x23a: {  	v42 =	vadd.s32 $0xFFFFE041, v33;
	v43 =	vadd.s32 $0xFFFFE0C1, v33;
	v19 =	vcvt.f32.s32 v31  }
0x23b: {  	v44 =	vadd.s32 $0xFFFFE042, v33;
	v33 =	vadd.s32 $0xFFFFE0C2, v33;
	v4 =	vsub.f32 v4, v8  }
0x23c: {  	v29 =	vcvt.s32.f32 v29;
	v7 =	vsub.f32 v7, v22;
	v15 =	vadd.s32 v19, v15  }
0x23d: {  	v11 =	vcvt.f32.s32 v11;
	v62 =	vadd.s32 $0xFFFFE041, v15;
	v4 =	vmul.f32 v4, v10  }
0x23e: {  	v35 =	vadd.s32 v60, v35;
	v13 =	vsub.f32 v14, v13;
	v38 =	vadd.s32 $0xFFFFE0C1, v15  }
0x23f: {  	v14 =	vsub.f32 v16, v32;
	v31 =	vtrunc.f32 v20;
	v4 =	vadd.f32 v4, v8  }
0x240: {  	v61 =	vshll.u32 v28, $0x7;
	v45 =	vadd.s32 $0xFFFFE041, v35;
	v31 =	vcvt.f32.s32 v31  }
0x241: {  	v21 =	vshll.u32 v27, $0x7;
	v19 =	vcvt.s32.f32 v19;
	v10 =	vadd.s32 v11, v30;
	[tilespmem:$0x1FEF0] =	vst v4  }
0x242: {  	v34 =	vadd.s32 v31, v61;
	v30 =	vcvt.f32.s32 v37;
	v39 =	vadd.s32 $0xFFFFE041, v10;
	v37 =	vld.idx.msk [tilespmem:v62+s14+$0x0], $0xffff  }
0x243: {  	v11 =	vcvt.s32.f32 v11;
	v12 =	vsub.f32 v12, v19;
	v8 =	vadd.s32 $0xFFFFE042, v15;
	v38 =	vld.idx.msk [tilespmem:v38+s14+$0x0], $0xffff  }
0x244: {  	v21 =	vadd.s32 v30, v21;
	v15 =	vadd.s32 $0xFFFFE0C2, v15;
	v19 =	vcvt.s32.f32 v30;
	v30 =	vld.idx.msk [tilespmem:v42+s14+$0x0], $0xffff  }
0x245: {  	v41 =	vadd.s32 $0xFFFFE042, v10;
	v11 =	vsub.f32 v23, v11;
	v23 =	vcvt.s32.f32 v31;
	v31 =	vld.idx.msk [tilespmem:v44+s14+$0x0], $0xffff  }
0x246: {  	v46 =	vadd.s32 $0xFFFFE0C1, v35;
	v9 =	vtrunc.f32 v17;
	v40 =	vadd.s32 $0xFFFFE0C1, v10;
	v16 =	vld.idx.msk [tilespmem:v43+s14+$0x0], $0xffff  }
0x247: {  	v28 =	vcvt.s32.f32 v28;
	v9 =	vcvt.f32.s32 v9;
	v10 =	vadd.s32 $0xFFFFE0C2, v10;
	v39 =	vld.idx.msk [tilespmem:v39+s14+$0x0], $0xffff  }
0x248: {  	v47 =	vadd.s32 $0xFFFFE042, v35;
	v35 =	vadd.s32 $0xFFFFE0C2, v35;
	v29 =	vsub.f32 v5, v29;
	v8 =	vld.idx.msk [tilespmem:v8+s14+$0x0], $0xffff  }
0x249: {  	v0 =	vsub.f32 v0, v28;
	v27 =	vcvt.s32.f32 v27;
	v36 =	vadd.s32 v9, v36;
	v15 =	vld.idx.msk [tilespmem:v15+s14+$0x0], $0xffff  }
0x24a: {  	v9 =	vcvt.s32.f32 v9;
	v48 =	vadd.s32 $0xFFFFE041, v36;
	v49 =	vadd.s32 $0xFFFFE0C1, v36;
	v41 =	vld.idx.msk [tilespmem:v41+s14+$0x0], $0xffff  }
0x24b: {  	v50 =	vadd.s32 $0xFFFFE042, v36;
	v36 =	vadd.s32 $0xFFFFE0C2, v36;
	v2 =	vsub.f32 v2, v27;
	v40 =	vld.idx.msk [tilespmem:v40+s14+$0x0], $0xffff  }
0x24c: {  	v9 =	vsub.f32 v17, v9;
	v54 =	vadd.s32 $0xFFFFE041, v34;
	v56 =	vadd.s32 $0xFFFFE042, v34;
	v10 =	vld.idx.msk [tilespmem:v10+s14+$0x0], $0xffff  }
0x24d: {  	v51 =	vadd.s32 $0xFFFFE041, v21;
	v20 =	vsub.f32 v20, v23;
	v23 =	vcvt.s32.f32 v24;
	v17 =	vld.idx.msk [tilespmem:v33+s14+$0x0], $0xffff  }
0x24e: {  	v52 =	vadd.s32 $0xFFFFE0C1, v21;
	v63 =	vld.idx.msk [tilespmem:v45+s14+$0x0], $0xffff;
	v8 =	vsub.f32 v8, v37;
	v15 =	vsub.f32 v15, v38  }
0x24f: {  	v18 =	vsub.f32 v18, v19;
	v24 =	vcvt.s32.f32 v25;
	v22 =	vld.idx.msk [tilespmem:v46+s14+$0x0], $0xffff;
	v1 =	vsub.f32 v1, v23  }
0x250: {  	v25 =	vld.idx.msk [tilespmem:v35+s14+$0x0], $0xffff;
	v19 =	vsub.f32 v41, v39;
	v8 =	vmul.f32 v12, v8;
	v12 =	vmul.f32 v15, v12  }
0x251: {  	v53 =	vadd.s32 $0xFFFFE042, v21;
	v23 =	vld.idx.msk [tilespmem:v49+s14+$0x0], $0xffff;
	v3 =	vsub.f32 v3, v24;
	v10 =	vsub.f32 v10, v40  }
0x252: {  	v19 =	vmul.f32 v11, v19;
	v15 =	vld.idx.msk [tilespmem:v47+s14+$0x0], $0xffff;
	v8 =	vadd.f32 v8, v37;
	v12 =	vadd.f32 v12, v38  }
0x253: {  	v24 =	vld.idx.msk [tilespmem:v36+s14+$0x0], $0xffff;
	v5 =	vmul.f32 v10, v11;
	v10 =	vcvt.s32.f32 v26;
	v26 =	vsub.f32 v31, v30  }
0x254: {  	v21 =	vadd.s32 $0xFFFFE0C2, v21;
	v17 =	vsub.f32 v17, v16;
	v11 =	vld.idx.msk [tilespmem:v48+s14+$0x0], $0xffff;
	v12 =	vsub.f32 v12, v8  }
0x255: {  	v25 =	vsub.f32 v25, v22;
	v31 =	vld.idx.msk [tilespmem:v50+s14+$0x0], $0xffff;
	v19 =	vadd.f32 v19, v39;
	v26 =	vmul.f32 v13, v26  }
0x256: {  	v41 =	vsub.f32 v6, v10;
	v10 =	vmul.f32 v17, v13;
	v17 =	vld.idx.msk [tilespmem:v53+s14+$0x0], $0xffff;
	v7 =	vmul.f32 v12, v7  }
0x257: {  	v55 =	vadd.s32 $0xFFFFE0C1, v34;
	v5 =	vadd.f32 v5, v40;
	v6 =	vsub.f32 v15, v63;
	v15 =	vld.idx.msk [tilespmem:v51+s14+$0x0], $0xffff;
	[tilespmem:$0x1FF10] =	vst v2  }
0x258: {  	v34 =	vadd.s32 $0xFFFFE0C2, v34;
	v26 =	vadd.f32 v26, v30;
	v27 =	vld.idx.msk [tilespmem:v52+s14+$0x0], $0xffff;
	[tilespmem:$0x1FF30] =	vst v0;
	v4 =	vadd.f32 v7, v8  }
0x259: {  	v13 =	vsub.f32 v5, v19;
	v10 =	vadd.f32 v10, v16;
	v12 =	vmul.f32 v25, v14;
	v0 =	vld.idx.msk [tilespmem:v21+s14+$0x0], $0xffff  }
0x25a: {  	s29 =	simm.s32 $0x400;
	v2 =	vmul.f32 v14, v6;
	v14 =	vsub.f32 v31, v11;
	v16 =	vld.idx.msk [tilespmem:v54+s14+$0x0], $0xffff;
	[tilespmem:$0x1FF00] =	vst v4  }
0x25b: {  	s26 =	simm.s32 $0x100;
	s25 =	sand.u32 $0xC00, s29;
	v8 =	vsub.f32 v10, v26;
	v12 =	vadd.f32 v12, v22;
	v21 =	vld.idx.msk [tilespmem:v56+s14+$0x0], $0xffff  }
0x25c: {  	s30 =	sand.u32 $0x3FFFFC00, s26;
	s31 =	sshrl.u32 s25, $0x2;
	v10 =	vmul.f32 v13, v29;
	v13 =	vsub.f32 v24, v23;
	v2 =	vadd.f32 v2, v63;
	v22 =	vld.idx.msk [tilespmem:v55+s14+$0x0], $0xffff  }
0x25d: {  	s26 =	sor.u32 s31, s30;
	v14 =	vmul.f32 v9, v14;
	v17 =	vsub.f32 v17, v15;
	v24 =	vld.idx.msk [tilespmem:v34+s14+$0x0], $0xffff  }
0x25e: {  	v8 =	vmul.f32 v8, v1;
	v9 =	vmul.f32 v13, v9;
	v13 =	vld [tilespmem:s26+$0xF0];
	v12 =	vsub.f32 v12, v2  }
0x25f: {  	v10 =	vadd.f32 v10, v19;
	v1 =	vadd.f32 v14, v11;
	v11 =	vld [tilespmem:s26+$0x70];
	v14 =	vmul.f32 v18, v17  }
0x260: {  	v19 =	vld [tilespmem:s26+$0x80];
	v17 =	vadd.f32 v9, v23;
	v9 =	vsub.f32 v0, v27;
	v3 =	vmul.f32 v12, v3  }
0x261: {  	v0 =	vadd.f32 v14, v15  }
0x262: {  	v12 =	vld [tilespmem:s26+$0x90];
	v15 =	vmul.f32 v9, v18;
	v9 =	vadd.f32 v3, v2;
	v2 =	vsub.f32 v17, v1  }
0x263: {  	v8 =	vadd.f32 v8, v26;
	v18 =	vld [tilespmem:s26+$0xA0];
	v14 =	vsub.f32 v21, v16  }
0x264: {  	v17 =	vld [tilespmem:s26+$0xB0];
	v13 =	vmul.f32 $6.400000000e+01, v13;
	v21 =	vsub.f32 v24, v22;
	v2 =	vmul.f32 v2, v41  }
0x265: {  	v11 =	vmul.f32 $6.400000000e+01, v11;
	v15 =	vadd.f32 v15, v27;
	v19 =	vmul.f32 $6.400000000e+01, v19  }
0x266: {  	v24 =	vld [tilespmem:s26+$0xC0];
	v14 =	vmul.f32 v20, v14;
	v26 =	vadd.f32 $6.350000000e+01, v13;
	v27 =	vmul.f32 v21, v20;
	[tilespmem:$0x1FEE0] =	vst v2  }
0x267: {  	v12 =	vmul.f32 $6.400000000e+01, v12;
	v29 =	vadd.f32 $6.350000000e+01, v11;
	v23 =	vadd.f32 $6.350000000e+01, v19;
	v25 =	vld [tilespmem:s26+$0xD0]  }
0x268: {  	v13 =	vmul.f32 $6.400000000e+01, v18;
	v20 =	vld [tilespmem:s26+$0xE0];
	v2 =	vadd.f32 v14, v16;
	v14 =	vtrunc.f32 v26  }
0x269: {  	v11 =	vld [tilespmem:s26+$0x0];
	v21 =	vadd.f32 $6.350000000e+01, v12;
	v12 =	vtrunc.f32 v29;
	v17 =	vmul.f32 $6.400000000e+01, v17  }
0x26a: {  	v16 =	vld [tilespmem:s26+$0x10];
	v46 =	vtrunc.f32 v23;
	v14 =	vcvt.f32.s32 v14  }
0x26b: {  	v18 =	vld [tilespmem:s26+$0x20];
	v28 =	vcvt.f32.s32 v12;
	v19 =	vmul.f32 $6.400000000e+01, v24  }
0x26c: {  	v30 =	vld [tilespmem:s26+$0x30];
	v36 =	vcvt.f32.s32 v46;
	v12 =	vadd.f32 $6.350000000e+01, v17;
	v47 =	vtrunc.f32 v21  }
0x26d: {  	v3 =	vsub.f32 v15, v0;
	v43 =	vld [tilespmem:s26+$0x50];
	v37 =	vcvt.f32.s32 v47;
	v51 =	vcvt.s32.f32 v28  }
0x26e: {  	v15 =	vshll.u32 v36, $0x7;
	v36 =	vcvt.s32.f32 v36;
	v48 =	vtrunc.f32 v12  }
0x26f: {  	v22 =	vadd.f32 v27, v22;
	v24 =	vmul.f32 $6.400000000e+01, v25;
	v31 =	vmul.f32 $6.400000000e+01, v20  }
0x270: {  	v13 =	vadd.f32 $6.350000000e+01, v13;
	v42 =	vmul.f32 $6.400000000e+01, v11;
	v16 =	vmul.f32 $6.400000000e+01, v16  }
0x271: {  	v17 =	vld [tilespmem:s26+$0x40];
	v25 =	vshll.u32 v14, $0x7;
	v18 =	vmul.f32 $6.400000000e+01, v18;
	v30 =	vmul.f32 $6.400000000e+01, v30  }
0x272: {  	v20 =	vadd.f32 $6.350000000e+01, v19;
	v33 =	vmul.f32 $6.400000000e+01, v43;
	v39 =	vcvt.f32.s32 v48  }
0x273: {  	v52 =	vshll.u32 v37, $0x7;
	v25 =	vadd.s32 v28, v25;
	v19 =	vadd.f32 $6.350000000e+01, v24;
	v24 =	vld [tilespmem:s26+$0x60]  }
0x274: {  	v29 =	vsub.f32 v29, v51;
	v11 =	vadd.f32 $6.350000000e+01, v31;
	v31 =	vadd.s32 $0xFFFFE0C1, v25  }
0x275: {  	v44 =	vadd.s32 $0xFFFFE041, v25;
	v45 =	vadd.s32 $0xFFFFE042, v25;
	v25 =	vadd.s32 $0xFFFFE0C2, v25  }
0x276: {  	v32 =	vadd.f32 $6.350000000e+01, v42;
	v16 =	vadd.f32 $6.350000000e+01, v16;
	v17 =	vmul.f32 $6.400000000e+01, v17  }
0x277: {  	v14 =	vcvt.s32.f32 v14;
	v18 =	vadd.f32 $6.350000000e+01, v18;
	v30 =	vadd.f32 $6.350000000e+01, v30  }
0x278: {  	v49 =	vtrunc.f32 v20;
	v38 =	vadd.f32 $6.350000000e+01, v17;
	v17 =	vmul.f32 $6.400000000e+01, v24  }
0x279: {  	v33 =	vadd.f32 $6.350000000e+01, v33;
	v27 =	vcvt.f32.s32 v49;
	v50 =	vtrunc.f32 v19;
	v31 =	vld.idx.msk [tilespmem:v31+s14+$0x0], $0xffff  }
0x27a: {  	v53 =	vtrunc.f32 v32;
	v54 =	vtrunc.f32 v16;
	v42 =	vadd.f32 $6.350000000e+01, v17;
	v17 =	vld.idx.msk [tilespmem:v25+s14+$0x0], $0xffff  }
0x27b: {  	v58 =	vshll.u32 v39, $0x7;
	v55 =	vtrunc.f32 v18;
	v57 =	vtrunc.f32 v30  }
0x27c: {  	v14 =	vsub.f32 v26, v14;
	v60 =	vtrunc.f32 v33;
	v28 =	vcvt.f32.s32 v50;
	v34 =	vld.idx.msk [tilespmem:v44+s14+$0x0], $0xffff  }
0x27d: {  	v59 =	vshll.u32 v27, $0x7;
	v41 =	vcvt.f32.s32 v54;
	v26 =	vcvt.f32.s32 v55;
	v35 =	vld.idx.msk [tilespmem:v45+s14+$0x0], $0xffff  }
0x27e: {  	v24 =	vtrunc.f32 v13;
	v61 =	vshll.u32 v28, $0x7;
	v44 =	vcvt.f32.s32 v57  }
0x27f: {  	v43 =	vcvt.f32.s32 v24;
	v25 =	vtrunc.f32 v11;
	v17 =	vsub.f32 v17, v31  }
0x280: {  	v45 =	vcvt.f32.s32 v60;
	v48 =	vadd.s32 v44, v58;
	v25 =	vcvt.f32.s32 v25  }
0x281: {  	[tilespmem:$0x1FF20] =	vst v3;
	v3 =	vld [tilespmem:$0x1FEF0];
	v56 =	vshll.u32 v43, $0x7;
	v60 =	vadd.s32 $0xFFFFE0C1, v48;
	v17 =	vmul.f32 v17, v29  }
0x282: {  	s26 =	simm.s32 $0x0;
	v62 =	vtrunc.f32 v42;
	v46 =	vadd.s32 v26, v56;
	v35 =	vsub.f32 v35, v34  }
0x283: {  	s29 =	simm.s32 $0x0;
	s0 =	sand.u32 $0x1000, s26;
	v63 =	vshll.u32 v25, $0x7;
	v17 =	vadd.f32 v17, v31;
	v31 =	vcvt.f32.s32 v53  }
0x284: {  	s26 =	sand.u32 $0x380, s29;
	s0 =	sor.u32 s24, s0;
	v40 =	vcvt.f32.s32 v62;
	v56 =	vadd.s32 $0xFFFFE041, v46;
	v35 =	vmul.f32 v29, v35  }
0x285: {  	s24 =	sor.u32 s26, s0;
	v57 =	vadd.s32 $0xFFFFE0C1, v46;
	v58 =	vadd.s32 $0xFFFFE042, v46;
	v15 =	vadd.s32 v31, v15  }
0x286: {  	v46 =	vadd.s32 $0xFFFFE0C2, v46;
	[tilespmem:s24+$0xE470] =	vst v3;
	v34 =	vadd.f32 v35, v34;
	v49 =	vadd.s32 $0xFFFFE041, v15  }
0x287: {  	v47 =	vadd.s32 v40, v63;
	v3 =	vld [tilespmem:$0x1FF00];
	[tilespmem:s24+$0xE420] =	vst v8;
	v8 =	vsub.f32 v23, v36;
	v51 =	vadd.s32 $0xFFFFE042, v15  }
0x288: {  	v29 =	vtrunc.f32 v38;
	v17 =	vsub.f32 v17, v34;
	v50 =	vadd.s32 $0xFFFFE0C1, v15  }
0x289: {  	v35 =	vadd.s32 v45, v61;
	v29 =	vcvt.f32.s32 v29;
	v15 =	vadd.s32 $0xFFFFE0C2, v15  }
0x28a: {  	v14 =	vmul.f32 v17, v14;
	v17 =	vadd.s32 v41, v52;
	v41 =	vcvt.s32.f32 v41  }
0x28b: {  	s30 =	simm.s32 $0x80;
	v52 =	vadd.s32 $0xFFFFE041, v17;
	v53 =	vadd.s32 $0xFFFFE0C1, v17;
	v54 =	vadd.s32 $0xFFFFE042, v17;
	v49 =	vld.idx.msk [tilespmem:v49+s14+$0x0], $0xffff  }
0x28c: {  	s31 =	simm.s32 $0x20;
	s0 =	sand.u32 $0x1000, s30;
	[tilespmem:s24+$0xE410] =	vst v10;
	v55 =	vadd.s32 $0xFFFFE0C2, v17;
	v34 =	vadd.f32 v14, v34;
	v14 =	vadd.s32 v29, v59;
	v51 =	vld.idx.msk [tilespmem:v51+s14+$0x0], $0xffff  }
0x28d: {  	s26 =	sand.u32 $0x380, s31;
	s0 =	sor.u32 s25, s0;
	[tilespmem:s24+$0xE430] =	vst v9;
	v17 =	vcvt.s32.f32 v31;
	v62 =	vadd.s32 $0xFFFFE041, v14;
	v31 =	vadd.s32 $0xFFFFE0C1, v14;
	v50 =	vld.idx.msk [tilespmem:v50+s14+$0x0], $0xffff  }
0x28e: {  	s28 =	sor.u32 s26, s0;
	[tilespmem:s24+$0xE400] =	vst v3;
	v63 =	vadd.s32 $0xFFFFE042, v14;
	v7 =	vadd.s32 $0xFFFFE0C2, v14;
	v14 =	vcvt.s32.f32 v26;
	v26 =	vld.idx.msk [tilespmem:v15+s14+$0x0], $0xffff  }
0x28f: {  	v23 =	vld.idx.msk [tilespmem:v60+s14+$0x0], $0xffff;
	v61 =	vadd.s32 $0xFFFFE042, v48;
	v59 =	vadd.s32 $0xFFFFE041, v48;
	v48 =	vadd.s32 $0xFFFFE0C2, v48;
	[tilespmem:s28+$0xE470] =	vst v34  }
0x290: {  	v41 =	vsub.f32 v16, v41;
	v16 =	vcvt.s32.f32 v29;
	v15 =	vcvt.s32.f32 v44;
	v3 =	vld [tilespmem:$0x1FF10]  }
0x291: {  	v29 =	vcvt.s32.f32 v45;
	v32 =	vsub.f32 v32, v17;
	v17 =	vadd.s32 $0xFFFFE042, v47;
	v52 =	vld.idx.msk [tilespmem:v52+s14+$0x0], $0xffff  }
0x292: {  	v4 =	vsub.f32 v18, v14;
	v18 =	vadd.s32 $0xFFFFE041, v47;
	v24 =	vsub.f32 v30, v15;
	v30 =	vld.idx.msk [tilespmem:v54+s14+$0x0], $0xffff  }
0x293: {  	v14 =	vadd.s32 $0xFFFFE0C2, v47;
	v45 =	vsub.f32 v51, v49;
	v51 =	vld.idx.msk [tilespmem:v55+s14+$0x0], $0xffff;
	v55 =	vsub.f32 v26, v50  }
0x294: {  	v15 =	vadd.s32 $0xFFFFE0C1, v47;
	v47 =	vld.idx.msk [tilespmem:v53+s14+$0x0], $0xffff;
	v53 =	vsub.f32 v22, v2;
	v22 =	vsub.f32 v38, v16  }
0x295: {  	v54 =	vld.idx.msk [tilespmem:v56+s14+$0x0], $0xffff;
	v16 =	vsub.f32 v33, v29;
	v45 =	vmul.f32 v32, v45;
	v29 =	vmul.f32 v55, v32  }
0x296: {  	v6 =	vadd.s32 $0xFFFFE041, v35;
	v56 =	vld.idx.msk [tilespmem:v58+s14+$0x0], $0xffff  }
0x297: {  	v38 =	vld.idx.msk [tilespmem:v57+s14+$0x0], $0xffff;
	v26 =	vadd.f32 v45, v49;
	v29 =	vadd.f32 v29, v50  }
0x298: {  	v58 =	vld.idx.msk [tilespmem:v48+s14+$0x0], $0xffff  }
0x299: {  	v37 =	vcvt.s32.f32 v37;
	v32 =	vld.idx.msk [tilespmem:v46+s14+$0x0], $0xffff;
	v55 =	vcvt.s32.f32 v27;
	v29 =	vsub.f32 v29, v26  }
0x29a: {  	v40 =	vcvt.s32.f32 v40;
	v30 =	vsub.f32 v30, v52;
	v49 =	vld.idx.msk [tilespmem:v59+s14+$0x0], $0xffff  }
0x29b: {  	v37 =	vsub.f32 v21, v37;
	v29 =	vmul.f32 v29, v8;
	v8 =	vsub.f32 v20, v55;
	v20 =	vld.idx.msk [tilespmem:v6+s14+$0x0], $0xffff  }
0x29c: {  	v36 =	vcvt.s32.f32 v39;
	v10 =	vsub.f32 v42, v40;
	v30 =	vmul.f32 v41, v30;
	v6 =	vld [tilespmem:$0x1FF20]  }
0x29d: {  	v5 =	vadd.s32 $0xFFFFE042, v35;
	v44 =	vadd.s32 $0xFFFFE0C1, v35;
	v50 =	vsub.f32 v51, v47;
	v51 =	vld.idx.msk [tilespmem:v61+s14+$0x0], $0xffff  }
0x29e: {  	v33 =	vcvt.s32.f32 v43;
	v21 =	vadd.f32 v30, v52;
	v30 =	vsub.f32 v56, v54  }
0x29f: {  	v35 =	vadd.s32 $0xFFFFE0C2, v35;
	v27 =	vld.idx.msk [tilespmem:v62+s14+$0x0], $0xffff;
	v59 =	vcvt.s32.f32 v25;
	v9 =	vmul.f32 v50, v41  }
0x2a0: {  	v61 =	vld.idx.msk [tilespmem:v63+s14+$0x0], $0xffff;
	v63 =	vsub.f32 v58, v23;
	v25 =	vmul.f32 v4, v30;
	v30 =	vsub.f32 v32, v38  }
0x2a1: {  	v60 =	vadd.f32 v9, v47;
	v9 =	vsub.f32 v12, v36;
	v12 =	vmul.f32 v6, v3;
	v3 =	vld [tilespmem:$0x1FF30]  }
0x2a2: {  	v57 =	vcvt.s32.f32 v28;
	v28 =	vsub.f32 v13, v33;
	v13 =	vld.idx.msk [tilespmem:v31+s14+$0x0], $0xffff;
	v62 =	vsub.f32 v51, v49  }
0x2a3: {  	v33 =	vmul.f32 v63, v24;
	v31 =	vmul.f32 v30, v4;
	v30 =	vld.idx.msk [tilespmem:v7+s14+$0x0], $0xffff;
	v7 =	vsub.f32 v60, v21  }
0x2a4: {  	v25 =	vadd.f32 v25, v54;
	v4 =	vsub.f32 v19, v57;
	v19 =	vld.idx.msk [tilespmem:v5+s14+$0x0], $0xffff;
	v6 =	vmul.f32 v24, v62  }
0x2a5: {  	v5 =	vsub.f32 v11, v59;
	v32 =	vadd.f32 v31, v38;
	v31 =	vmul.f32 v7, v37;
	v7 =	vld.idx.msk [tilespmem:v44+s14+$0x0], $0xffff  }
0x2a6: {  	s25 =	simm.s32 $0x8;
	s26 =	simm.s32 $0x2;
	v34 =	vsub.f32 v61, v27;
	v24 =	vld.idx.msk [tilespmem:v35+s14+$0x0], $0xffff;
	v6 =	vadd.f32 v6, v49;
	v11 =	vmul.f32 v53, v3  }
.LBB2_6:
0x2a7: {  	v18 =	vld.idx.msk [tilespmem:v18+s14+$0x0], $0xffff  }
0x2a8: {  	v17 =	vld.idx.msk [tilespmem:v17+s14+$0x0], $0xffff  }
0x2a9: {  	s25 =	sadd.s32 $0x8, s25;
	s0 =	sshll.u32 s26, $0xA;
	v26 =	vadd.f32 v29, v26;
	v15 =	vld.idx.msk [tilespmem:v15+s14+$0x0], $0xffff  }
0x2aa: {  	v3 =	vld [tilespmem:$0x1FEE0];
	v12 =	vadd.f32 v12, v0;
	v29 =	vsub.f32 v32, v25;
	s30 =	sshll.u32 s25, $0x5;
	s29 =	sand.u32 $0xC00, s0  }
0x2ab: {  	v14 =	vld.idx.msk [tilespmem:v14+s14+$0x0], $0xffff;
	v23 =	vadd.f32 v33, v23;
	v21 =	vadd.f32 v31, v21;
	s0 =	sand.u32 $0x3FFFFC00, s30;
	s31 =	sshrl.u32 s29, $0x2  }
0x2ac: {  	v2 =	vadd.f32 v11, v2;
	[tilespmem:s28+$0xE400] =	vst v26;
	v28 =	vmul.f32 v29, v28;
	s30 =	sor.u32 s31, s0;
	v30 =	vsub.f32 v30, v13  }
0x2ad: {  	v49 =	vmul.f32 v22, v34;
	v23 =	vsub.f32 v23, v6;
	[tilespmem:s28+$0xE410] =	vst v21;
	v19 =	vsub.f32 v19, v20;
	v26 =	vld [tilespmem:s30+$0x70]  }
0x2ae: {  	v21 =	vsub.f32 v24, v7;
	v11 =	vld [tilespmem:s30+$0x90];
	v25 =	vadd.f32 v28, v25;
	v22 =	vmul.f32 v30, v22  }
0x2af: {  	v3 =	vadd.f32 v3, v1;
	v1 =	vadd.f32 v49, v27;
	v27 =	vld [tilespmem:s30+$0xF0];
	v19 =	vmul.f32 v16, v19  }
0x2b0: {  	v17 =	vsub.f32 v17, v18;
	v16 =	vmul.f32 v21, v16;
	[tilespmem:s28+$0xE420] =	vst v25;
	v13 =	vadd.f32 v22, v13;
	v22 =	vld [tilespmem:s30+$0x80]  }
0x2b1: {  	[tilespmem:s24+$0xE450] =	vst v12;
	v9 =	vmul.f32 v23, v9;
	v0 =	vadd.f32 v19, v20;
	v19 =	vld [tilespmem:s30+$0xA0]  }
0x2b2: {  	v12 =	vmul.f32 v10, v17;
	v17 =	vadd.f32 v16, v7;
	v7 =	vld [tilespmem:s30+$0xD0]  }
0x2b3: {  	[tilespmem:s24+$0xE440] =	vst v3;
	v3 =	vadd.f32 v9, v6;
	v16 =	vld [tilespmem:s30+$0x10]  }
0x2b4: {  	[tilespmem:s24+$0xE460] =	vst v2;
	s24 =	smov.u32 s28;
	v20 =	vld [tilespmem:s30+$0xB0];
	v2 =	vmul.f32 $6.400000000e+01, v26;
	v6 =	vsub.f32 v13, v1;
	v13 =	vsub.f32 v14, v15  }
0x2b5: {  	[tilespmem:s24+$0xE430] =	vst v3;
	v9 =	vmul.f32 $6.400000000e+01, v27;
	v14 =	vld [tilespmem:s30+$0xC0]  }
0x2b6: {  	v21 =	vld [tilespmem:s30+$0x30];
	v51 =	vadd.f32 $6.350000000e+01, v2;
	v3 =	vmul.f32 v6, v8;
	v24 =	vmul.f32 v13, v10  }
0x2b7: {  	v50 =	vadd.f32 $6.350000000e+01, v9;
	v8 =	vmul.f32 $6.400000000e+01, v11;
	v6 =	vmul.f32 $6.400000000e+01, v22  }
0x2b8: {  	v2 =	vadd.f32 v12, v18;
	v7 =	vmul.f32 $6.400000000e+01, v7;
	v16 =	vmul.f32 $6.400000000e+01, v16  }
0x2b9: {  	v9 =	vtrunc.f32 v50;
	v12 =	vadd.f32 $6.350000000e+01, v8;
	v8 =	vtrunc.f32 v51  }
0x2ba: {  	v10 =	vld [tilespmem:s30+$0xE0];
	v13 =	vadd.f32 $6.350000000e+01, v6;
	v6 =	vmul.f32 $6.400000000e+01, v19;
	v18 =	vcvt.f32.s32 v9  }
0x2bb: {  	v11 =	vld [tilespmem:s30+$0x0];
	v14 =	vmul.f32 $6.400000000e+01, v14;
	v7 =	vadd.f32 $6.350000000e+01, v7;
	v21 =	vmul.f32 $6.400000000e+01, v21  }
0x2bc: {  	v19 =	vld [tilespmem:s30+$0x20];
	v9 =	vadd.f32 $6.350000000e+01, v6;
	v6 =	vmul.f32 $6.400000000e+01, v20;
	v20 =	vcvt.f32.s32 v8  }
0x2bd: {  	v41 =	vadd.f32 v24, v15;
	v31 =	vtrunc.f32 v13;
	v38 =	vtrunc.f32 v7  }
0x2be: {  	v22 =	vshll.u32 v18, $0x7;
	v18 =	vcvt.s32.f32 v18;
	v31 =	vcvt.f32.s32 v31  }
0x2bf: {  	v8 =	vadd.f32 $6.350000000e+01, v6;
	v6 =	vmul.f32 $6.400000000e+01, v10;
	v10 =	vadd.s32 v20, v22  }
0x2c0: {  	v23 =	vld [tilespmem:s30+$0x40];
	v22 =	vmul.f32 $6.400000000e+01, v11;
	v11 =	vadd.f32 $6.350000000e+01, v14;
	v25 =	vadd.s32 $0xFFFFE041, v10  }
0x2c1: {  	v28 =	vadd.s32 $0xFFFFE042, v10;
	v19 =	vmul.f32 $6.400000000e+01, v19;
	v29 =	vadd.s32 $0xFFFFE0C1, v10  }
0x2c2: {  	v27 =	vld [tilespmem:s30+$0x60];
	v30 =	vadd.s32 $0xFFFFE0C2, v10;
	v15 =	vshll.u32 v31, $0x7;
	v6 =	vadd.f32 $6.350000000e+01, v6  }
0x2c3: {  	v14 =	vld [tilespmem:s30+$0x50];
	v31 =	vcvt.s32.f32 v31;
	v26 =	vadd.f32 $6.350000000e+01, v22;
	v22 =	vadd.f32 $6.350000000e+01, v16  }
0x2c4: {  	v16 =	vadd.f32 $6.350000000e+01, v21;
	v36 =	vtrunc.f32 v8;
	v37 =	vtrunc.f32 v11  }
0x2c5: {  	v10 =	vadd.f32 $6.350000000e+01, v19;
	v19 =	vmul.f32 $6.400000000e+01, v23;
	v24 =	vcvt.f32.s32 v37  }
0x2c6: {  	v41 =	vsub.f32 v41, v2;
	v40 =	vtrunc.f32 v6;
	v54 =	vtrunc.f32 v26  }
0x2c7: {  	v18 =	vsub.f32 v50, v18;
	v55 =	vtrunc.f32 v22;
	v42 =	vtrunc.f32 v16  }
0x2c8: {  	v14 =	vmul.f32 $6.400000000e+01, v14;
	v21 =	vadd.f32 $6.350000000e+01, v19;
	v19 =	vmul.f32 $6.400000000e+01, v27;
	v52 =	vld.idx.msk [tilespmem:v25+s14+$0x0], $0xffff  }
0x2c9: {  	v13 =	vsub.f32 v13, v31;
	v27 =	vtrunc.f32 v9;
	v57 =	vtrunc.f32 v10;
	v35 =	vld.idx.msk [tilespmem:v28+s14+$0x0], $0xffff  }
0x2ca: {  	v44 =	vshll.u32 v24, $0x7;
	v33 =	vcvt.f32.s32 v55;
	v25 =	vtrunc.f32 v12;
	v39 =	vld.idx.msk [tilespmem:v30+s14+$0x0], $0xffff  }
0x2cb: {  	v27 =	vcvt.f32.s32 v27;
	v32 =	vcvt.f32.s32 v57;
	v23 =	vadd.f32 $6.350000000e+01, v14;
	v14 =	vld.idx.msk [tilespmem:v29+s14+$0x0], $0xffff  }
0x2cc: {  	v28 =	vadd.f32 $6.350000000e+01, v19;
	v30 =	vcvt.f32.s32 v25;
	v29 =	vcvt.f32.s32 v36  }
0x2cd: {  	v19 =	vsub.f32 v17, v0;
	v17 =	vcvt.s32.f32 v20;
	v25 =	vcvt.f32.s32 v38  }
0x2ce: {  	v20 =	vcvt.f32.s32 v40;
	v59 =	vtrunc.f32 v21;
	v58 =	vshll.u32 v27, $0x7  }
0x2cf: {  	v38 =	vcvt.f32.s32 v59;
	v17 =	vsub.f32 v51, v17;
	v35 =	vsub.f32 v35, v52  }
0x2d0: {  	v53 =	vshll.u32 v30, $0x7;
	v45 =	vtrunc.f32 v23;
	v56 =	vsub.f32 v39, v14  }
0x2d1: {  	v43 =	vshll.u32 v29, $0x7;
	v60 =	vtrunc.f32 v28;
	v35 =	vmul.f32 v17, v35  }
0x2d2: {  	v61 =	vshll.u32 v20, $0x7;
	v40 =	vadd.s32 v32, v58;
	v17 =	vmul.f32 v56, v17  }
0x2d3: {  	v32 =	vcvt.s32.f32 v32;
	v34 =	vadd.f32 v35, v52;
	v35 =	vcvt.f32.s32 v54  }
0x2d4: {  	v36 =	vcvt.f32.s32 v45;
	v37 =	vcvt.f32.s32 v60;
	v14 =	vadd.f32 v17, v14  }
0x2d5: {  	v62 =	vadd.s32 v38, v44;
	v51 =	vadd.s32 $0xFFFFE041, v40;
	v15 =	vadd.s32 v35, v15  }
0x2d6: {  	v57 =	vadd.s32 $0xFFFFE041, v62;
	v14 =	vsub.f32 v14, v34;
	v63 =	vadd.s32 $0xFFFFE041, v15  }
0x2d7: {  	v58 =	vadd.s32 $0xFFFFE0C1, v62;
	v52 =	vadd.s32 $0xFFFFE0C1, v40;
	v46 =	vadd.s32 $0xFFFFE042, v15  }
0x2d8: {  	v35 =	vcvt.s32.f32 v35;
	v45 =	vadd.s32 $0xFFFFE0C1, v15;
	v14 =	vmul.f32 v14, v18  }
0x2d9: {  	s31 =	sshll.u32 s25, $0x4;
	v18 =	vadd.s32 v33, v53;
	v53 =	vadd.s32 $0xFFFFE042, v40;
	v40 =	vadd.s32 $0xFFFFE0C2, v40  }
0x2da: {  	s0 =	sand.u32 $0x1000, s31;
	s28 =	sshll.u32 s25, $0x2;
	v59 =	vadd.s32 $0xFFFFE042, v62;
	v39 =	vcvt.f32.s32 v42;
	v47 =	vadd.s32 $0xFFFFE041, v18  }
0x2db: {  	s0 =	sor.u32 s29, s0;
	s28 =	sand.u32 $0x380, s28;
	v35 =	vsub.f32 v26, v35;
	v48 =	vadd.s32 $0xFFFFE0C1, v18;
	v14 =	vadd.f32 v14, v34;
	v44 =	vld.idx.msk [tilespmem:v63+s14+$0x0], $0xffff  }
0x2dc: {  	s28 =	sor.u32 s28, s0;
	v26 =	vcvt.s32.f32 v38;
	v33 =	vcvt.s32.f32 v33;
	v50 =	vadd.s32 $0xFFFFE0C2, v18;
	v46 =	vld.idx.msk [tilespmem:v46+s14+$0x0], $0xffff  }
0x2dd: {  	v17 =	vshll.u32 v25, $0x7;
	v49 =	vadd.s32 $0xFFFFE042, v18;
	v45 =	vld.idx.msk [tilespmem:v45+s14+$0x0], $0xffff;
	[tilespmem:s28+$0xE470] =	vst v14;
	v14 =	vadd.s32 $0xFFFFE0C2, v15  }
0x2de: {  	v33 =	vsub.f32 v22, v33;
	v22 =	vsub.f32 v21, v26;
	v21 =	vcvt.s32.f32 v30;
	v30 =	vld.idx.msk [tilespmem:v40+s14+$0x0], $0xffff  }
0x2df: {  	v42 =	vadd.s32 v37, v61;
	v43 =	vadd.s32 v39, v43;
	v17 =	vadd.s32 v36, v17;
	v47 =	vld.idx.msk [tilespmem:v47+s14+$0x0], $0xffff  }
0x2e0: {  	v37 =	vcvt.s32.f32 v37;
	v54 =	vadd.s32 $0xFFFFE041, v43;
	v60 =	vadd.s32 $0xFFFFE041, v17;
	v48 =	vld.idx.msk [tilespmem:v48+s14+$0x0], $0xffff  }
0x2e1: {  	v61 =	vadd.s32 $0xFFFFE0C1, v17;
	v18 =	vadd.s32 $0xFFFFE041, v42;
	v38 =	vsub.f32 v46, v44;
	v46 =	vld.idx.msk [tilespmem:v50+s14+$0x0], $0xffff  }
0x2e2: {  	[tilespmem:$0x1FEE0] =	vst v3;
	v34 =	vadd.s32 $0xFFFFE0C2, v62;
	v62 =	vadd.s32 $0xFFFFE042, v17;
	v63 =	vadd.s32 $0xFFFFE0C2, v17;
	v3 =	vld.idx.msk [tilespmem:v14+s14+$0x0], $0xffff  }
0x2e3: {  	v17 =	vadd.s32 $0xFFFFE042, v42;
	v15 =	vadd.s32 $0xFFFFE0C1, v42;
	v14 =	vadd.s32 $0xFFFFE0C2, v42;
	v42 =	vld.idx.msk [tilespmem:v49+s14+$0x0], $0xffff  }
0x2e4: {  	v27 =	vcvt.s32.f32 v27;
	v32 =	vsub.f32 v10, v32;
	v39 =	vcvt.s32.f32 v39;
	v50 =	vld.idx.msk [tilespmem:v53+s14+$0x0], $0xffff  }
0x2e5: {  	v10 =	vsub.f32 v28, v37;
	v56 =	vadd.s32 $0xFFFFE042, v43;
	v36 =	vcvt.s32.f32 v36;
	v49 =	vld.idx.msk [tilespmem:v51+s14+$0x0], $0xffff  }
0x2e6: {  	v55 =	vadd.s32 $0xFFFFE0C1, v43;
	v43 =	vadd.s32 $0xFFFFE0C2, v43;
	v39 =	vsub.f32 v16, v39;
	v51 =	vld.idx.msk [tilespmem:v52+s14+$0x0], $0xffff  }
0x2e7: {  	v31 =	vcvt.s32.f32 v29;
	v16 =	vsub.f32 v23, v36;
	v52 =	vld.idx.msk [tilespmem:v54+s14+$0x0], $0xffff;
	v54 =	vsub.f32 v12, v21  }
0x2e8: {  	v38 =	vmul.f32 v35, v38;
	v3 =	vsub.f32 v3, v45;
	v23 =	vsub.f32 v42, v47  }
0x2e9: {  	v12 =	vcvt.s32.f32 v24;
	v24 =	vcvt.s32.f32 v25;
	v29 =	vsub.f32 v46, v48  }
0x2ea: {  	v53 =	vld.idx.msk [tilespmem:v56+s14+$0x0], $0xffff;
	v26 =	vadd.f32 v38, v44;
	v3 =	vmul.f32 v3, v35;
	v28 =	vmul.f32 v33, v23  }
0x2eb: {  	v56 =	vld.idx.msk [tilespmem:v43+s14+$0x0], $0xffff;
	v30 =	vsub.f32 v30, v51;
	v25 =	vmul.f32 v29, v33;
	v29 =	vsub.f32 v50, v49  }
0x2ec: {  	v23 =	vld.idx.msk [tilespmem:v55+s14+$0x0], $0xffff;
	v3 =	vadd.f32 v3, v45;
	v21 =	vadd.f32 v28, v47  }
0x2ed: {  	v28 =	vsub.f32 v9, v27;
	v27 =	vld.idx.msk [tilespmem:v57+s14+$0x0], $0xffff;
	v57 =	vcvt.s32.f32 v20;
	v20 =	vadd.f32 v25, v48  }
0x2ee: {  	v59 =	vld.idx.msk [tilespmem:v59+s14+$0x0], $0xffff;
	v25 =	vmul.f32 v32, v29;
	v9 =	vsub.f32 v8, v31;
	v3 =	vsub.f32 v3, v26  }
0x2ef: {  	p0 =	slt.u32 s25, $0x1F8;
	v8 =	vsub.f32 v11, v12;
	v11 =	vsub.f32 v53, v52;
	v12 =	vmul.f32 v19, v4;
	v19 =	vld.idx.msk [tilespmem:v62+s14+$0x0], $0xffff  }
.Ltmp2:
0x2f0: {  	v4 =	vsub.f32 v7, v24;
	v7 =	vld.idx.msk [tilespmem:v61+s14+$0x0], $0xffff;
	v29 =	vmul.f32 v3, v13;
	v3 =	vmul.f32 v30, v32;
	(pc) =	sbr.rel @p0 .LBB2_6-.Ltmp2, $4  }
0x2f1: {  	v31 =	vsub.f32 v20, v21;
	v20 =	vld.idx.msk [tilespmem:v60+s14+$0x0], $0xffff;
	v24 =	vsub.f32 v56, v23  }
0x2f2: {  	v25 =	vadd.f32 v25, v49;
	v13 =	vld.idx.msk [tilespmem:v58+s14+$0x0], $0xffff;
	v32 =	vadd.f32 v3, v51;
	v3 =	vmul.f32 v39, v11  }
0x2f3: {  	v30 =	vld.idx.msk [tilespmem:v34+s14+$0x0], $0xffff;
	v31 =	vmul.f32 v31, v54;
	v33 =	vmul.f32 v24, v39;
	v34 =	vsub.f32 v59, v27  }
0x2f4: {  	s26 =	sadd.s32 $0x1, s26;
	v24 =	vld.idx.msk [tilespmem:v63+s14+$0x0], $0xffff;
	v11 =	vmul.f32 v41, v5;
	v5 =	vsub.f32 v6, v57;
	v6 =	vadd.f32 v3, v52  }
0x2f5: {  	_ =	sdelay $0x3  }
0x2f6: {  	v3 =	vld.idx.msk [tilespmem:v18+s14+$0x0], $0xffff  }
0x2f7: {  	v17 =	vld.idx.msk [tilespmem:v17+s14+$0x0], $0xffff  }
0x2f8: {  	v15 =	vld.idx.msk [tilespmem:v15+s14+$0x0], $0xffff;
	v18 =	vadd.f32 v29, v26  }
0x2f9: {  	v26 =	vsub.f32 v32, v25;
	v14 =	vld.idx.msk [tilespmem:v14+s14+$0x0], $0xffff;
	v23 =	vadd.f32 v33, v23  }
0x2fa: {  	v29 =	vmul.f32 v22, v34;
	v21 =	vadd.f32 v31, v21;
	v0 =	vadd.f32 v12, v0  }
0x2fb: {  	v19 =	vsub.f32 v19, v20;
	v26 =	vmul.f32 v26, v28;
	v28 =	vld [tilespmem:$0x1FEE0];
	v30 =	vsub.f32 v30, v13  }
0x2fc: {  	v27 =	vadd.f32 v29, v27;
	v23 =	vsub.f32 v23, v6  }
0x2fd: {  	v19 =	vmul.f32 v16, v19;
	v24 =	vsub.f32 v24, v7;
	v22 =	vmul.f32 v30, v22  }
0x2fe: {  	v17 =	vsub.f32 v17, v3;
	v14 =	vsub.f32 v14, v15  }
0x2ff: {  	v19 =	vadd.f32 v19, v20;
	v16 =	vmul.f32 v24, v16;
	v13 =	vadd.f32 v22, v13  }
0x300: {  	v1 =	vadd.f32 v28, v1;
	v17 =	vmul.f32 v10, v17;
	v10 =	vmul.f32 v14, v10  }
0x301: {  	[tilespmem:s28+$0xE400] =	vst v18;
	v7 =	vadd.f32 v16, v7;
	v13 =	vsub.f32 v13, v27  }
0x302: {  	[tilespmem:s28+$0xE410] =	vst v21;
	v3 =	vadd.f32 v17, v3;
	v10 =	vadd.f32 v10, v15  }
0x303: {  	v2 =	vadd.f32 v11, v2;
	[tilespmem:s24+$0xE450] =	vst v0;
	v9 =	vmul.f32 v23, v9;
	v7 =	vsub.f32 v7, v19  }
0x304: {  	v25 =	vadd.f32 v26, v25;
	[tilespmem:s24+$0xE440] =	vst v1;
	v1 =	vmul.f32 v13, v8;
	v8 =	vsub.f32 v10, v3  }
0x305: {  	[tilespmem:s24+$0xE460] =	vst v2;
	v6 =	vadd.f32 v9, v6;
	v0 =	vmul.f32 v7, v4  }
0x306: {  	[tilespmem:s28+$0xE420] =	vst v25;
	v2 =	vmul.f32 v8, v5;
	v1 =	vadd.f32 v1, v27  }
0x307: {  	[tilespmem:s28+$0xE430] =	vst v6;
	v0 =	vadd.f32 v0, v19  }
0x308: {  	v2 =	vadd.f32 v2, v3;
	[tilespmem:s28+$0xE440] =	vst v1  }
0x309: {  	[tilespmem:s28+$0xE450] =	vst v0  }
0x30a: {  	s0 =	simm.s32 $0x0;
	s26 =	simm.s32 $0x0;
	[tilespmem:s28+$0xE460] =	vst v2  }
0x30b: {  	[hbm4b:s10+s0] =	stream.linear.scatter [tilespmem:s20], [sflag:$0x3], $0x2000, $0x38;
	[tilespmem:$0x12400] =	vst v63  }
0x30c: {  	s25 =	simm.s32 $0x0;
	s24 =	sand.u32 $0xC00, s26;
	_ =	swait.ge [sflag:s18], $0x4000  }
0x30d: {  	s30 =	sand.u32 $0x3FFFFC00, s25;
	s31 =	sshrl.u32 s24, $0x2;
	[sflag:s18] =	ssyncset.done $0x0  }
0x30e: {  	s0 =	sor.u32 s31, s30;
	[sflag:s18] =	ssyncadd.s32 $0xFFFFC000  }
0x30f: {  	v0 =	vld [tilespmem:s0+$0x40F0]  }
0x310: {  	v1 =	vld [tilespmem:s0+$0x4070]  }
0x311: {  	v2 =	vld [tilespmem:s0+$0x4080]  }
0x312: {  	v3 =	vld [tilespmem:s0+$0x4090]  }
0x313: {  	v12 =	vld [tilespmem:s0+$0x4000]  }
0x314: {  	v14 =	vld [tilespmem:s0+$0x4020]  }
0x315: {  	v16 =	vld [tilespmem:s0+$0x4030]  }
0x316: {  	v17 =	vld [tilespmem:s0+$0x4040]  }
0x317: {  	v18 =	vld [tilespmem:s0+$0x4050]  }
0x318: {  	v20 =	vld [tilespmem:s0+$0x4060];
	v0 =	vmul.f32 $6.400000000e+01, v0  }
0x319: {  	v4 =	vld [tilespmem:s0+$0x40A0];
	v1 =	vmul.f32 $6.400000000e+01, v1;
	v2 =	vmul.f32 $6.400000000e+01, v2  }
0x31a: {  	v3 =	vmul.f32 $6.400000000e+01, v3;
	v12 =	vmul.f32 $6.400000000e+01, v12  }
0x31b: {  	v6 =	vld [tilespmem:s0+$0x40B0];
	v14 =	vmul.f32 $6.400000000e+01, v14;
	v16 =	vmul.f32 $6.400000000e+01, v16  }
0x31c: {  	v8 =	vld [tilespmem:s0+$0x40C0];
	v17 =	vmul.f32 $6.400000000e+01, v17;
	v18 =	vmul.f32 $6.400000000e+01, v18;
	v10 =	vadd.f32 $6.350000000e+01, v0  }
0x31d: {  	v9 =	vld [tilespmem:s0+$0x40D0];
	v20 =	vmul.f32 $6.400000000e+01, v20;
	v11 =	vadd.f32 $6.350000000e+01, v1;
	v7 =	vadd.f32 $6.350000000e+01, v2  }
0x31e: {  	v1 =	vmul.f32 $6.400000000e+01, v4;
	v5 =	vadd.f32 $6.350000000e+01, v3;
	v12 =	vadd.f32 $6.350000000e+01, v12  }
0x31f: {  	v14 =	vadd.f32 $6.350000000e+01, v14;
	v16 =	vadd.f32 $6.350000000e+01, v16;
	v2 =	vtrunc.f32 v10  }
0x320: {  	v18 =	vadd.f32 $6.350000000e+01, v18;
	v3 =	vtrunc.f32 v11;
	v13 =	vcvt.f32.s32 v2  }
0x321: {  	v1 =	vadd.f32 $6.350000000e+01, v1;
	v2 =	vmul.f32 $6.400000000e+01, v6;
	v15 =	vcvt.f32.s32 v3  }
0x322: {  	v0 =	vld [tilespmem:s0+$0x40E0];
	v6 =	vmul.f32 $6.400000000e+01, v8;
	v8 =	vmul.f32 $6.400000000e+01, v9;
	v9 =	vshll.u32 v13, $0x7  }
0x323: {  	v4 =	vld [tilespmem:s0+$0x4010];
	v22 =	vtrunc.f32 v7;
	v31 =	vtrunc.f32 v12;
	v9 =	vadd.s32 v15, v9  }
0x324: {  	v58 =	vtrunc.f32 v14;
	v60 =	vtrunc.f32 v16;
	v19 =	vadd.s32 $0xFFFFE041, v9  }
0x325: {  	v3 =	vadd.f32 $6.350000000e+01, v2;
	v2 =	vadd.f32 $6.350000000e+01, v8;
	v8 =	vadd.s32 $0xFFFFE042, v9  }
0x326: {  	v37 =	vtrunc.f32 v18;
	v22 =	vcvt.f32.s32 v22;
	v21 =	vadd.s32 $0xFFFFE0C1, v9  }
0x327: {  	v61 =	vcvt.f32.s32 v60;
	v24 =	vtrunc.f32 v1;
	v9 =	vadd.s32 $0xFFFFE0C2, v9  }
0x328: {  	v0 =	vmul.f32 $6.400000000e+01, v0;
	v4 =	vmul.f32 $6.400000000e+01, v4  }
0x329: {  	v6 =	vadd.f32 $6.350000000e+01, v6;
	v24 =	vcvt.f32.s32 v24;
	v13 =	vcvt.s32.f32 v13;
	v19 =	vld.idx.msk [tilespmem:v19+s14+$0x0], $0xffff  }
0x32a: {  	v32 =	vcvt.s32.f32 v61;
	v23 =	vadd.f32 $6.350000000e+01, v4;
	v4 =	vtrunc.f32 v5;
	v8 =	vld.idx.msk [tilespmem:v8+s14+$0x0], $0xffff  }
0x32b: {  	v17 =	vadd.f32 $6.350000000e+01, v17;
	v25 =	vtrunc.f32 v3;
	v26 =	vtrunc.f32 v6;
	v21 =	vld.idx.msk [tilespmem:v21+s14+$0x0], $0xffff  }
0x32c: {  	v27 =	vtrunc.f32 v2;
	v10 =	vsub.f32 v10, v13;
	v13 =	vcvt.f32.s32 v58;
	v9 =	vld.idx.msk [tilespmem:v9+s14+$0x0], $0xffff  }
0x32d: {  	v0 =	vadd.f32 $6.350000000e+01, v0;
	v29 =	vcvt.f32.s32 v4;
	v25 =	vcvt.f32.s32 v25  }
0x32e: {  	v59 =	vshll.u32 v24, $0x7;
	v4 =	vcvt.s32.f32 v15;
	v26 =	vcvt.f32.s32 v26  }
0x32f: {  	v15 =	vshll.u32 v22, $0x7;
	v27 =	vcvt.f32.s32 v27;
	v22 =	vcvt.s32.f32 v22  }
0x330: {  	v28 =	vtrunc.f32 v0;
	v33 =	vadd.s32 v13, v59;
	v4 =	vsub.f32 v11, v4  }
0x331: {  	v13 =	vcvt.s32.f32 v13;
	v8 =	vsub.f32 v8, v19;
	v9 =	vsub.f32 v9, v21  }
0x332: {  	v20 =	vadd.f32 $6.350000000e+01, v20;
	v28 =	vcvt.f32.s32 v28;
	v11 =	vtrunc.f32 v23  }
0x333: {  	v30 =	vshll.u32 v29, $0x7;
	v8 =	vmul.f32 v4, v8;
	v4 =	vmul.f32 v9, v4  }
0x334: {  	v35 =	vshll.u32 v25, $0x7;
	v36 =	vshll.u32 v26, $0x7;
	v42 =	vadd.s32 $0xFFFFE041, v33  }
0x335: {  	v43 =	vadd.s32 $0xFFFFE0C1, v33;
	v8 =	vadd.f32 v8, v19;
	v4 =	vadd.f32 v4, v21  }
0x336: {  	v44 =	vadd.s32 $0xFFFFE042, v33;
	v33 =	vadd.s32 $0xFFFFE0C2, v33;
	v19 =	vcvt.f32.s32 v31  }
0x337: {  	v29 =	vcvt.s32.f32 v29;
	v7 =	vsub.f32 v7, v22;
	v4 =	vsub.f32 v4, v8  }
0x338: {  	v11 =	vcvt.f32.s32 v11;
	v35 =	vadd.s32 v61, v35;
	v15 =	vadd.s32 v19, v15  }
0x339: {  	v13 =	vsub.f32 v14, v13;
	v63 =	vadd.s32 $0xFFFFE041, v15;
	v4 =	vmul.f32 v4, v10  }
0x33a: {  	v14 =	vsub.f32 v16, v32;
	v31 =	vtrunc.f32 v20;
	v38 =	vadd.s32 $0xFFFFE0C1, v15  }
0x33b: {  	v62 =	vshll.u32 v28, $0x7;
	v31 =	vcvt.f32.s32 v31;
	v4 =	vadd.f32 v4, v8  }
0x33c: {  	v9 =	vtrunc.f32 v17;
	v21 =	vshll.u32 v27, $0x7;
	v10 =	vadd.s32 v11, v30  }
0x33d: {  	v19 =	vcvt.s32.f32 v19;
	v34 =	vadd.s32 v31, v62;
	v39 =	vadd.s32 $0xFFFFE041, v10;
	[tilespmem:$0x1FEA0] =	vst v4  }
0x33e: {  	v30 =	vcvt.f32.s32 v37;
	v11 =	vcvt.s32.f32 v11;
	v40 =	vadd.s32 $0xFFFFE0C1, v10;
	v37 =	vld.idx.msk [tilespmem:v63+s14+$0x0], $0xffff  }
0x33f: {  	v12 =	vsub.f32 v12, v19;
	v41 =	vadd.s32 $0xFFFFE042, v10;
	v8 =	vadd.s32 $0xFFFFE042, v15;
	v38 =	vld.idx.msk [tilespmem:v38+s14+$0x0], $0xffff  }
0x340: {  	v21 =	vadd.s32 v30, v21;
	v15 =	vadd.s32 $0xFFFFE0C2, v15;
	v19 =	vcvt.s32.f32 v30;
	v30 =	vld.idx.msk [tilespmem:v42+s14+$0x0], $0xffff  }
0x341: {  	v10 =	vadd.s32 $0xFFFFE0C2, v10;
	v11 =	vsub.f32 v23, v11;
	v23 =	vcvt.s32.f32 v31;
	v31 =	vld.idx.msk [tilespmem:v44+s14+$0x0], $0xffff  }
0x342: {  	v45 =	vadd.s32 $0xFFFFE041, v35;
	v28 =	vcvt.s32.f32 v28;
	v9 =	vcvt.f32.s32 v9;
	v39 =	vld.idx.msk [tilespmem:v39+s14+$0x0], $0xffff  }
0x343: {  	v46 =	vadd.s32 $0xFFFFE0C1, v35;
	v47 =	vadd.s32 $0xFFFFE042, v35;
	v35 =	vadd.s32 $0xFFFFE0C2, v35;
	v40 =	vld.idx.msk [tilespmem:v40+s14+$0x0], $0xffff  }
0x344: {  	v29 =	vsub.f32 v5, v29;
	v0 =	vsub.f32 v0, v28;
	v36 =	vadd.s32 v9, v36;
	v8 =	vld.idx.msk [tilespmem:v8+s14+$0x0], $0xffff  }
0x345: {  	v27 =	vcvt.s32.f32 v27;
	v9 =	vcvt.s32.f32 v9;
	v48 =	vadd.s32 $0xFFFFE041, v36;
	v15 =	vld.idx.msk [tilespmem:v15+s14+$0x0], $0xffff  }
0x346: {  	v49 =	vadd.s32 $0xFFFFE0C1, v36;
	v50 =	vadd.s32 $0xFFFFE042, v36;
	v36 =	vadd.s32 $0xFFFFE0C2, v36;
	v10 =	vld.idx.msk [tilespmem:v10+s14+$0x0], $0xffff  }
0x347: {  	v2 =	vsub.f32 v2, v27;
	v9 =	vsub.f32 v17, v9;
	v54 =	vadd.s32 $0xFFFFE041, v34;
	v41 =	vld.idx.msk [tilespmem:v41+s14+$0x0], $0xffff  }
0x348: {  	v56 =	vadd.s32 $0xFFFFE042, v34;
	v51 =	vadd.s32 $0xFFFFE041, v21;
	v52 =	vadd.s32 $0xFFFFE0C1, v21;
	v16 =	vld.idx.msk [tilespmem:v43+s14+$0x0], $0xffff  }
0x349: {  	v18 =	vsub.f32 v18, v19;
	v20 =	vsub.f32 v20, v23;
	v23 =	vcvt.s32.f32 v24;
	v17 =	vld.idx.msk [tilespmem:v33+s14+$0x0], $0xffff  }
0x34a: {  	v53 =	vadd.s32 $0xFFFFE042, v21;
	v22 =	vld.idx.msk [tilespmem:v46+s14+$0x0], $0xffff;
	v8 =	vsub.f32 v8, v37;
	v15 =	vsub.f32 v15, v38  }
0x34b: {  	v24 =	vcvt.s32.f32 v25;
	v25 =	vld.idx.msk [tilespmem:v35+s14+$0x0], $0xffff;
	v1 =	vsub.f32 v1, v23;
	v10 =	vsub.f32 v10, v40  }
0x34c: {  	v45 =	vld.idx.msk [tilespmem:v45+s14+$0x0], $0xffff;
	v19 =	vsub.f32 v41, v39;
	v8 =	vmul.f32 v12, v8;
	v12 =	vmul.f32 v15, v12  }
0x34d: {  	v23 =	vld.idx.msk [tilespmem:v49+s14+$0x0], $0xffff;
	v5 =	vmul.f32 v10, v11;
	v10 =	vcvt.s32.f32 v26;
	v26 =	vsub.f32 v31, v30  }
0x34e: {  	v21 =	vadd.s32 $0xFFFFE0C2, v21;
	v15 =	vld.idx.msk [tilespmem:v47+s14+$0x0], $0xffff;
	v8 =	vadd.f32 v8, v37;
	v12 =	vadd.f32 v12, v38  }
0x34f: {  	v3 =	vsub.f32 v3, v24;
	v17 =	vsub.f32 v17, v16;
	v19 =	vmul.f32 v11, v19;
	v11 =	vld.idx.msk [tilespmem:v48+s14+$0x0], $0xffff  }
0x350: {  	v25 =	vsub.f32 v25, v22;
	v31 =	vld.idx.msk [tilespmem:v50+s14+$0x0], $0xffff;
	v26 =	vmul.f32 v13, v26;
	v12 =	vsub.f32 v12, v8  }
0x351: {  	v24 =	vld.idx.msk [tilespmem:v36+s14+$0x0], $0xffff;
	v19 =	vadd.f32 v19, v39;
	v47 =	vsub.f32 v6, v10;
	v10 =	vmul.f32 v17, v13  }
0x352: {  	v5 =	vadd.f32 v5, v40;
	v17 =	vld.idx.msk [tilespmem:v53+s14+$0x0], $0xffff;
	v26 =	vadd.f32 v26, v30;
	v7 =	vmul.f32 v12, v7  }
0x353: {  	v55 =	vadd.s32 $0xFFFFE0C1, v34;
	v10 =	vadd.f32 v10, v16;
	v6 =	vsub.f32 v15, v45;
	v15 =	vld.idx.msk [tilespmem:v51+s14+$0x0], $0xffff;
	[tilespmem:$0x1FEC0] =	vst v2  }
0x354: {  	v34 =	vadd.s32 $0xFFFFE0C2, v34;
	v27 =	vld.idx.msk [tilespmem:v52+s14+$0x0], $0xffff;
	[tilespmem:$0x1FED0] =	vst v0;
	v12 =	vmul.f32 v25, v14;
	v4 =	vadd.f32 v7, v8  }
0x355: {  	v13 =	vsub.f32 v5, v19;
	v2 =	vmul.f32 v14, v6;
	v0 =	vld.idx.msk [tilespmem:v21+s14+$0x0], $0xffff;
	v14 =	vsub.f32 v31, v11  }
0x356: {  	s25 =	simm.s32 $0x400;
	v16 =	vld.idx.msk [tilespmem:v54+s14+$0x0], $0xffff;
	v8 =	vsub.f32 v10, v26;
	v12 =	vadd.f32 v12, v22;
	[tilespmem:$0x1FEB0] =	vst v4  }
0x357: {  	s25 =	sand.u32 $0xC00, s25;
	s26 =	simm.s32 $0x100;
	v10 =	vmul.f32 v13, v29;
	v13 =	vsub.f32 v24, v23;
	v2 =	vadd.f32 v2, v45;
	v21 =	vld.idx.msk [tilespmem:v56+s14+$0x0], $0xffff  }
0x358: {  	s30 =	sand.u32 $0x3FFFFC00, s26;
	s31 =	sshrl.u32 s25, $0x2;
	v8 =	vmul.f32 v8, v1;
	v17 =	vsub.f32 v17, v15;
	v22 =	vld.idx.msk [tilespmem:v55+s14+$0x0], $0xffff  }
0x359: {  	s26 =	sor.u32 s31, s30;
	v14 =	vmul.f32 v9, v14;
	v13 =	vmul.f32 v13, v9;
	v24 =	vld.idx.msk [tilespmem:v34+s14+$0x0], $0xffff;
	v12 =	vsub.f32 v12, v2  }
0x35a: {  	v10 =	vadd.f32 v10, v19;
	v19 =	vld [tilespmem:s26+$0x40F0];
	v9 =	vadd.f32 v8, v26;
	v8 =	vmul.f32 v18, v17  }
0x35b: {  	v1 =	vadd.f32 v14, v11;
	v11 =	vld [tilespmem:s26+$0x4070];
	v13 =	vadd.f32 v13, v23;
	v3 =	vmul.f32 v12, v3  }
0x35c: {  	v14 =	vsub.f32 v0, v27;
	v17 =	vld [tilespmem:s26+$0x4080];
	v0 =	vadd.f32 v8, v15  }
0x35d: {  	v12 =	vld [tilespmem:s26+$0x4090];
	v8 =	vadd.f32 v3, v2;
	v2 =	vsub.f32 v13, v1  }
0x35e: {  	v14 =	vmul.f32 v14, v18;
	v18 =	vld [tilespmem:s26+$0x40A0]  }
0x35f: {  	v25 =	vld [tilespmem:s26+$0x40B0];
	v15 =	vsub.f32 v21, v16;
	v2 =	vmul.f32 v2, v47  }
0x360: {  	v13 =	vmul.f32 $6.400000000e+01, v19;
	v19 =	vsub.f32 v24, v22;
	v11 =	vmul.f32 $6.400000000e+01, v11  }
0x361: {  	v24 =	vld [tilespmem:s26+$0x40C0];
	v14 =	vadd.f32 v14, v27;
	v17 =	vmul.f32 $6.400000000e+01, v17;
	v15 =	vmul.f32 v20, v15;
	[tilespmem:$0x1FE90] =	vst v2  }
0x362: {  	v29 =	vadd.f32 $6.350000000e+01, v13;
	v27 =	vmul.f32 v19, v20;
	v12 =	vmul.f32 $6.400000000e+01, v12;
	v26 =	vld [tilespmem:s26+$0x40D0]  }
0x363: {  	v30 =	vadd.f32 $6.350000000e+01, v11;
	v23 =	vadd.f32 $6.350000000e+01, v17;
	v13 =	vmul.f32 $6.400000000e+01, v18;
	v19 =	vld [tilespmem:s26+$0x40E0]  }
0x364: {  	v18 =	vmul.f32 $6.400000000e+01, v25;
	v2 =	vadd.f32 v15, v16;
	v11 =	vld [tilespmem:s26+$0x4000];
	v15 =	vtrunc.f32 v29  }
0x365: {  	v16 =	vld [tilespmem:s26+$0x4010];
	v21 =	vadd.f32 $6.350000000e+01, v12;
	v12 =	vtrunc.f32 v30;
	v15 =	vcvt.f32.s32 v15  }
0x366: {  	v17 =	vld [tilespmem:s26+$0x4020];
	v25 =	vcvt.f32.s32 v12;
	v20 =	vmul.f32 $6.400000000e+01, v24;
	v12 =	vadd.f32 $6.350000000e+01, v18  }
0x367: {  	v28 =	vld [tilespmem:s26+$0x4030];
	v52 =	vtrunc.f32 v23;
	v53 =	vtrunc.f32 v21  }
0x368: {  	v54 =	vtrunc.f32 v12;
	v34 =	vcvt.f32.s32 v53  }
0x369: {  	v18 =	vld [tilespmem:s26+$0x4040];
	v57 =	vcvt.s32.f32 v25;
	v39 =	vcvt.f32.s32 v54  }
0x36a: {  	v20 =	vadd.f32 $6.350000000e+01, v20;
	v24 =	vmul.f32 $6.400000000e+01, v26;
	v31 =	vmul.f32 $6.400000000e+01, v19  }
0x36b: {  	v49 =	vld [tilespmem:s26+$0x4050];
	v26 =	vshll.u32 v15, $0x7;
	v48 =	vmul.f32 $6.400000000e+01, v11;
	v16 =	vmul.f32 $6.400000000e+01, v16  }
0x36c: {  	v17 =	vmul.f32 $6.400000000e+01, v17;
	v28 =	vmul.f32 $6.400000000e+01, v28;
	v58 =	vshll.u32 v34, $0x7  }
0x36d: {  	v15 =	vcvt.s32.f32 v15;
	v34 =	vcvt.s32.f32 v34;
	v26 =	vadd.s32 v25, v26  }
0x36e: {  	v18 =	vmul.f32 $6.400000000e+01, v18;
	v50 =	vadd.s32 $0xFFFFE041, v26;
	v19 =	vadd.f32 $6.350000000e+01, v24  }
0x36f: {  	v51 =	vadd.s32 $0xFFFFE042, v26;
	v11 =	vadd.f32 $6.350000000e+01, v31;
	v31 =	vadd.s32 $0xFFFFE0C1, v26  }
0x370: {  	v24 =	vld [tilespmem:s26+$0x4060];
	v32 =	vadd.f32 $6.350000000e+01, v48;
	v37 =	vadd.f32 $6.350000000e+01, v28;
	v28 =	vmul.f32 $6.400000000e+01, v49  }
0x371: {  	v26 =	vadd.s32 $0xFFFFE0C2, v26;
	v16 =	vadd.f32 $6.350000000e+01, v16;
	v17 =	vadd.f32 $6.350000000e+01, v17  }
0x372: {  	v40 =	vadd.f32 $6.350000000e+01, v28;
	v28 =	vtrunc.f32 v20;
	v55 =	vtrunc.f32 v19  }
0x373: {  	v22 =	vadd.f32 v27, v22;
	v56 =	vtrunc.f32 v11;
	v59 =	vtrunc.f32 v32  }
0x374: {  	v13 =	vadd.f32 $6.350000000e+01, v13;
	v60 =	vtrunc.f32 v16;
	v61 =	vtrunc.f32 v17  }
0x375: {  	s30 =	simm.s32 $0x0;
	v3 =	vld [tilespmem:$0x1FEA0];
	v38 =	vadd.f32 $6.350000000e+01, v18;
	v63 =	vtrunc.f32 v37;
	v18 =	vmul.f32 $6.400000000e+01, v24  }
0x376: {  	s31 =	simm.s32 $0x0;
	s0 =	sand.u32 $0x1000, s30;
	v30 =	vsub.f32 v30, v57;
	v27 =	vcvt.f32.s32 v28;
	v28 =	vcvt.f32.s32 v55;
	v31 =	vld.idx.msk [tilespmem:v31+s14+$0x0], $0xffff  }
0x377: {  	s0 =	sor.u32 s24, s0;
	s26 =	sand.u32 $0x380, s31;
	v25 =	vcvt.f32.s32 v56;
	v36 =	vcvt.f32.s32 v60;
	v42 =	vadd.f32 $6.350000000e+01, v18;
	v18 =	vld.idx.msk [tilespmem:v26+s14+$0x0], $0xffff  }
0x378: {  	v15 =	vsub.f32 v29, v15;
	s0 =	sor.u32 s26, s0;
	v29 =	vcvt.f32.s32 v61;
	v44 =	vcvt.f32.s32 v63  }
0x379: {  	v34 =	vsub.f32 v21, v34;
	s24 =	sadd.s32 $0xA400, s0;
	v54 =	vtrunc.f32 v40;
	v33 =	vld.idx.msk [tilespmem:v50+s14+$0x0], $0xffff;
	v24 =	vtrunc.f32 v13  }
0x37a: {  	[tilespmem:s24+$0x6070] =	vst v3;
	v35 =	vld.idx.msk [tilespmem:v51+s14+$0x0], $0xffff;
	v53 =	vshll.u32 v27, $0x7;
	v55 =	vshll.u32 v28, $0x7;
	v45 =	vcvt.f32.s32 v54  }
0x37b: {  	v3 =	vld [tilespmem:$0x1FEB0];
	[tilespmem:s24+$0x6030] =	vst v8;
	v57 =	vshll.u32 v25, $0x7;
	v8 =	vcvt.s32.f32 v27;
	v43 =	vcvt.f32.s32 v24  }
0x37c: {  	v24 =	vsub.f32 v14, v0;
	v26 =	vcvt.f32.s32 v52;
	v18 =	vsub.f32 v18, v31  }
0x37d: {  	v52 =	vshll.u32 v39, $0x7;
	v39 =	vcvt.s32.f32 v39;
	v8 =	vsub.f32 v20, v8  }
0x37e: {  	v62 =	vshll.u32 v43, $0x7;
	v48 =	vadd.s32 v44, v52;
	v18 =	vmul.f32 v18, v30  }
0x37f: {  	v14 =	vshll.u32 v26, $0x7;
	v56 =	vtrunc.f32 v42;
	v35 =	vsub.f32 v35, v33  }
0x380: {  	v46 =	vadd.s32 v29, v62;
	v18 =	vadd.f32 v18, v31;
	v31 =	vcvt.f32.s32 v59  }
0x381: {  	v60 =	vadd.s32 $0xFFFFE0C1, v48;
	v41 =	vcvt.f32.s32 v56;
	v35 =	vmul.f32 v30, v35  }
0x382: {  	v61 =	vadd.s32 $0xFFFFE042, v48;
	v56 =	vadd.s32 $0xFFFFE041, v46;
	v14 =	vadd.s32 v31, v14  }
0x383: {  	v47 =	vadd.s32 v41, v57;
	v33 =	vadd.f32 v35, v33;
	v49 =	vadd.s32 $0xFFFFE041, v14  }
0x384: {  	v57 =	vadd.s32 $0xFFFFE0C1, v46;
	v41 =	vcvt.s32.f32 v41;
	v51 =	vadd.s32 $0xFFFFE042, v14  }
0x385: {  	v30 =	vtrunc.f32 v38;
	v18 =	vsub.f32 v18, v33;
	v50 =	vadd.s32 $0xFFFFE0C1, v14  }
0x386: {  	[tilespmem:s24+$0x6010] =	vst v10;
	v35 =	vadd.s32 v45, v55;
	v10 =	vsub.f32 v42, v41;
	v14 =	vadd.s32 $0xFFFFE0C2, v14  }
0x387: {  	s30 =	simm.s32 $0x80;
	v56 =	vld.idx.msk [tilespmem:v56+s14+$0x0], $0xffff;
	v15 =	vmul.f32 v18, v15;
	v18 =	vadd.s32 v36, v58;
	v58 =	vadd.s32 $0xFFFFE042, v46  }
0x388: {  	s31 =	simm.s32 $0x20;
	[tilespmem:s0+$0x10400] =	vst v3;
	s0 =	sand.u32 $0x1000, s30;
	v30 =	vcvt.f32.s32 v30;
	v6 =	vadd.s32 $0xFFFFE042, v35;
	v59 =	vadd.s32 $0xFFFFE041, v48;
	v49 =	vld.idx.msk [tilespmem:v49+s14+$0x0], $0xffff  }
0x389: {  	s26 =	sand.u32 $0x380, s31;
	s0 =	sor.u32 s25, s0;
	v46 =	vadd.s32 $0xFFFFE0C2, v46;
	v36 =	vcvt.s32.f32 v36;
	v52 =	vadd.s32 $0xFFFFE041, v18;
	v51 =	vld.idx.msk [tilespmem:v51+s14+$0x0], $0xffff  }
0x38a: {  	s29 =	sor.u32 s26, s0;
	v54 =	vadd.s32 $0xFFFFE042, v18;
	v55 =	vadd.s32 $0xFFFFE0C2, v18;
	v33 =	vadd.f32 v15, v33;
	v50 =	vld.idx.msk [tilespmem:v50+s14+$0x0], $0xffff  }
0x38b: {  	[tilespmem:s24+$0x6020] =	vst v9;
	s28 =	sadd.s32 $0xA400, s29;
	v15 =	vadd.s32 v30, v53;
	v53 =	vadd.s32 $0xFFFFE0C1, v18;
	v18 =	vcvt.s32.f32 v31;
	v4 =	vld.idx.msk [tilespmem:v14+s14+$0x0], $0xffff  }
0x38c: {  	v36 =	vsub.f32 v16, v36;
	v62 =	vadd.s32 $0xFFFFE041, v15;
	v31 =	vadd.s32 $0xFFFFE0C1, v15;
	[tilespmem:s28+$0x6070] =	vst v33;
	v58 =	vld.idx.msk [tilespmem:v58+s14+$0x0], $0xffff  }
0x38d: {  	v63 =	vadd.s32 $0xFFFFE042, v15;
	v7 =	vadd.s32 $0xFFFFE0C2, v15;
	v15 =	vcvt.s32.f32 v29;
	v3 =	vld [tilespmem:$0x1FEC0]  }
0x38e: {  	v16 =	vcvt.s32.f32 v30;
	v29 =	vsub.f32 v32, v18;
	v14 =	vcvt.s32.f32 v44;
	v52 =	vld.idx.msk [tilespmem:v52+s14+$0x0], $0xffff  }
0x38f: {  	v18 =	vadd.s32 $0xFFFFE041, v47;
	v5 =	vsub.f32 v17, v15;
	v15 =	vadd.s32 $0xFFFFE0C1, v47;
	v54 =	vld.idx.msk [tilespmem:v54+s14+$0x0], $0xffff  }
0x390: {  	v17 =	vadd.s32 $0xFFFFE042, v47;
	v37 =	vsub.f32 v37, v14;
	v14 =	vadd.s32 $0xFFFFE0C2, v47;
	v47 =	vld.idx.msk [tilespmem:v53+s14+$0x0], $0xffff  }
0x391: {  	v30 =	vcvt.s32.f32 v45;
	v53 =	vsub.f32 v22, v2;
	v45 =	vsub.f32 v51, v49;
	v51 =	vld.idx.msk [tilespmem:v55+s14+$0x0], $0xffff  }
0x392: {  	v48 =	vadd.s32 $0xFFFFE0C2, v48;
	v22 =	vsub.f32 v38, v16;
	v38 =	vld.idx.msk [tilespmem:v57+s14+$0x0], $0xffff;
	v4 =	vsub.f32 v4, v50  }
0x393: {  	v32 =	vadd.s32 $0xFFFFE041, v35;
	v16 =	vsub.f32 v40, v30;
	v30 =	vld.idx.msk [tilespmem:v46+s14+$0x0], $0xffff;
	v55 =	vcvt.s32.f32 v26  }
0x394: {  	v27 =	vld.idx.msk [tilespmem:v62+s14+$0x0], $0xffff;
	v26 =	vmul.f32 v29, v45;
	v4 =	vmul.f32 v4, v29;
	v29 =	vsub.f32 v54, v52  }
0x395: {  	v44 =	vadd.s32 $0xFFFFE0C1, v35;
	v35 =	vadd.s32 $0xFFFFE0C2, v35;
	v9 =	vsub.f32 v23, v55;
	v55 =	vld.idx.msk [tilespmem:v61+s14+$0x0], $0xffff  }
0x396: {  	v40 =	vcvt.s32.f32 v43;
	v23 =	vld.idx.msk [tilespmem:v60+s14+$0x0], $0xffff;
	v29 =	vmul.f32 v36, v29;
	v54 =	vsub.f32 v51, v47  }
0x397: {  	v57 =	vcvt.s32.f32 v28;
	v26 =	vadd.f32 v26, v49;
	v49 =	vld.idx.msk [tilespmem:v59+s14+$0x0], $0xffff;
	v4 =	vadd.f32 v4, v50  }
0x398: {  	v58 =	vsub.f32 v58, v56;
	v59 =	vld.idx.msk [tilespmem:v48+s14+$0x0], $0xffff;
	v21 =	vadd.f32 v29, v52;
	v29 =	vmul.f32 v54, v36  }
0x399: {  	v62 =	vld.idx.msk [tilespmem:v63+s14+$0x0], $0xffff;
	v28 =	vsub.f32 v13, v40;
	v60 =	vcvt.s32.f32 v25;
	v4 =	vsub.f32 v4, v26  }
0x39a: {  	v13 =	vld.idx.msk [tilespmem:v31+s14+$0x0], $0xffff;
	v25 =	vmul.f32 v5, v58;
	v30 =	vsub.f32 v30, v38;
	v61 =	vadd.f32 v29, v47  }
0x39b: {  	v29 =	vmul.f32 v4, v9;
	v9 =	vsub.f32 v12, v39;
	v12 =	vmul.f32 v24, v3;
	v3 =	vld [tilespmem:$0x1FED0]  }
0x39c: {  	v20 =	vld.idx.msk [tilespmem:v32+s14+$0x0], $0xffff;
	v25 =	vadd.f32 v25, v56;
	v5 =	vmul.f32 v30, v5;
	v31 =	vsub.f32 v55, v49  }
0x39d: {  	v30 =	vld.idx.msk [tilespmem:v7+s14+$0x0], $0xffff;
	v63 =	vsub.f32 v59, v23;
	v7 =	vsub.f32 v61, v21  }
0x39e: {  	v32 =	vadd.f32 v5, v38;
	v4 =	vsub.f32 v19, v57;
	v19 =	vld.idx.msk [tilespmem:v6+s14+$0x0], $0xffff;
	v24 =	vmul.f32 v37, v31  }
0x39f: {  	v5 =	vsub.f32 v11, v60;
	v33 =	vmul.f32 v63, v37;
	v31 =	vmul.f32 v7, v34;
	v7 =	vld.idx.msk [tilespmem:v44+s14+$0x0], $0xffff  }
0x3a0: {  	s25 =	simm.s32 $0x8;
	s26 =	simm.s32 $0x2;
	v6 =	vadd.f32 v24, v49;
	v34 =	vsub.f32 v62, v27;
	v24 =	vld.idx.msk [tilespmem:v35+s14+$0x0], $0xffff;
	v11 =	vmul.f32 v53, v3  }
.LBB2_8:
0x3a1: {  	v18 =	vld.idx.msk [tilespmem:v18+s14+$0x0], $0xffff  }
0x3a2: {  	v17 =	vld.idx.msk [tilespmem:v17+s14+$0x0], $0xffff  }
0x3a3: {  	s25 =	sadd.s32 $0x8, s25;
	s0 =	sshll.u32 s26, $0xA;
	v26 =	vadd.f32 v29, v26;
	v15 =	vld.idx.msk [tilespmem:v15+s14+$0x0], $0xffff  }
0x3a4: {  	v3 =	vld [tilespmem:$0x1FE90];
	v12 =	vadd.f32 v12, v0;
	v29 =	vsub.f32 v32, v25;
	s31 =	sshll.u32 s25, $0x5;
	s30 =	sand.u32 $0xC00, s0  }
0x3a5: {  	v14 =	vld.idx.msk [tilespmem:v14+s14+$0x0], $0xffff;
	v23 =	vadd.f32 v33, v23;
	v21 =	vadd.f32 v31, v21;
	s0 =	sand.u32 $0x3FFFFC00, s31;
	s31 =	sshrl.u32 s30, $0x2  }
0x3a6: {  	v2 =	vadd.f32 v11, v2;
	[tilespmem:s29+$0x10400] =	vst v26;
	v28 =	vmul.f32 v29, v28;
	s31 =	sor.u32 s31, s0;
	v30 =	vsub.f32 v30, v13  }
0x3a7: {  	v49 =	vmul.f32 v22, v34;
	v23 =	vsub.f32 v23, v6;
	[tilespmem:s28+$0x6010] =	vst v21;
	v19 =	vsub.f32 v19, v20;
	v26 =	vld [tilespmem:s31+$0x4070]  }
0x3a8: {  	v21 =	vsub.f32 v24, v7;
	v11 =	vld [tilespmem:s31+$0x4090];
	v25 =	vadd.f32 v28, v25;
	v22 =	vmul.f32 v30, v22  }
0x3a9: {  	v3 =	vadd.f32 v3, v1;
	v1 =	vadd.f32 v49, v27;
	v27 =	vld [tilespmem:s31+$0x40F0];
	v19 =	vmul.f32 v16, v19  }
0x3aa: {  	v17 =	vsub.f32 v17, v18;
	v16 =	vmul.f32 v21, v16;
	[tilespmem:s28+$0x6020] =	vst v25;
	v13 =	vadd.f32 v22, v13;
	v22 =	vld [tilespmem:s31+$0x4080]  }
0x3ab: {  	[tilespmem:s24+$0x6050] =	vst v12;
	v9 =	vmul.f32 v23, v9;
	v0 =	vadd.f32 v19, v20;
	v19 =	vld [tilespmem:s31+$0x40A0]  }
0x3ac: {  	v12 =	vmul.f32 v10, v17;
	v17 =	vadd.f32 v16, v7;
	v7 =	vld [tilespmem:s31+$0x40D0]  }
0x3ad: {  	[tilespmem:s24+$0x6040] =	vst v3;
	v3 =	vadd.f32 v9, v6;
	v16 =	vld [tilespmem:s31+$0x4010]  }
0x3ae: {  	[tilespmem:s24+$0x6060] =	vst v2;
	s24 =	smov.u32 s28;
	v20 =	vld [tilespmem:s31+$0x40B0];
	v2 =	vmul.f32 $6.400000000e+01, v26;
	v6 =	vsub.f32 v13, v1;
	v13 =	vsub.f32 v14, v15  }
0x3af: {  	[tilespmem:s24+$0x6030] =	vst v3;
	v9 =	vmul.f32 $6.400000000e+01, v27;
	v14 =	vld [tilespmem:s31+$0x40C0]  }
0x3b0: {  	v21 =	vld [tilespmem:s31+$0x4030];
	v51 =	vadd.f32 $6.350000000e+01, v2;
	v3 =	vmul.f32 v6, v8;
	v24 =	vmul.f32 v13, v10  }
0x3b1: {  	v50 =	vadd.f32 $6.350000000e+01, v9;
	v8 =	vmul.f32 $6.400000000e+01, v11;
	v6 =	vmul.f32 $6.400000000e+01, v22  }
0x3b2: {  	v2 =	vadd.f32 v12, v18;
	v7 =	vmul.f32 $6.400000000e+01, v7;
	v16 =	vmul.f32 $6.400000000e+01, v16  }
0x3b3: {  	v9 =	vtrunc.f32 v50;
	v12 =	vadd.f32 $6.350000000e+01, v8;
	v8 =	vtrunc.f32 v51  }
0x3b4: {  	v10 =	vld [tilespmem:s31+$0x40E0];
	v13 =	vadd.f32 $6.350000000e+01, v6;
	v6 =	vmul.f32 $6.400000000e+01, v19;
	v18 =	vcvt.f32.s32 v9  }
0x3b5: {  	v11 =	vld [tilespmem:s31+$0x4000];
	v14 =	vmul.f32 $6.400000000e+01, v14;
	v7 =	vadd.f32 $6.350000000e+01, v7;
	v21 =	vmul.f32 $6.400000000e+01, v21  }
0x3b6: {  	v19 =	vld [tilespmem:s31+$0x4020];
	v9 =	vadd.f32 $6.350000000e+01, v6;
	v6 =	vmul.f32 $6.400000000e+01, v20;
	v20 =	vcvt.f32.s32 v8  }
0x3b7: {  	v41 =	vadd.f32 v24, v15;
	v31 =	vtrunc.f32 v13;
	v38 =	vtrunc.f32 v7  }
0x3b8: {  	v22 =	vshll.u32 v18, $0x7;
	v18 =	vcvt.s32.f32 v18;
	v31 =	vcvt.f32.s32 v31  }
0x3b9: {  	v8 =	vadd.f32 $6.350000000e+01, v6;
	v6 =	vmul.f32 $6.400000000e+01, v10;
	v10 =	vadd.s32 v20, v22  }
0x3ba: {  	v23 =	vld [tilespmem:s31+$0x4040];
	v22 =	vmul.f32 $6.400000000e+01, v11;
	v11 =	vadd.f32 $6.350000000e+01, v14;
	v25 =	vadd.s32 $0xFFFFE041, v10  }
0x3bb: {  	v28 =	vadd.s32 $0xFFFFE042, v10;
	v19 =	vmul.f32 $6.400000000e+01, v19;
	v29 =	vadd.s32 $0xFFFFE0C1, v10  }
0x3bc: {  	v27 =	vld [tilespmem:s31+$0x4060];
	v30 =	vadd.s32 $0xFFFFE0C2, v10;
	v15 =	vshll.u32 v31, $0x7;
	v6 =	vadd.f32 $6.350000000e+01, v6  }
0x3bd: {  	v14 =	vld [tilespmem:s31+$0x4050];
	v31 =	vcvt.s32.f32 v31;
	v26 =	vadd.f32 $6.350000000e+01, v22;
	v22 =	vadd.f32 $6.350000000e+01, v16  }
0x3be: {  	v16 =	vadd.f32 $6.350000000e+01, v21;
	v36 =	vtrunc.f32 v8;
	v37 =	vtrunc.f32 v11  }
0x3bf: {  	v10 =	vadd.f32 $6.350000000e+01, v19;
	v19 =	vmul.f32 $6.400000000e+01, v23;
	v24 =	vcvt.f32.s32 v37  }
0x3c0: {  	v41 =	vsub.f32 v41, v2;
	v40 =	vtrunc.f32 v6;
	v54 =	vtrunc.f32 v26  }
0x3c1: {  	v18 =	vsub.f32 v50, v18;
	v55 =	vtrunc.f32 v22;
	v42 =	vtrunc.f32 v16  }
0x3c2: {  	v14 =	vmul.f32 $6.400000000e+01, v14;
	v21 =	vadd.f32 $6.350000000e+01, v19;
	v19 =	vmul.f32 $6.400000000e+01, v27;
	v52 =	vld.idx.msk [tilespmem:v25+s14+$0x0], $0xffff  }
0x3c3: {  	v13 =	vsub.f32 v13, v31;
	v27 =	vtrunc.f32 v9;
	v57 =	vtrunc.f32 v10;
	v35 =	vld.idx.msk [tilespmem:v28+s14+$0x0], $0xffff  }
0x3c4: {  	v44 =	vshll.u32 v24, $0x7;
	v33 =	vcvt.f32.s32 v55;
	v25 =	vtrunc.f32 v12;
	v39 =	vld.idx.msk [tilespmem:v30+s14+$0x0], $0xffff  }
0x3c5: {  	v27 =	vcvt.f32.s32 v27;
	v32 =	vcvt.f32.s32 v57;
	v23 =	vadd.f32 $6.350000000e+01, v14;
	v14 =	vld.idx.msk [tilespmem:v29+s14+$0x0], $0xffff  }
0x3c6: {  	v28 =	vadd.f32 $6.350000000e+01, v19;
	v30 =	vcvt.f32.s32 v25;
	v29 =	vcvt.f32.s32 v36  }
0x3c7: {  	v19 =	vsub.f32 v17, v0;
	v17 =	vcvt.s32.f32 v20;
	v25 =	vcvt.f32.s32 v38  }
0x3c8: {  	v20 =	vcvt.f32.s32 v40;
	v59 =	vtrunc.f32 v21;
	v58 =	vshll.u32 v27, $0x7  }
0x3c9: {  	v38 =	vcvt.f32.s32 v59;
	v17 =	vsub.f32 v51, v17;
	v35 =	vsub.f32 v35, v52  }
0x3ca: {  	v53 =	vshll.u32 v30, $0x7;
	v45 =	vtrunc.f32 v23;
	v56 =	vsub.f32 v39, v14  }
0x3cb: {  	v43 =	vshll.u32 v29, $0x7;
	v60 =	vtrunc.f32 v28;
	v35 =	vmul.f32 v17, v35  }
0x3cc: {  	v61 =	vshll.u32 v20, $0x7;
	v40 =	vadd.s32 v32, v58;
	v17 =	vmul.f32 v56, v17  }
0x3cd: {  	v32 =	vcvt.s32.f32 v32;
	v34 =	vadd.f32 v35, v52;
	v35 =	vcvt.f32.s32 v54  }
0x3ce: {  	v36 =	vcvt.f32.s32 v45;
	v37 =	vcvt.f32.s32 v60;
	v14 =	vadd.f32 v17, v14  }
0x3cf: {  	v62 =	vadd.s32 v38, v44;
	v51 =	vadd.s32 $0xFFFFE041, v40;
	v15 =	vadd.s32 v35, v15  }
0x3d0: {  	v57 =	vadd.s32 $0xFFFFE041, v62;
	v14 =	vsub.f32 v14, v34;
	v63 =	vadd.s32 $0xFFFFE041, v15  }
0x3d1: {  	v58 =	vadd.s32 $0xFFFFE0C1, v62;
	v52 =	vadd.s32 $0xFFFFE0C1, v40;
	v46 =	vadd.s32 $0xFFFFE042, v15  }
0x3d2: {  	s31 =	sshll.u32 s25, $0x4;
	v35 =	vcvt.s32.f32 v35;
	v45 =	vadd.s32 $0xFFFFE0C1, v15;
	v14 =	vmul.f32 v14, v18  }
0x3d3: {  	s28 =	sshll.u32 s25, $0x2;
	s0 =	sand.u32 $0x1000, s31;
	v18 =	vadd.s32 v33, v53;
	v53 =	vadd.s32 $0xFFFFE042, v40;
	v40 =	vadd.s32 $0xFFFFE0C2, v40  }
0x3d4: {  	s28 =	sand.u32 $0x380, s28;
	s0 =	sor.u32 s30, s0;
	v59 =	vadd.s32 $0xFFFFE042, v62;
	v39 =	vcvt.f32.s32 v42;
	v47 =	vadd.s32 $0xFFFFE041, v18  }
0x3d5: {  	s29 =	sor.u32 s28, s0;
	v35 =	vsub.f32 v26, v35;
	v48 =	vadd.s32 $0xFFFFE0C1, v18;
	v14 =	vadd.f32 v14, v34;
	v44 =	vld.idx.msk [tilespmem:v63+s14+$0x0], $0xffff  }
0x3d6: {  	s28 =	sadd.s32 $0xA400, s29;
	v26 =	vcvt.s32.f32 v38;
	v33 =	vcvt.s32.f32 v33;
	v50 =	vadd.s32 $0xFFFFE0C2, v18;
	v46 =	vld.idx.msk [tilespmem:v46+s14+$0x0], $0xffff  }
0x3d7: {  	v17 =	vshll.u32 v25, $0x7;
	v49 =	vadd.s32 $0xFFFFE042, v18;
	v45 =	vld.idx.msk [tilespmem:v45+s14+$0x0], $0xffff;
	[tilespmem:s28+$0x6070] =	vst v14;
	v14 =	vadd.s32 $0xFFFFE0C2, v15  }
0x3d8: {  	v33 =	vsub.f32 v22, v33;
	v22 =	vsub.f32 v21, v26;
	v21 =	vcvt.s32.f32 v30;
	v30 =	vld.idx.msk [tilespmem:v40+s14+$0x0], $0xffff  }
0x3d9: {  	v42 =	vadd.s32 v37, v61;
	v43 =	vadd.s32 v39, v43;
	v17 =	vadd.s32 v36, v17;
	v47 =	vld.idx.msk [tilespmem:v47+s14+$0x0], $0xffff  }
0x3da: {  	v37 =	vcvt.s32.f32 v37;
	v54 =	vadd.s32 $0xFFFFE041, v43;
	v60 =	vadd.s32 $0xFFFFE041, v17;
	v48 =	vld.idx.msk [tilespmem:v48+s14+$0x0], $0xffff  }
0x3db: {  	v61 =	vadd.s32 $0xFFFFE0C1, v17;
	v18 =	vadd.s32 $0xFFFFE041, v42;
	v38 =	vsub.f32 v46, v44;
	v46 =	vld.idx.msk [tilespmem:v50+s14+$0x0], $0xffff  }
0x3dc: {  	[tilespmem:$0x1FE90] =	vst v3;
	v34 =	vadd.s32 $0xFFFFE0C2, v62;
	v62 =	vadd.s32 $0xFFFFE042, v17;
	v63 =	vadd.s32 $0xFFFFE0C2, v17;
	v3 =	vld.idx.msk [tilespmem:v14+s14+$0x0], $0xffff  }
0x3dd: {  	v17 =	vadd.s32 $0xFFFFE042, v42;
	v15 =	vadd.s32 $0xFFFFE0C1, v42;
	v14 =	vadd.s32 $0xFFFFE0C2, v42;
	v42 =	vld.idx.msk [tilespmem:v49+s14+$0x0], $0xffff  }
0x3de: {  	v27 =	vcvt.s32.f32 v27;
	v32 =	vsub.f32 v10, v32;
	v39 =	vcvt.s32.f32 v39;
	v50 =	vld.idx.msk [tilespmem:v53+s14+$0x0], $0xffff  }
0x3df: {  	v10 =	vsub.f32 v28, v37;
	v56 =	vadd.s32 $0xFFFFE042, v43;
	v36 =	vcvt.s32.f32 v36;
	v49 =	vld.idx.msk [tilespmem:v51+s14+$0x0], $0xffff  }
0x3e0: {  	v55 =	vadd.s32 $0xFFFFE0C1, v43;
	v43 =	vadd.s32 $0xFFFFE0C2, v43;
	v39 =	vsub.f32 v16, v39;
	v51 =	vld.idx.msk [tilespmem:v52+s14+$0x0], $0xffff  }
0x3e1: {  	v31 =	vcvt.s32.f32 v29;
	v16 =	vsub.f32 v23, v36;
	v52 =	vld.idx.msk [tilespmem:v54+s14+$0x0], $0xffff;
	v54 =	vsub.f32 v12, v21  }
0x3e2: {  	v38 =	vmul.f32 v35, v38;
	v3 =	vsub.f32 v3, v45;
	v23 =	vsub.f32 v42, v47  }
0x3e3: {  	v12 =	vcvt.s32.f32 v24;
	v24 =	vcvt.s32.f32 v25;
	v29 =	vsub.f32 v46, v48  }
0x3e4: {  	v53 =	vld.idx.msk [tilespmem:v56+s14+$0x0], $0xffff;
	v26 =	vadd.f32 v38, v44;
	v3 =	vmul.f32 v3, v35;
	v28 =	vmul.f32 v33, v23  }
0x3e5: {  	v56 =	vld.idx.msk [tilespmem:v43+s14+$0x0], $0xffff;
	v30 =	vsub.f32 v30, v51;
	v25 =	vmul.f32 v29, v33;
	v29 =	vsub.f32 v50, v49  }
0x3e6: {  	v23 =	vld.idx.msk [tilespmem:v55+s14+$0x0], $0xffff;
	v3 =	vadd.f32 v3, v45;
	v21 =	vadd.f32 v28, v47  }
0x3e7: {  	v28 =	vsub.f32 v9, v27;
	v27 =	vld.idx.msk [tilespmem:v57+s14+$0x0], $0xffff;
	v57 =	vcvt.s32.f32 v20;
	v20 =	vadd.f32 v25, v48  }
0x3e8: {  	v59 =	vld.idx.msk [tilespmem:v59+s14+$0x0], $0xffff;
	v25 =	vmul.f32 v32, v29;
	v9 =	vsub.f32 v8, v31;
	v3 =	vsub.f32 v3, v26  }
0x3e9: {  	p0 =	slt.u32 s25, $0x1F8;
	v8 =	vsub.f32 v11, v12;
	v11 =	vsub.f32 v53, v52;
	v12 =	vmul.f32 v19, v4;
	v19 =	vld.idx.msk [tilespmem:v62+s14+$0x0], $0xffff  }
.Ltmp3:
0x3ea: {  	v4 =	vsub.f32 v7, v24;
	v7 =	vld.idx.msk [tilespmem:v61+s14+$0x0], $0xffff;
	v29 =	vmul.f32 v3, v13;
	v3 =	vmul.f32 v30, v32;
	(pc) =	sbr.rel @p0 .LBB2_8-.Ltmp3, $4  }
0x3eb: {  	v31 =	vsub.f32 v20, v21;
	v20 =	vld.idx.msk [tilespmem:v60+s14+$0x0], $0xffff;
	v24 =	vsub.f32 v56, v23  }
0x3ec: {  	v25 =	vadd.f32 v25, v49;
	v13 =	vld.idx.msk [tilespmem:v58+s14+$0x0], $0xffff;
	v32 =	vadd.f32 v3, v51;
	v3 =	vmul.f32 v39, v11  }
0x3ed: {  	v30 =	vld.idx.msk [tilespmem:v34+s14+$0x0], $0xffff;
	v31 =	vmul.f32 v31, v54;
	v33 =	vmul.f32 v24, v39;
	v34 =	vsub.f32 v59, v27  }
0x3ee: {  	s26 =	sadd.s32 $0x1, s26;
	v24 =	vld.idx.msk [tilespmem:v63+s14+$0x0], $0xffff;
	v11 =	vmul.f32 v41, v5;
	v5 =	vsub.f32 v6, v57;
	v6 =	vadd.f32 v3, v52  }
0x3ef: {  	_ =	sdelay $0x3  }
0x3f0: {  	v3 =	vld.idx.msk [tilespmem:v18+s14+$0x0], $0xffff  }
0x3f1: {  	v17 =	vld.idx.msk [tilespmem:v17+s14+$0x0], $0xffff  }
0x3f2: {  	v15 =	vld.idx.msk [tilespmem:v15+s14+$0x0], $0xffff  }
0x3f3: {  	v49 =	vadd.f32 v29, v26;
	v50 =	vsub.f32 v32, v25;
	v14 =	vld.idx.msk [tilespmem:v14+s14+$0x0], $0xffff  }
0x3f4: {  	v23 =	vadd.f32 v33, v23;
	v21 =	vadd.f32 v31, v21  }
0x3f5: {  	v51 =	vmul.f32 v22, v34;
	v0 =	vadd.f32 v12, v0;
	v30 =	vsub.f32 v30, v13  }
0x3f6: {  	v19 =	vsub.f32 v19, v20;
	v2 =	vadd.f32 v11, v2  }
0x3f7: {  	v27 =	vadd.f32 v51, v27;
	v24 =	vsub.f32 v24, v7;
	v53 =	vmul.f32 v30, v22  }
0x3f8: {  	v19 =	vmul.f32 v16, v19;
	v17 =	vsub.f32 v17, v3;
	v14 =	vsub.f32 v14, v15  }
0x3f9: {  	v52 =	vld [tilespmem:$0x1FE90];
	v23 =	vsub.f32 v23, v6;
	v56 =	vmul.f32 v24, v16;
	v55 =	vadd.f32 v53, v13  }
0x3fa: {  	v19 =	vadd.f32 v19, v20;
	v17 =	vmul.f32 v10, v17;
	v57 =	vmul.f32 v14, v10  }
0x3fb: {  	v26 =	vmul.f32 v50, v28;
	[tilespmem:s29+$0x10400] =	vst v49;
	v58 =	vadd.f32 v56, v7;
	v13 =	vsub.f32 v55, v27  }
0x3fc: {  	[tilespmem:s28+$0x6010] =	vst v21;
	v3 =	vadd.f32 v17, v3;
	v10 =	vadd.f32 v57, v15  }
0x3fd: {  	[tilespmem:s24+$0x6050] =	vst v0;
	v54 =	vadd.f32 v26, v25;
	v9 =	vmul.f32 v23, v9;
	v7 =	vsub.f32 v58, v19  }
0x3fe: {  	[tilespmem:s24+$0x6060] =	vst v2;
	v1 =	vadd.f32 v52, v1;
	v59 =	vmul.f32 v13, v8;
	v60 =	vsub.f32 v10, v3  }
0x3ff: {  	[tilespmem:s28+$0x6020] =	vst v54;
	v61 =	vadd.f32 v9, v6;
	v62 =	vmul.f32 v7, v4  }
0x400: {  	[tilespmem:s24+$0x6040] =	vst v1;
	v63 =	vmul.f32 v60, v5;
	v1 =	vadd.f32 v59, v27  }
0x401: {  	[tilespmem:s28+$0x6030] =	vst v61;
	v0 =	vadd.f32 v62, v19  }
0x402: {  	v2 =	vadd.f32 v63, v3;
	[tilespmem:s28+$0x6040] =	vst v1  }
0x403: {  	[tilespmem:s28+$0x6050] =	vst v0  }
0x404: {  	[tilespmem:s28+$0x6060] =	vst v2  }
0x405: {  	[hbm4b:s11+s2] =	stream.linear.scatter [tilespmem:s21], [sflag:$0x3], $0x2000, $0x38;
	[tilespmem:$0x12400] =	vst v63  }
0x406: {  	_ =	swait.ge [sflag:s22], $0x2000  }
0x407: {  	[sflag:s22] =	ssyncset.done $0x0  }
0x408: {  	[sflag:s22] =	ssyncadd.s32 $0xFFFFE000  }
0x409: {  	_ =	swait.ge [sflag:s22], $0x2000  }
0x40a: {  	[sflag:s22] =	ssyncset.done $0x0  }
0x40b: {  	s23 =	sadd.s32 $0x1, s23;
	[sflag:s22] =	ssyncadd.s32 $0xFFFFE000  }
0x40c: {  	p0 =	sne.s32 s23, s12;
	_ =	swait.ge [sflag:s22], $0x2000  }
.Ltmp4:
0x40d: {  	[sflag:s22] =	ssyncset.done $0x0;
	(pc) =	sbr.rel @p0 .LBB2_1-.Ltmp4, $4  }
0x40e: {  	[sflag:s22] =	ssyncadd.s32 $0xFFFFE000  }
0x40f: {  	_ =	swait.ge [sflag:s22], $0x2000  }
0x410: {  	[sflag:s22] =	ssyncset.done $0x0  }
0x411: {  	[sflag:s22] =	ssyncadd.s32 $0xFFFFE000  }
0x412: {  	_ =	sfence.sel $0x180000  }
0x413: {  	[bflag:$0x0] =	sbarrier.arrive $0xFFFF  }
0x414: {  	_ =	strace $0x90000047  }
0x415: {  	[bflag:$0x2] =	sbarrier.arrive $0xFFFF  }
0x416: {  	p0 =	sne.s32 s1, $0x0;
	s0 =	rddreg [dreg:$0x3]  }
0x417: {  	s0 =	sadd.s32 @!p0 $0x100000, s0  }
0x418: {  	[sflag:s0] =	ssyncadd.tile.s32 @!p0 $0x1;
	_ =	shalt  }
.Lfunc_end2:
_tile_overlayer_lowered:
.L_overlay_start_2:
0x419: {  	(tag) =	ssettag $0x2  }
0x41a: {  	s0 =	rddreg [dreg:$0x0];
	s2 =	stileid.u32  }
0x41b: {  	s1 =	rddreg [dreg:$0x1];
	p0 =	sne.s32 s2, $0x0  }
0x41c: {  	s3 =	rddreg [dreg:$0x2];
	[bflag:$0x3] =	sbarrier.arrive $0xFFFF;
	s2 =	simm.s32 @!p0 $0x1C04  }
0x41d: {  	[timem:s3], [sflag:s2] =	dma.local @!p0 [hbm:s0], s1  }
0x41e: {  	s0 =	simm.s32 @!p0 $0x4  }
0x41f: {  	_ =	swait.ge @!p0 [sflag:s0], s1  }
0x420: {  	s1 =	ssub.s32 @!p0 $0x0, s1;
	[sflag:s0] =	ssyncset.done @!p0 $0x0  }
0x421: {  	[sflag:s0] =	ssyncadd.s32 @!p0 s1  }
0x422: {  	[bflag:$0x3] =	sbarrier.arrive $0xFFFF  }
0x423: {  	_ =	shalt  }

</sc_bundles>
